<compile_context>
chip_gen: v7x
topology: tpu7x:2x2x1
jax: 0.10.2.dev20260603
libtpu: 0.0.44.dev20260713+nightly
codegen_flags: <defaults>
</compile_context>

<pallas_src>
import functools

import jax
import jax.numpy as jnp
from jax import lax
from jax.experimental import pallas as pl
from jax.experimental.pallas import tpu as pltpu
from jax.experimental.pallas import tpu_sc as plsc

f32 = jnp.float32

N = 10000
E = 320000
F_IN = 128
F_HID = 256
F_OUT = 128
FH = F_HID // 2

NC = 2
NS = 16
W = 100
NWIN = E // NS // W
CH = 40
NCHUNK = NWIN // CH
DWIN = NWIN // NC
CHD = 25
DCHUNK = DWIN // CHD
NPAD = 10240
SLAB = NPAD // NS
PSLAB = 624
PTAIL = N - NS * PSLAB


@functools.lru_cache(maxsize=None)
def _sc_mesh():
    return plsc.VectorSubcoreMesh(
        core_axis_name="c", subcore_axis_name="s", num_cores=NC, num_subcores=NS
    )


def _pipelined_windows(hs_hbm, acc, rowv, colv, bufs, gsems, ssems, nwin):
    assert nwin % 3 == 1

    def g_start(u, b, sem):
        return pltpu.async_copy(hs_hbm.at[rowv.at[u]], bufs[b], gsems[sem])

    def g_wait(u, b, sem):
        pltpu.make_async_copy(hs_hbm.at[rowv.at[u]], bufs[b],
                              gsems[sem]).wait()

    def s_start(u, b, sem):
        return pltpu.async_copy(bufs[b], acc.at[colv.at[u]], ssems[sem],
                                add=True)

    def s_wait(u, b, sem):
        pltpu.make_async_copy(bufs[b], acc.at[colv.at[u]], ssems[sem]).wait()

    g_start(0, 0, 0)
    g_start(1, 1, 1)

    def slot(u, b):
        bn = (b + 2) % 3
        g_wait(u, b, b)
        s_start(u, b, b)

        @pl.when(u >= 1)
        def _():
            s_wait(jnp.maximum(u - 1, 0), bn, bn)

        @pl.when(u + 2 < nwin)
        def _():
            g_start(jnp.minimum(u + 2, nwin - 1), bn, bn)

    def trip(i, carry):
        u0 = 3 * i
        slot(u0, 0)
        slot(u0 + 1, 1)
        slot(u0 + 2, 2)
        return carry

    lax.fori_loop(0, nwin // 3, trip, 0)
    last = nwin - 1
    g_wait(last, 0, 0)
    s_start(last, 0, 0)
    s_wait(last - 1, 2, 2)
    s_wait(last, 0, 0)


@functools.lru_cache(maxsize=None)
def _make_deg():
    @functools.partial(
        pl.kernel,
        out_type=jax.ShapeDtypeStruct((NC, 1, NPAD), f32),
        mesh=_sc_mesh(),
        scratch_types=[
            pltpu.VMEM((CHD, W), jnp.int32),
            pltpu.VMEM((W,), f32),
            pltpu.VMEM_SHARED((NPAD,), f32),
        ],
    )
    def _deg_kernel(col_hbm, ones_hbm, zeros_hbm, out_hbm, colv, onesv, acc):
        c = lax.axis_index("c")
        s = lax.axis_index("s")
        pltpu.sync_copy(zeros_hbm.at[pl.ds(s * SLAB, SLAB)],
                        acc.at[pl.ds(s * SLAB, SLAB)])
        pltpu.sync_copy(ones_hbm, onesv)
        plsc.subcore_barrier()

        def chunk(k, carry):
            pltpu.sync_copy(col_hbm.at[c, s, k], colv)

            def body(j, carry2):
                pltpu.sync_copy(onesv, acc.at[colv.at[j]], add=True)
                return carry2

            return lax.fori_loop(0, CHD, body, carry)

        lax.fori_loop(0, DCHUNK, chunk, 0)
        plsc.subcore_barrier()
        pltpu.sync_copy(acc.at[pl.ds(s * SLAB, SLAB)],
                        out_hbm.at[c, 0, pl.ds(s * SLAB, SLAB)])

    return _deg_kernel


@functools.lru_cache(maxsize=None)
def _make_prop_fs():

    @functools.partial(
        pl.kernel,
        out_type=jax.ShapeDtypeStruct((NC, N, FH), f32),
        mesh=_sc_mesh(),
        scratch_types=[
            pltpu.VMEM((CH, W), jnp.int32),
            pltpu.VMEM((CH, W), jnp.int32),
            pltpu.VMEM((W, FH), f32),
            pltpu.VMEM((W, FH), f32),
            pltpu.VMEM((W, FH), f32),
            pltpu.VMEM_SHARED((N, FH), f32),
            pltpu.SemaphoreType.DMA,
            pltpu.SemaphoreType.DMA,
            pltpu.SemaphoreType.DMA,
            pltpu.SemaphoreType.DMA,
            pltpu.SemaphoreType.DMA,
            pltpu.SemaphoreType.DMA,
        ],
    )
    def _prop(hs_hbm, rowi_hbm, coli_hbm, out_hbm,
              rowv, colv, b0, b1, b2, acc, g0, g1, g2, s0, s1, s2):
        c = lax.axis_index("c")
        s = lax.axis_index("s")
        pltpu.sync_copy(hs_hbm.at[pl.ds(c * N + s * PSLAB, PSLAB)],
                        acc.at[pl.ds(s * PSLAB, PSLAB)])

        @pl.when(s == NS - 1)
        def _():
            pltpu.sync_copy(hs_hbm.at[pl.ds(c * N + NS * PSLAB, PTAIL)],
                            acc.at[pl.ds(NS * PSLAB, PTAIL)])

        plsc.subcore_barrier()

        def chunk(k, carry):
            pltpu.sync_copy(rowi_hbm.at[c, s, k], rowv)
            pltpu.sync_copy(coli_hbm.at[s, k], colv)
            _pipelined_windows(hs_hbm, acc, rowv, colv, (b0, b1, b2),
                               (g0, g1, g2), (s0, s1, s2), CH)
            return carry

        lax.fori_loop(0, NCHUNK, chunk, 0)
        plsc.subcore_barrier()
        pltpu.sync_copy(acc.at[pl.ds(s * PSLAB, PSLAB)],
                        out_hbm.at[c, pl.ds(s * PSLAB, PSLAB)])

        @pl.when(s == NS - 1)
        def _():
            pltpu.sync_copy(acc.at[pl.ds(NS * PSLAB, PTAIL)],
                            out_hbm.at[c, pl.ds(NS * PSLAB, PTAIL)])

    return _prop


@functools.lru_cache(maxsize=None)
def _make_prop_es():

    @functools.partial(
        pl.kernel,
        out_type=jax.ShapeDtypeStruct((NC, N, FH), f32),
        mesh=_sc_mesh(),
        scratch_types=[
            pltpu.VMEM((CHD, W), jnp.int32),
            pltpu.VMEM((CHD, W), jnp.int32),
            pltpu.VMEM((W, FH), f32),
            pltpu.VMEM((W, FH), f32),
            pltpu.VMEM((W, FH), f32),
            pltpu.VMEM_SHARED((N, FH), f32),
            pltpu.SemaphoreType.DMA,
            pltpu.SemaphoreType.DMA,
            pltpu.SemaphoreType.DMA,
            pltpu.SemaphoreType.DMA,
            pltpu.SemaphoreType.DMA,
            pltpu.SemaphoreType.DMA,
        ],
    )
    def _prop(hs_hbm, rowi_hbm, coli_hbm, zeros_hbm, out_hbm,
              rowv, colv, b0, b1, b2, acc, g0, g1, g2, s0, s1, s2):
        c = lax.axis_index("c")
        s = lax.axis_index("s")
        @pl.when(c == 0)
        def _():
            pltpu.sync_copy(hs_hbm.at[pl.ds(s * PSLAB, PSLAB)],
                            acc.at[pl.ds(s * PSLAB, PSLAB)])

            @pl.when(s == NS - 1)
            def _():
                pltpu.sync_copy(hs_hbm.at[pl.ds(NS * PSLAB, PTAIL)],
                                acc.at[pl.ds(NS * PSLAB, PTAIL)])

        @pl.when(c == 1)
        def _():
            pltpu.sync_copy(zeros_hbm.at[pl.ds(s * PSLAB, PSLAB)],
                            acc.at[pl.ds(s * PSLAB, PSLAB)])

            @pl.when(s == NS - 1)
            def _():
                pltpu.sync_copy(zeros_hbm.at[pl.ds(NS * PSLAB, PTAIL)],
                                acc.at[pl.ds(NS * PSLAB, PTAIL)])

        plsc.subcore_barrier()

        def chunk(k, carry):
            pltpu.sync_copy(rowi_hbm.at[c, s, k], rowv)
            pltpu.sync_copy(coli_hbm.at[c, s, k], colv)
            _pipelined_windows(hs_hbm, acc, rowv, colv, (b0, b1, b2),
                               (g0, g1, g2), (s0, s1, s2), CHD)
            return carry

        lax.fori_loop(0, DCHUNK, chunk, 0)
        plsc.subcore_barrier()
        pltpu.sync_copy(acc.at[pl.ds(s * PSLAB, PSLAB)],
                        out_hbm.at[c, pl.ds(s * PSLAB, PSLAB)])

        @pl.when(s == NS - 1)
        def _():
            pltpu.sync_copy(acc.at[pl.ds(NS * PSLAB, PTAIL)],
                            out_hbm.at[c, pl.ds(NS * PSLAB, PTAIL)])

    return _prop


R = 1000
GRID = N // R


def _b1_body(x_ref, w1_ref, b1_ref, degt_ref, hs_ref, dinv_ref):
    deg = degt_ref[:, 0:1] + degt_ref[:, 1:2] + 1.0
    dinv = lax.rsqrt(deg)
    h = lax.dot_general(x_ref[...], w1_ref[...],
                        (((1,), (1,)), ((), ())),
                        preferred_element_type=f32) + b1_ref[...]
    hs = h * dinv
    dinv_ref[...] = dinv
    hs_ref[0] = hs[:, :FH]
    hs_ref[1] = hs[:, FH:]


_b1 = pl.pallas_call(
    _b1_body,
    grid=(GRID,),
    in_specs=[
        pl.BlockSpec((R, F_IN), lambda i: (i, 0)),
        pl.BlockSpec((F_HID, F_IN), lambda i: (0, 0)),
        pl.BlockSpec((1, F_HID), lambda i: (0, 0)),
        pl.BlockSpec((R, NC), lambda i: (i, 0)),
    ],
    out_specs=[
        pl.BlockSpec((NC, R, FH), lambda i: (0, i, 0)),
        pl.BlockSpec((R, 1), lambda i: (i, 0)),
    ],
    out_shape=[
        jax.ShapeDtypeStruct((NC, N, FH), f32),
        jax.ShapeDtypeStruct((N, 1), f32),
    ],
)


def _b2_body(agg_ref, dinv_ref, w2_ref, b2_ref, out_ref):
    dinv = dinv_ref[...]
    x1a = agg_ref[0] * dinv
    x1b = agg_ref[1] * dinv
    x1 = jnp.concatenate([x1a, x1b], axis=1)
    h2 = lax.dot_general(x1, w2_ref[...],
                         (((1,), (1,)), ((), ())),
                         preferred_element_type=f32) + b2_ref[...]
    out_ref[...] = h2 * dinv


_b2 = pl.pallas_call(
    _b2_body,
    grid=(GRID,),
    in_specs=[
        pl.BlockSpec((NC, R, FH), lambda i: (0, i, 0)),
        pl.BlockSpec((R, 1), lambda i: (i, 0)),
        pl.BlockSpec((F_OUT, F_HID), lambda i: (0, 0)),
        pl.BlockSpec((1, F_OUT), lambda i: (0, 0)),
    ],
    out_specs=pl.BlockSpec((R, F_OUT), lambda i: (i, 0)),
    out_shape=jax.ShapeDtypeStruct((N, F_OUT), f32),
)


def _b3_body(agg_ref, dinv_ref, out_ref):
    dinv = dinv_ref[...]
    out_ref[...] = (agg_ref[0] + agg_ref[1]) * dinv


_b3 = pl.pallas_call(
    _b3_body,
    grid=(GRID,),
    in_specs=[
        pl.BlockSpec((NC, R, F_OUT), lambda i: (0, i, 0)),
        pl.BlockSpec((R, 1), lambda i: (i, 0)),
    ],
    out_specs=pl.BlockSpec((R, F_OUT), lambda i: (i, 0)),
    out_shape=jax.ShapeDtypeStruct((N, F_OUT), f32),
)


def kernel(x, edge_index, W1, b1, W2, b2):
    ei = edge_index.astype(jnp.int32)
    row3 = ei[0].reshape(NS, NCHUNK, CH, W)
    col3 = ei[1].reshape(NS, NCHUNK, CH, W)
    rowc = jnp.stack([row3, row3 + N], axis=0)
    row4 = ei[0].reshape(NC, NS, DCHUNK, CHD, W)
    col4 = ei[1].reshape(NC, NS, DCHUNK, CHD, W)
    ones_w = jnp.ones((W,), f32)
    zeros_d = jnp.zeros((NPAD,), f32)
    zeros_h = jnp.zeros((N, FH), f32)

    degp = _make_deg()(col4, ones_w, zeros_d)
    degt = jnp.transpose(degp.reshape(NC, NPAD))
    hs1, dinv = _b1(x, W1, b1.reshape(1, F_HID), degt)
    agg1 = _make_prop_fs()(hs1.reshape(NC * N, FH), rowc, col3)
    hs2 = _b2(agg1, dinv, W2, b2.reshape(1, F_OUT))
    agg2 = _make_prop_es()(hs2, row4, col4, zeros_h)
    return _b3(agg2, dinv)

# --- scband reference (transcript-rebuilt; emitter-appended) ---
"""Pipeline reference for scband-base-model-h-39771397161687 (READ-ONLY COPY).

The authoritative reference and input builder live on the scoring server;
editing this copy changes nothing except your own understanding.
"""

import jax, jax.numpy as jnp
import numpy as np

N_NODES = 10000
N_EDGES = 320000
IN_FEATS = 128
HID_FEATS = 256
OUT_FEATS = 128


def setup_inputs(seed: int = 0) -> dict:
    key = jax.random.key(seed)
    k1, k2, k3, k4, k5, k6 = jax.random.split(key, 6)
    x = jax.random.normal(k1, (N_NODES, IN_FEATS), dtype=jnp.float32)
    edge_index = jax.random.randint(k2, (2, N_EDGES), 0, N_NODES, dtype=jnp.int64)
    # Linear params, torch default init (kaiming uniform-ish simplified to uniform)
    lim1 = 1.0 / np.sqrt(IN_FEATS)
    W1 = jax.random.uniform(k3, (HID_FEATS, IN_FEATS), minval=-lim1, maxval=lim1, dtype=jnp.float32)
    b1 = jax.random.uniform(k4, (HID_FEATS,), minval=-lim1, maxval=lim1, dtype=jnp.float32)
    lim2 = 1.0 / np.sqrt(HID_FEATS)
    W2 = jax.random.uniform(k5, (OUT_FEATS, HID_FEATS), minval=-lim2, maxval=lim2, dtype=jnp.float32)
    b2 = jax.random.uniform(k6, (OUT_FEATS,), minval=-lim2, maxval=lim2, dtype=jnp.float32)
    return {"x": x, "edge_index": edge_index, "W1": W1, "b1": b1, "W2": W2, "b2": b2}


def _gcn_conv(x, edge_index, W, b):
    N = x.shape[0]
    # add_self_loops
    loops = jnp.arange(N, dtype=edge_index.dtype)
    ei = jnp.concatenate([edge_index, jnp.stack([loops, loops], axis=0)], axis=1)
    # linear
    x = x @ W.T + b
    row, col = ei[0], ei[1]
    # degree over col (target nodes)
    deg = jnp.zeros((N,), dtype=x.dtype).at[col].add(1.0)
    deg_inv_sqrt = jnp.where(deg > 0, deg ** -0.5, 0.0)
    norm = deg_inv_sqrt[row] * deg_inv_sqrt[col]
    # message = norm * x_j (x gathered at source=row), aggregate add at target=col
    msg = norm[:, None] * jnp.take(x, row, axis=0)
    out = jnp.zeros((N, x.shape[1]), dtype=x.dtype).at[col].add(msg)
    return out


def reference(x, edge_index, W1, b1, W2, b2):
    x1 = _gcn_conv(x.astype(jnp.float32), edge_index, W1, b1)
    x2 = _gcn_conv(x1, edge_index, W2, b2)
    return x2

if __name__ == "__main__":
    import jax
    _d = setup_inputs()
    print(jax.jit(kernel)(*tuple(_d.values())))

</pallas_src>

<mosaic_0001>
#map = affine_map<(d0, d1) -> (0, 0)>
#map1 = affine_map<(d0, d1) -> (0, 0, 0, 0, 0)>
#map2 = affine_map<(d0, d1) -> (0, 0, 0, 0)>
#map3 = affine_map<(d0, d1) -> (0, 0, 0)>
module attributes {stable_mosaic.version = 14 : i64} {
  func.func @_prop(%arg0: i32, %arg1: i32, %arg2: memref<20000x128xf32, #tpu.memory_space<hbm>>, %arg3: memref<2x16x5x40x100xi32, #tpu.memory_space<hbm>>, %arg4: memref<16x5x40x100xi32, #tpu.memory_space<hbm>>, %arg5: memref<2x10000x128xf32, #tpu.memory_space<hbm>>, %arg6: memref<40x100xi32, #tpu.memory_space<vmem>>, %arg7: memref<40x100xi32, #tpu.memory_space<vmem>>, %arg8: memref<100x128xf32, #tpu.memory_space<vmem>>, %arg9: memref<100x128xf32, #tpu.memory_space<vmem>>, %arg10: memref<100x128xf32, #tpu.memory_space<vmem>>, %arg11: memref<10000x128xf32, #tpu.memory_space<vmem_shared>>, %arg12: memref<!tpu.dma_semaphore, #tpu.memory_space<semaphore_mem>>, %arg13: memref<!tpu.dma_semaphore, #tpu.memory_space<semaphore_mem>>, %arg14: memref<!tpu.dma_semaphore, #tpu.memory_space<semaphore_mem>>, %arg15: memref<!tpu.dma_semaphore, #tpu.memory_space<semaphore_mem>>, %arg16: memref<!tpu.dma_semaphore, #tpu.memory_space<semaphore_mem>>, %arg17: memref<!tpu.dma_semaphore, #tpu.memory_space<semaphore_mem>>) attributes {dimension_semantics = [#tpu.dimension_semantics<core_parallel>, #tpu.dimension_semantics<subcore_parallel>], iteration_bounds = array<i64: 2, 16>, scalar_prefetch = 0 : i64, scratch_operands = 12 : i64, tpu.core_type = #tpu.core_type<sc_vector_subcore>, window_params = [{transform_indices = #map}, {transform_indices = #map1}, {transform_indices = #map2}, {transform_indices = #map3}]} {
    %mul3A = arith.constant 10000 : i32
    %mul3A_0 = arith.muli %arg0, %mul3A : i32
    %mul3A_1 = arith.constant 624 : i32
    %mul3A_2 = arith.muli %arg1, %mul3A_1 : i32
    %add3A = arith.addi %mul3A_0, %mul3A_2 : i32
    %mul3A_3 = arith.constant 624 : i32
    %mul3A_4 = arith.muli %arg1, %mul3A_3 : i32
    "tpu.region"() ({
      %run_scoped3A = tpu.sem_alloc : memref<!tpu.dma_semaphore, #tpu.memory_space<semaphore_mem>>
      %dma_start3A = arith.constant 0 : i32
      %dma_start3A_22 = tpu.memref_slice %arg11[%mul3A_4, %dma_start3A] : memref<10000x128xf32, #tpu.memory_space<vmem_shared>> -> memref<624x128xf32, #tpu.memory_space<vmem_shared>>
      %dma_start3A_23 = arith.constant 0 : i32
      %dma_start3A_24 = tpu.memref_slice %arg2[%add3A, %dma_start3A_23] : memref<20000x128xf32, #tpu.memory_space<hbm>> -> memref<624x128xf32, #tpu.memory_space<hbm>>
      tpu.enqueue_dma source(%dma_start3A_24 : memref<624x128xf32, #tpu.memory_space<hbm>>) target(%dma_start3A_22 : memref<624x128xf32, #tpu.memory_space<vmem_shared>>) target_semaphore(%run_scoped3A : memref<!tpu.dma_semaphore, #tpu.memory_space<semaphore_mem>>)
      %dma_wait3A = arith.constant 0 : i32
      %dma_wait3A_25 = tpu.memref_slice %arg11[%mul3A_4, %dma_wait3A] : memref<10000x128xf32, #tpu.memory_space<vmem_shared>> -> memref<624x128xf32, #tpu.memory_space<vmem_shared>>
      %dma_wait3A_26 = arith.constant 0 : i32
      %dma_wait3A_27 = tpu.memref_slice %arg2[%add3A, %dma_wait3A_26] : memref<20000x128xf32, #tpu.memory_space<hbm>> -> memref<624x128xf32, #tpu.memory_space<hbm>>
      tpu.wait_dma2 semaphore(%run_scoped3A : memref<!tpu.dma_semaphore, #tpu.memory_space<semaphore_mem>>) src(%dma_wait3A_27 : memref<624x128xf32, #tpu.memory_space<hbm>>) dst(%dma_wait3A_25 : memref<624x128xf32, #tpu.memory_space<vmem_shared>>)
      tpu.yield
    }) : () -> ()
    %eq3A = arith.constant 15 : i32
    %eq3A_5 = arith.cmpi eq, %arg1, %eq3A : i32
    %convert_element_type3A = arith.extui %eq3A_5 : i1 to i32
    %cond3A = arith.constant 0 : i32
    %cond3A_6 = arith.cmpi ne, %convert_element_type3A, %cond3A : i32
    scf.if %cond3A_6 {
      %mul3A_22 = arith.constant 10000 : i32
      %mul3A_23 = arith.muli %arg0, %mul3A_22 : i32
      %add3A_24 = arith.constant 9984 : i32
      %add3A_25 = arith.addi %mul3A_23, %add3A_24 : i32
      "tpu.region"() ({
        %run_scoped3A = tpu.sem_alloc : memref<!tpu.dma_semaphore, #tpu.memory_space<semaphore_mem>>
        %dma_start3A = arith.constant 9984 : i32
        %dma_start3A_26 = arith.constant 0 : i32
        %dma_start3A_27 = tpu.memref_slice %arg11[%dma_start3A, %dma_start3A_26] : memref<10000x128xf32, #tpu.memory_space<vmem_shared>> -> memref<16x128xf32, #tpu.memory_space<vmem_shared>>
        %dma_start3A_28 = arith.constant 0 : i32
        %dma_start3A_29 = tpu.memref_slice %arg2[%add3A_25, %dma_start3A_28] : memref<20000x128xf32, #tpu.memory_space<hbm>> -> memref<16x128xf32, #tpu.memory_space<hbm>>
        tpu.enqueue_dma source(%dma_start3A_29 : memref<16x128xf32, #tpu.memory_space<hbm>>) target(%dma_start3A_27 : memref<16x128xf32, #tpu.memory_space<vmem_shared>>) target_semaphore(%run_scoped3A : memref<!tpu.dma_semaphore, #tpu.memory_space<semaphore_mem>>)
        %dma_wait3A = arith.constant 9984 : i32
        %dma_wait3A_30 = arith.constant 0 : i32
        %dma_wait3A_31 = tpu.memref_slice %arg11[%dma_wait3A, %dma_wait3A_30] : memref<10000x128xf32, #tpu.memory_space<vmem_shared>> -> memref<16x128xf32, #tpu.memory_space<vmem_shared>>
        %dma_wait3A_32 = arith.constant 0 : i32
        %dma_wait3A_33 = tpu.memref_slice %arg2[%add3A_25, %dma_wait3A_32] : memref<20000x128xf32, #tpu.memory_space<hbm>> -> memref<16x128xf32, #tpu.memory_space<hbm>>
        tpu.wait_dma2 semaphore(%run_scoped3A : memref<!tpu.dma_semaphore, #tpu.memory_space<semaphore_mem>>) src(%dma_wait3A_33 : memref<16x128xf32, #tpu.memory_space<hbm>>) dst(%dma_wait3A_31 : memref<16x128xf32, #tpu.memory_space<vmem_shared>>)
        tpu.yield
      }) : () -> ()
    } else {
    }
    %barrier3A = arith.constant 0 : index
    tpu.barrier barrier_id(%barrier3A)
    %scan3A = arith.constant 0 : i32
    %scan3A_7 = arith.constant 0 : i32
    %scan3A_8 = arith.constant 5 : i32
    %scan3A_9 = arith.addi %scan3A_7, %scan3A_8 : i32
    %scan3A_10 = arith.constant 1 : i32
    scf.for %scan3A_22 = %scan3A_7 to %scan3A_9 step %scan3A_10  : i32 {
      "tpu.region"() ({
        %run_scoped3A = tpu.sem_alloc : memref<!tpu.dma_semaphore, #tpu.memory_space<semaphore_mem>>
        %dma_start3A_69 = arith.constant 0 : i32
        %dma_start3A_70 = arith.constant 0 : i32
        %dma_start3A_71 = tpu.memref_slice %arg3[%arg0, %arg1, %scan3A_22, %dma_start3A_69, %dma_start3A_70] : memref<2x16x5x40x100xi32, #tpu.memory_space<hbm>> -> memref<1x1x1x40x100xi32, #tpu.memory_space<hbm>>
        %dma_start3A_72 = tpu.memref_squeeze %dma_start3A_71 : memref<1x1x1x40x100xi32, #tpu.memory_space<hbm>> -> memref<40x100xi32, #tpu.memory_space<hbm>>
        %dma_start3A_73 = arith.constant 0 : i32
        %dma_start3A_74 = arith.constant 0 : i32
        %dma_start3A_75 = tpu.memref_slice %arg3[%arg0, %arg1, %scan3A_22, %dma_start3A_73, %dma_start3A_74] : memref<2x16x5x40x100xi32, #tpu.memory_space<hbm>> -> memref<1x1x1x40x100xi32, #tpu.memory_space<hbm>>
        %dma_start3A_76 = tpu.memref_squeeze %dma_start3A_75 : memref<1x1x1x40x100xi32, #tpu.memory_space<hbm>> -> memref<40x100xi32, #tpu.memory_space<hbm>>
        tpu.enqueue_dma source(%dma_start3A_76 : memref<40x100xi32, #tpu.memory_space<hbm>>) target(%arg6 : memref<40x100xi32, #tpu.memory_space<vmem>>) target_semaphore(%run_scoped3A : memref<!tpu.dma_semaphore, #tpu.memory_space<semaphore_mem>>)
        %dma_wait3A_77 = arith.constant 0 : i32
        %dma_wait3A_78 = arith.constant 0 : i32
        %dma_wait3A_79 = tpu.memref_slice %arg3[%arg0, %arg1, %scan3A_22, %dma_wait3A_77, %dma_wait3A_78] : memref<2x16x5x40x100xi32, #tpu.memory_space<hbm>> -> memref<1x1x1x40x100xi32, #tpu.memory_space<hbm>>
        %dma_wait3A_80 = tpu.memref_squeeze %dma_wait3A_79 : memref<1x1x1x40x100xi32, #tpu.memory_space<hbm>> -> memref<40x100xi32, #tpu.memory_space<hbm>>
        %dma_wait3A_81 = arith.constant 0 : i32
        %dma_wait3A_82 = arith.constant 0 : i32
        %dma_wait3A_83 = tpu.memref_slice %arg3[%arg0, %arg1, %scan3A_22, %dma_wait3A_81, %dma_wait3A_82] : memref<2x16x5x40x100xi32, #tpu.memory_space<hbm>> -> memref<1x1x1x40x100xi32, #tpu.memory_space<hbm>>
        %dma_wait3A_84 = tpu.memref_squeeze %dma_wait3A_83 : memref<1x1x1x40x100xi32, #tpu.memory_space<hbm>> -> memref<40x100xi32, #tpu.memory_space<hbm>>
        tpu.wait_dma2 semaphore(%run_scoped3A : memref<!tpu.dma_semaphore, #tpu.memory_space<semaphore_mem>>) src(%dma_wait3A_84 : memref<40x100xi32, #tpu.memory_space<hbm>>) dst(%arg6 : memref<40x100xi32, #tpu.memory_space<vmem>>)
        tpu.yield
      }) : () -> ()
      "tpu.region"() ({
        %run_scoped3A = tpu.sem_alloc : memref<!tpu.dma_semaphore, #tpu.memory_space<semaphore_mem>>
        %dma_start3A_69 = arith.constant 0 : i32
        %dma_start3A_70 = arith.constant 0 : i32
        %dma_start3A_71 = tpu.memref_slice %arg4[%arg1, %scan3A_22, %dma_start3A_69, %dma_start3A_70] : memref<16x5x40x100xi32, #tpu.memory_space<hbm>> -> memref<1x1x40x100xi32, #tpu.memory_space<hbm>>
        %dma_start3A_72 = tpu.memref_squeeze %dma_start3A_71 : memref<1x1x40x100xi32, #tpu.memory_space<hbm>> -> memref<40x100xi32, #tpu.memory_space<hbm>>
        %dma_start3A_73 = arith.constant 0 : i32
        %dma_start3A_74 = arith.constant 0 : i32
        %dma_start3A_75 = tpu.memref_slice %arg4[%arg1, %scan3A_22, %dma_start3A_73, %dma_start3A_74] : memref<16x5x40x100xi32, #tpu.memory_space<hbm>> -> memref<1x1x40x100xi32, #tpu.memory_space<hbm>>
        %dma_start3A_76 = tpu.memref_squeeze %dma_start3A_75 : memref<1x1x40x100xi32, #tpu.memory_space<hbm>> -> memref<40x100xi32, #tpu.memory_space<hbm>>
        tpu.enqueue_dma source(%dma_start3A_76 : memref<40x100xi32, #tpu.memory_space<hbm>>) target(%arg7 : memref<40x100xi32, #tpu.memory_space<vmem>>) target_semaphore(%run_scoped3A : memref<!tpu.dma_semaphore, #tpu.memory_space<semaphore_mem>>)
        %dma_wait3A_77 = arith.constant 0 : i32
        %dma_wait3A_78 = arith.constant 0 : i32
        %dma_wait3A_79 = tpu.memref_slice %arg4[%arg1, %scan3A_22, %dma_wait3A_77, %dma_wait3A_78] : memref<16x5x40x100xi32, #tpu.memory_space<hbm>> -> memref<1x1x40x100xi32, #tpu.memory_space<hbm>>
        %dma_wait3A_80 = tpu.memref_squeeze %dma_wait3A_79 : memref<1x1x40x100xi32, #tpu.memory_space<hbm>> -> memref<40x100xi32, #tpu.memory_space<hbm>>
        %dma_wait3A_81 = arith.constant 0 : i32
        %dma_wait3A_82 = arith.constant 0 : i32
        %dma_wait3A_83 = tpu.memref_slice %arg4[%arg1, %scan3A_22, %dma_wait3A_81, %dma_wait3A_82] : memref<16x5x40x100xi32, #tpu.memory_space<hbm>> -> memref<1x1x40x100xi32, #tpu.memory_space<hbm>>
        %dma_wait3A_84 = tpu.memref_squeeze %dma_wait3A_83 : memref<1x1x40x100xi32, #tpu.memory_space<hbm>> -> memref<40x100xi32, #tpu.memory_space<hbm>>
        tpu.wait_dma2 semaphore(%run_scoped3A : memref<!tpu.dma_semaphore, #tpu.memory_space<semaphore_mem>>) src(%dma_wait3A_84 : memref<40x100xi32, #tpu.memory_space<hbm>>) dst(%arg7 : memref<40x100xi32, #tpu.memory_space<vmem>>)
        tpu.yield
      }) : () -> ()
      %dma_start3A = arith.constant 0 : i32
      %dma_start3A_23 = arith.constant 0 : i32
      %dma_start3A_24 = tpu.memref_slice %arg6[%dma_start3A, %dma_start3A_23] : memref<40x100xi32, #tpu.memory_space<vmem>> -> memref<1x100xi32, #tpu.memory_space<vmem>>
      %dma_start3A_25 = tpu.memref_squeeze %dma_start3A_24 : memref<1x100xi32, #tpu.memory_space<vmem>> -> memref<100xi32, #tpu.memory_space<vmem>>
      %dma_start3A_26 = arith.constant 0 : i32
      %dma_start3A_27 = arith.constant 0 : i32
      %dma_start3A_28 = tpu.memref_slice %arg2[%dma_start3A_26, %dma_start3A_27] : memref<20000x128xf32, #tpu.memory_space<hbm>> -> memref<20000x128xf32, #tpu.memory_space<hbm>>
      tpu.enqueue_indirect_dma source(%dma_start3A_28 : memref<20000x128xf32, #tpu.memory_space<hbm>>) target(%arg8 : memref<100x128xf32, #tpu.memory_space<vmem>>) offsets(%dma_start3A_25 : memref<100xi32, #tpu.memory_space<vmem>>) semaphore(%arg12 : memref<!tpu.dma_semaphore, #tpu.memory_space<semaphore_mem>>)
      %dma_start3A_29 = arith.constant 1 : i32
      %dma_start3A_30 = arith.constant 0 : i32
      %dma_start3A_31 = tpu.memref_slice %arg6[%dma_start3A_29, %dma_start3A_30] : memref<40x100xi32, #tpu.memory_space<vmem>> -> memref<1x100xi32, #tpu.memory_space<vmem>>
      %dma_start3A_32 = tpu.memref_squeeze %dma_start3A_31 : memref<1x100xi32, #tpu.memory_space<vmem>> -> memref<100xi32, #tpu.memory_space<vmem>>
      %dma_start3A_33 = arith.constant 0 : i32
      %dma_start3A_34 = arith.constant 0 : i32
      %dma_start3A_35 = tpu.memref_slice %arg2[%dma_start3A_33, %dma_start3A_34] : memref<20000x128xf32, #tpu.memory_space<hbm>> -> memref<20000x128xf32, #tpu.memory_space<hbm>>
      tpu.enqueue_indirect_dma source(%dma_start3A_35 : memref<20000x128xf32, #tpu.memory_space<hbm>>) target(%arg9 : memref<100x128xf32, #tpu.memory_space<vmem>>) offsets(%dma_start3A_32 : memref<100xi32, #tpu.memory_space<vmem>>) semaphore(%arg13 : memref<!tpu.dma_semaphore, #tpu.memory_space<semaphore_mem>>)
      %scan3A_36 = arith.constant 0 : i32
      %scan3A_37 = arith.constant 0 : i32
      %scan3A_38 = arith.constant 13 : i32
      %scan3A_39 = arith.addi %scan3A_37, %scan3A_38 : i32
      %scan3A_40 = arith.constant 1 : i32
      scf.for %scan3A_69 = %scan3A_37 to %scan3A_39 step %scan3A_40  : i32 {
        %mul3A_70 = arith.constant 3 : i32
        %mul3A_71 = arith.muli %mul3A_70, %scan3A_69 : i32
        %dma_wait3A_72 = arith.constant 0 : i32
        %dma_wait3A_73 = tpu.memref_slice %arg6[%mul3A_71, %dma_wait3A_72] : memref<40x100xi32, #tpu.memory_space<vmem>> -> memref<1x100xi32, #tpu.memory_space<vmem>>
        %dma_wait3A_74 = tpu.memref_squeeze %dma_wait3A_73 : memref<1x100xi32, #tpu.memory_space<vmem>> -> memref<100xi32, #tpu.memory_space<vmem>>
        %dma_wait3A_75 = arith.constant 0 : i32
        %dma_wait3A_76 = arith.constant 0 : i32
        %dma_wait3A_77 = tpu.memref_slice %arg2[%dma_wait3A_75, %dma_wait3A_76] : memref<20000x128xf32, #tpu.memory_space<hbm>> -> memref<20000x128xf32, #tpu.memory_space<hbm>>
        tpu.wait_indirect_dma semaphore(%arg12 : memref<!tpu.dma_semaphore, #tpu.memory_space<semaphore_mem>>) src(%dma_wait3A_77 : memref<20000x128xf32, #tpu.memory_space<hbm>>) dst(%arg8 : memref<100x128xf32, #tpu.memory_space<vmem>>)
        %dma_start3A_78 = arith.constant 0 : i32
        %dma_start3A_79 = tpu.memref_slice %arg7[%mul3A_71, %dma_start3A_78] : memref<40x100xi32, #tpu.memory_space<vmem>> -> memref<1x100xi32, #tpu.memory_space<vmem>>
        %dma_start3A_80 = tpu.memref_squeeze %dma_start3A_79 : memref<1x100xi32, #tpu.memory_space<vmem>> -> memref<100xi32, #tpu.memory_space<vmem>>
        %dma_start3A_81 = arith.constant 0 : i32
        %dma_start3A_82 = arith.constant 0 : i32
        %dma_start3A_83 = tpu.memref_slice %arg11[%dma_start3A_81, %dma_start3A_82] : memref<10000x128xf32, #tpu.memory_space<vmem_shared>> -> memref<10000x128xf32, #tpu.memory_space<vmem_shared>>
        tpu.enqueue_indirect_dma source(%arg8 : memref<100x128xf32, #tpu.memory_space<vmem>>) target(%dma_start3A_83 : memref<10000x128xf32, #tpu.memory_space<vmem_shared>>) offsets(%dma_start3A_80 : memref<100xi32, #tpu.memory_space<vmem>>) semaphore(%arg15 : memref<!tpu.dma_semaphore, #tpu.memory_space<semaphore_mem>>) {add = true}
        %ge3A = arith.constant 1 : i32
        %ge3A_84 = arith.cmpi sge, %mul3A_71, %ge3A : i32
        %convert_element_type3A_85 = arith.extui %ge3A_84 : i1 to i32
        %cond3A_86 = arith.constant 0 : i32
        %cond3A_87 = arith.cmpi ne, %convert_element_type3A_85, %cond3A_86 : i32
        scf.if %cond3A_87 {
          %sub3A = arith.constant 1 : i32
          %sub3A_146 = arith.subi %mul3A_71, %sub3A : i32
          %max3A = arith.constant 0 : i32
          %max3A_147 = arith.maxsi %sub3A_146, %max3A : i32
          %dma_wait3A_148 = arith.constant 0 : i32
          %dma_wait3A_149 = tpu.memref_slice %arg7[%max3A_147, %dma_wait3A_148] : memref<40x100xi32, #tpu.memory_space<vmem>> -> memref<1x100xi32, #tpu.memory_space<vmem>>
          %dma_wait3A_150 = tpu.memref_squeeze %dma_wait3A_149 : memref<1x100xi32, #tpu.memory_space<vmem>> -> memref<100xi32, #tpu.memory_space<vmem>>
          %dma_wait3A_151 = arith.constant 0 : i32
          %dma_wait3A_152 = arith.constant 0 : i32
          %dma_wait3A_153 = tpu.memref_slice %arg11[%dma_wait3A_151, %dma_wait3A_152] : memref<10000x128xf32, #tpu.memory_space<vmem_shared>> -> memref<10000x128xf32, #tpu.memory_space<vmem_shared>>
          tpu.wait_indirect_dma semaphore(%arg17 : memref<!tpu.dma_semaphore, #tpu.memory_space<semaphore_mem>>) src(%arg10 : memref<100x128xf32, #tpu.memory_space<vmem>>) dst(%dma_wait3A_153 : memref<10000x128xf32, #tpu.memory_space<vmem_shared>>)
        } else {
        }
        %add3A_88 = arith.constant 2 : i32
        %add3A_89 = arith.addi %mul3A_71, %add3A_88 : i32
        %lt3A = arith.constant 40 : i32
        %lt3A_90 = arith.cmpi slt, %add3A_89, %lt3A : i32
        %convert_element_type3A_91 = arith.extui %lt3A_90 : i1 to i32
        %cond3A_92 = arith.constant 0 : i32
        %cond3A_93 = arith.cmpi ne, %convert_element_type3A_91, %cond3A_92 : i32
        scf.if %cond3A_93 {
          %add3A_146 = arith.constant 2 : i32
          %add3A_147 = arith.addi %mul3A_71, %add3A_146 : i32
          %min3A = arith.constant 39 : i32
          %min3A_148 = arith.minsi %add3A_147, %min3A : i32
          %dma_start3A_149 = arith.constant 0 : i32
          %dma_start3A_150 = tpu.memref_slice %arg6[%min3A_148, %dma_start3A_149] : memref<40x100xi32, #tpu.memory_space<vmem>> -> memref<1x100xi32, #tpu.memory_space<vmem>>
          %dma_start3A_151 = tpu.memref_squeeze %dma_start3A_150 : memref<1x100xi32, #tpu.memory_space<vmem>> -> memref<100xi32, #tpu.memory_space<vmem>>
          %dma_start3A_152 = arith.constant 0 : i32
          %dma_start3A_153 = arith.constant 0 : i32
          %dma_start3A_154 = tpu.memref_slice %arg2[%dma_start3A_152, %dma_start3A_153] : memref<20000x128xf32, #tpu.memory_space<hbm>> -> memref<20000x128xf32, #tpu.memory_space<hbm>>
          tpu.enqueue_indirect_dma source(%dma_start3A_154 : memref<20000x128xf32, #tpu.memory_space<hbm>>) target(%arg10 : memref<100x128xf32, #tpu.memory_space<vmem>>) offsets(%dma_start3A_151 : memref<100xi32, #tpu.memory_space<vmem>>) semaphore(%arg14 : memref<!tpu.dma_semaphore, #tpu.memory_space<semaphore_mem>>)
        } else {
        }
        %add3A_94 = arith.constant 1 : i32
        %add3A_95 = arith.addi %mul3A_71, %add3A_94 : i32
        %dma_wait3A_96 = arith.constant 0 : i32
        %dma_wait3A_97 = tpu.memref_slice %arg6[%add3A_95, %dma_wait3A_96] : memref<40x100xi32, #tpu.memory_space<vmem>> -> memref<1x100xi32, #tpu.memory_space<vmem>>
        %dma_wait3A_98 = tpu.memref_squeeze %dma_wait3A_97 : memref<1x100xi32, #tpu.memory_space<vmem>> -> memref<100xi32, #tpu.memory_space<vmem>>
        %dma_wait3A_99 = arith.constant 0 : i32
        %dma_wait3A_100 = arith.constant 0 : i32
        %dma_wait3A_101 = tpu.memref_slice %arg2[%dma_wait3A_99, %dma_wait3A_100] : memref<20000x128xf32, #tpu.memory_space<hbm>> -> memref<20000x128xf32, #tpu.memory_space<hbm>>
        tpu.wait_indirect_dma semaphore(%arg13 : memref<!tpu.dma_semaphore, #tpu.memory_space<semaphore_mem>>) src(%dma_wait3A_101 : memref<20000x128xf32, #tpu.memory_space<hbm>>) dst(%arg9 : memref<100x128xf32, #tpu.memory_space<vmem>>)
        %dma_start3A_102 = arith.constant 0 : i32
        %dma_start3A_103 = tpu.memref_slice %arg7[%add3A_95, %dma_start3A_102] : memref<40x100xi32, #tpu.memory_space<vmem>> -> memref<1x100xi32, #tpu.memory_space<vmem>>
        %dma_start3A_104 = tpu.memref_squeeze %dma_start3A_103 : memref<1x100xi32, #tpu.memory_space<vmem>> -> memref<100xi32, #tpu.memory_space<vmem>>
        %dma_start3A_105 = arith.constant 0 : i32
        %dma_start3A_106 = arith.constant 0 : i32
        %dma_start3A_107 = tpu.memref_slice %arg11[%dma_start3A_105, %dma_start3A_106] : memref<10000x128xf32, #tpu.memory_space<vmem_shared>> -> memref<10000x128xf32, #tpu.memory_space<vmem_shared>>
        tpu.enqueue_indirect_dma source(%arg9 : memref<100x128xf32, #tpu.memory_space<vmem>>) target(%dma_start3A_107 : memref<10000x128xf32, #tpu.memory_space<vmem_shared>>) offsets(%dma_start3A_104 : memref<100xi32, #tpu.memory_space<vmem>>) semaphore(%arg16 : memref<!tpu.dma_semaphore, #tpu.memory_space<semaphore_mem>>) {add = true}
        %ge3A_108 = arith.constant 1 : i32
        %ge3A_109 = arith.cmpi sge, %add3A_95, %ge3A_108 : i32
        %convert_element_type3A_110 = arith.extui %ge3A_109 : i1 to i32
        %cond3A_111 = arith.constant 0 : i32
        %cond3A_112 = arith.cmpi ne, %convert_element_type3A_110, %cond3A_111 : i32
        scf.if %cond3A_112 {
          %sub3A = arith.constant 1 : i32
          %sub3A_146 = arith.subi %add3A_95, %sub3A : i32
          %max3A = arith.constant 0 : i32
          %max3A_147 = arith.maxsi %sub3A_146, %max3A : i32
          %dma_wait3A_148 = arith.constant 0 : i32
          %dma_wait3A_149 = tpu.memref_slice %arg7[%max3A_147, %dma_wait3A_148] : memref<40x100xi32, #tpu.memory_space<vmem>> -> memref<1x100xi32, #tpu.memory_space<vmem>>
          %dma_wait3A_150 = tpu.memref_squeeze %dma_wait3A_149 : memref<1x100xi32, #tpu.memory_space<vmem>> -> memref<100xi32, #tpu.memory_space<vmem>>
          %dma_wait3A_151 = arith.constant 0 : i32
          %dma_wait3A_152 = arith.constant 0 : i32
          %dma_wait3A_153 = tpu.memref_slice %arg11[%dma_wait3A_151, %dma_wait3A_152] : memref<10000x128xf32, #tpu.memory_space<vmem_shared>> -> memref<10000x128xf32, #tpu.memory_space<vmem_shared>>
          tpu.wait_indirect_dma semaphore(%arg15 : memref<!tpu.dma_semaphore, #tpu.memory_space<semaphore_mem>>) src(%arg8 : memref<100x128xf32, #tpu.memory_space<vmem>>) dst(%dma_wait3A_153 : memref<10000x128xf32, #tpu.memory_space<vmem_shared>>)
        } else {
        }
        %add3A_113 = arith.constant 2 : i32
        %add3A_114 = arith.addi %add3A_95, %add3A_113 : i32
        %lt3A_115 = arith.constant 40 : i32
        %lt3A_116 = arith.cmpi slt, %add3A_114, %lt3A_115 : i32
        %convert_element_type3A_117 = arith.extui %lt3A_116 : i1 to i32
        %cond3A_118 = arith.constant 0 : i32
        %cond3A_119 = arith.cmpi ne, %convert_element_type3A_117, %cond3A_118 : i32
        scf.if %cond3A_119 {
          %add3A_146 = arith.constant 2 : i32
          %add3A_147 = arith.addi %add3A_95, %add3A_146 : i32
          %min3A = arith.constant 39 : i32
          %min3A_148 = arith.minsi %add3A_147, %min3A : i32
          %dma_start3A_149 = arith.constant 0 : i32
          %dma_start3A_150 = tpu.memref_slice %arg6[%min3A_148, %dma_start3A_149] : memref<40x100xi32, #tpu.memory_space<vmem>> -> memref<1x100xi32, #tpu.memory_space<vmem>>
          %dma_start3A_151 = tpu.memref_squeeze %dma_start3A_150 : memref<1x100xi32, #tpu.memory_space<vmem>> -> memref<100xi32, #tpu.memory_space<vmem>>
          %dma_start3A_152 = arith.constant 0 : i32
          %dma_start3A_153 = arith.constant 0 : i32
          %dma_start3A_154 = tpu.memref_slice %arg2[%dma_start3A_152, %dma_start3A_153] : memref<20000x128xf32, #tpu.memory_space<hbm>> -> memref<20000x128xf32, #tpu.memory_space<hbm>>
          tpu.enqueue_indirect_dma source(%dma_start3A_154 : memref<20000x128xf32, #tpu.memory_space<hbm>>) target(%arg8 : memref<100x128xf32, #tpu.memory_space<vmem>>) offsets(%dma_start3A_151 : memref<100xi32, #tpu.memory_space<vmem>>) semaphore(%arg12 : memref<!tpu.dma_semaphore, #tpu.memory_space<semaphore_mem>>)
        } else {
        }
        %add3A_120 = arith.constant 2 : i32
        %add3A_121 = arith.addi %mul3A_71, %add3A_120 : i32
        %dma_wait3A_122 = arith.constant 0 : i32
        %dma_wait3A_123 = tpu.memref_slice %arg6[%add3A_121, %dma_wait3A_122] : memref<40x100xi32, #tpu.memory_space<vmem>> -> memref<1x100xi32, #tpu.memory_space<vmem>>
        %dma_wait3A_124 = tpu.memref_squeeze %dma_wait3A_123 : memref<1x100xi32, #tpu.memory_space<vmem>> -> memref<100xi32, #tpu.memory_space<vmem>>
        %dma_wait3A_125 = arith.constant 0 : i32
        %dma_wait3A_126 = arith.constant 0 : i32
        %dma_wait3A_127 = tpu.memref_slice %arg2[%dma_wait3A_125, %dma_wait3A_126] : memref<20000x128xf32, #tpu.memory_space<hbm>> -> memref<20000x128xf32, #tpu.memory_space<hbm>>
        tpu.wait_indirect_dma semaphore(%arg14 : memref<!tpu.dma_semaphore, #tpu.memory_space<semaphore_mem>>) src(%dma_wait3A_127 : memref<20000x128xf32, #tpu.memory_space<hbm>>) dst(%arg10 : memref<100x128xf32, #tpu.memory_space<vmem>>)
        %dma_start3A_128 = arith.constant 0 : i32
        %dma_start3A_129 = tpu.memref_slice %arg7[%add3A_121, %dma_start3A_128] : memref<40x100xi32, #tpu.memory_space<vmem>> -> memref<1x100xi32, #tpu.memory_space<vmem>>
        %dma_start3A_130 = tpu.memref_squeeze %dma_start3A_129 : memref<1x100xi32, #tpu.memory_space<vmem>> -> memref<100xi32, #tpu.memory_space<vmem>>
        %dma_start3A_131 = arith.constant 0 : i32
        %dma_start3A_132 = arith.constant 0 : i32
        %dma_start3A_133 = tpu.memref_slice %arg11[%dma_start3A_131, %dma_start3A_132] : memref<10000x128xf32, #tpu.memory_space<vmem_shared>> -> memref<10000x128xf32, #tpu.memory_space<vmem_shared>>
        tpu.enqueue_indirect_dma source(%arg10 : memref<100x128xf32, #tpu.memory_space<vmem>>) target(%dma_start3A_133 : memref<10000x128xf32, #tpu.memory_space<vmem_shared>>) offsets(%dma_start3A_130 : memref<100xi32, #tpu.memory_space<vmem>>) semaphore(%arg17 : memref<!tpu.dma_semaphore, #tpu.memory_space<semaphore_mem>>) {add = true}
        %ge3A_134 = arith.constant 1 : i32
        %ge3A_135 = arith.cmpi sge, %add3A_121, %ge3A_134 : i32
        %convert_element_type3A_136 = arith.extui %ge3A_135 : i1 to i32
        %cond3A_137 = arith.constant 0 : i32
        %cond3A_138 = arith.cmpi ne, %convert_element_type3A_136, %cond3A_137 : i32
        scf.if %cond3A_138 {
          %sub3A = arith.constant 1 : i32
          %sub3A_146 = arith.subi %add3A_121, %sub3A : i32
          %max3A = arith.constant 0 : i32
          %max3A_147 = arith.maxsi %sub3A_146, %max3A : i32
          %dma_wait3A_148 = arith.constant 0 : i32
          %dma_wait3A_149 = tpu.memref_slice %arg7[%max3A_147, %dma_wait3A_148] : memref<40x100xi32, #tpu.memory_space<vmem>> -> memref<1x100xi32, #tpu.memory_space<vmem>>
          %dma_wait3A_150 = tpu.memref_squeeze %dma_wait3A_149 : memref<1x100xi32, #tpu.memory_space<vmem>> -> memref<100xi32, #tpu.memory_space<vmem>>
          %dma_wait3A_151 = arith.constant 0 : i32
          %dma_wait3A_152 = arith.constant 0 : i32
          %dma_wait3A_153 = tpu.memref_slice %arg11[%dma_wait3A_151, %dma_wait3A_152] : memref<10000x128xf32, #tpu.memory_space<vmem_shared>> -> memref<10000x128xf32, #tpu.memory_space<vmem_shared>>
          tpu.wait_indirect_dma semaphore(%arg16 : memref<!tpu.dma_semaphore, #tpu.memory_space<semaphore_mem>>) src(%arg9 : memref<100x128xf32, #tpu.memory_space<vmem>>) dst(%dma_wait3A_153 : memref<10000x128xf32, #tpu.memory_space<vmem_shared>>)
        } else {
        }
        %add3A_139 = arith.constant 2 : i32
        %add3A_140 = arith.addi %add3A_121, %add3A_139 : i32
        %lt3A_141 = arith.constant 40 : i32
        %lt3A_142 = arith.cmpi slt, %add3A_140, %lt3A_141 : i32
        %convert_element_type3A_143 = arith.extui %lt3A_142 : i1 to i32
        %cond3A_144 = arith.constant 0 : i32
        %cond3A_145 = arith.cmpi ne, %convert_element_type3A_143, %cond3A_144 : i32
        scf.if %cond3A_145 {
          %add3A_146 = arith.constant 2 : i32
          %add3A_147 = arith.addi %add3A_121, %add3A_146 : i32
          %min3A = arith.constant 39 : i32
          %min3A_148 = arith.minsi %add3A_147, %min3A : i32
          %dma_start3A_149 = arith.constant 0 : i32
          %dma_start3A_150 = tpu.memref_slice %arg6[%min3A_148, %dma_start3A_149] : memref<40x100xi32, #tpu.memory_space<vmem>> -> memref<1x100xi32, #tpu.memory_space<vmem>>
          %dma_start3A_151 = tpu.memref_squeeze %dma_start3A_150 : memref<1x100xi32, #tpu.memory_space<vmem>> -> memref<100xi32, #tpu.memory_space<vmem>>
          %dma_start3A_152 = arith.constant 0 : i32
          %dma_start3A_153 = arith.constant 0 : i32
          %dma_start3A_154 = tpu.memref_slice %arg2[%dma_start3A_152, %dma_start3A_153] : memref<20000x128xf32, #tpu.memory_space<hbm>> -> memref<20000x128xf32, #tpu.memory_space<hbm>>
          tpu.enqueue_indirect_dma source(%dma_start3A_154 : memref<20000x128xf32, #tpu.memory_space<hbm>>) target(%arg9 : memref<100x128xf32, #tpu.memory_space<vmem>>) offsets(%dma_start3A_151 : memref<100xi32, #tpu.memory_space<vmem>>) semaphore(%arg13 : memref<!tpu.dma_semaphore, #tpu.memory_space<semaphore_mem>>)
        } else {
        }
      }
      %scan3A_41 = arith.constant 13 : i32
      %dma_wait3A = arith.constant 39 : i32
      %dma_wait3A_42 = arith.constant 0 : i32
      %dma_wait3A_43 = tpu.memref_slice %arg6[%dma_wait3A, %dma_wait3A_42] : memref<40x100xi32, #tpu.memory_space<vmem>> -> memref<1x100xi32, #tpu.memory_space<vmem>>
      %dma_wait3A_44 = tpu.memref_squeeze %dma_wait3A_43 : memref<1x100xi32, #tpu.memory_space<vmem>> -> memref<100xi32, #tpu.memory_space<vmem>>
      %dma_wait3A_45 = arith.constant 0 : i32
      %dma_wait3A_46 = arith.constant 0 : i32
      %dma_wait3A_47 = tpu.memref_slice %arg2[%dma_wait3A_45, %dma_wait3A_46] : memref<20000x128xf32, #tpu.memory_space<hbm>> -> memref<20000x128xf32, #tpu.memory_space<hbm>>
      tpu.wait_indirect_dma semaphore(%arg12 : memref<!tpu.dma_semaphore, #tpu.memory_space<semaphore_mem>>) src(%dma_wait3A_47 : memref<20000x128xf32, #tpu.memory_space<hbm>>) dst(%arg8 : memref<100x128xf32, #tpu.memory_space<vmem>>)
      %dma_start3A_48 = arith.constant 39 : i32
      %dma_start3A_49 = arith.constant 0 : i32
      %dma_start3A_50 = tpu.memref_slice %arg7[%dma_start3A_48, %dma_start3A_49] : memref<40x100xi32, #tpu.memory_space<vmem>> -> memref<1x100xi32, #tpu.memory_space<vmem>>
      %dma_start3A_51 = tpu.memref_squeeze %dma_start3A_50 : memref<1x100xi32, #tpu.memory_space<vmem>> -> memref<100xi32, #tpu.memory_space<vmem>>
      %dma_start3A_52 = arith.constant 0 : i32
      %dma_start3A_53 = arith.constant 0 : i32
      %dma_start3A_54 = tpu.memref_slice %arg11[%dma_start3A_52, %dma_start3A_53] : memref<10000x128xf32, #tpu.memory_space<vmem_shared>> -> memref<10000x128xf32, #tpu.memory_space<vmem_shared>>
      tpu.enqueue_indirect_dma source(%arg8 : memref<100x128xf32, #tpu.memory_space<vmem>>) target(%dma_start3A_54 : memref<10000x128xf32, #tpu.memory_space<vmem_shared>>) offsets(%dma_start3A_51 : memref<100xi32, #tpu.memory_space<vmem>>) semaphore(%arg15 : memref<!tpu.dma_semaphore, #tpu.memory_space<semaphore_mem>>) {add = true}
      %dma_wait3A_55 = arith.constant 38 : i32
      %dma_wait3A_56 = arith.constant 0 : i32
      %dma_wait3A_57 = tpu.memref_slice %arg7[%dma_wait3A_55, %dma_wait3A_56] : memref<40x100xi32, #tpu.memory_space<vmem>> -> memref<1x100xi32, #tpu.memory_space<vmem>>
      %dma_wait3A_58 = tpu.memref_squeeze %dma_wait3A_57 : memref<1x100xi32, #tpu.memory_space<vmem>> -> memref<100xi32, #tpu.memory_space<vmem>>
      %dma_wait3A_59 = arith.constant 0 : i32
      %dma_wait3A_60 = arith.constant 0 : i32
      %dma_wait3A_61 = tpu.memref_slice %arg11[%dma_wait3A_59, %dma_wait3A_60] : memref<10000x128xf32, #tpu.memory_space<vmem_shared>> -> memref<10000x128xf32, #tpu.memory_space<vmem_shared>>
      tpu.wait_indirect_dma semaphore(%arg17 : memref<!tpu.dma_semaphore, #tpu.memory_space<semaphore_mem>>) src(%arg10 : memref<100x128xf32, #tpu.memory_space<vmem>>) dst(%dma_wait3A_61 : memref<10000x128xf32, #tpu.memory_space<vmem_shared>>)
      %dma_wait3A_62 = arith.constant 39 : i32
      %dma_wait3A_63 = arith.constant 0 : i32
      %dma_wait3A_64 = tpu.memref_slice %arg7[%dma_wait3A_62, %dma_wait3A_63] : memref<40x100xi32, #tpu.memory_space<vmem>> -> memref<1x100xi32, #tpu.memory_space<vmem>>
      %dma_wait3A_65 = tpu.memref_squeeze %dma_wait3A_64 : memref<1x100xi32, #tpu.memory_space<vmem>> -> memref<100xi32, #tpu.memory_space<vmem>>
      %dma_wait3A_66 = arith.constant 0 : i32
      %dma_wait3A_67 = arith.constant 0 : i32
      %dma_wait3A_68 = tpu.memref_slice %arg11[%dma_wait3A_66, %dma_wait3A_67] : memref<10000x128xf32, #tpu.memory_space<vmem_shared>> -> memref<10000x128xf32, #tpu.memory_space<vmem_shared>>
      tpu.wait_indirect_dma semaphore(%arg15 : memref<!tpu.dma_semaphore, #tpu.memory_space<semaphore_mem>>) src(%arg8 : memref<100x128xf32, #tpu.memory_space<vmem>>) dst(%dma_wait3A_68 : memref<10000x128xf32, #tpu.memory_space<vmem_shared>>)
    }
    %scan3A_11 = arith.constant 5 : i32
    %barrier3A_12 = arith.constant 0 : index
    tpu.barrier barrier_id(%barrier3A_12)
    %mul3A_13 = arith.constant 624 : i32
    %mul3A_14 = arith.muli %arg1, %mul3A_13 : i32
    %mul3A_15 = arith.constant 624 : i32
    %mul3A_16 = arith.muli %arg1, %mul3A_15 : i32
    "tpu.region"() ({
      %run_scoped3A = tpu.sem_alloc : memref<!tpu.dma_semaphore, #tpu.memory_space<semaphore_mem>>
      %dma_start3A = arith.constant 0 : i32
      %dma_start3A_22 = tpu.memref_slice %arg5[%arg0, %mul3A_16, %dma_start3A] : memref<2x10000x128xf32, #tpu.memory_space<hbm>> -> memref<1x624x128xf32, #tpu.memory_space<hbm>>
      %dma_start3A_23 = tpu.memref_squeeze %dma_start3A_22 : memref<1x624x128xf32, #tpu.memory_space<hbm>> -> memref<624x128xf32, #tpu.memory_space<hbm>>
      %dma_start3A_24 = arith.constant 0 : i32
      %dma_start3A_25 = tpu.memref_slice %arg11[%mul3A_14, %dma_start3A_24] : memref<10000x128xf32, #tpu.memory_space<vmem_shared>> -> memref<624x128xf32, #tpu.memory_space<vmem_shared>>
      tpu.enqueue_dma source(%dma_start3A_25 : memref<624x128xf32, #tpu.memory_space<vmem_shared>>) target(%dma_start3A_23 : memref<624x128xf32, #tpu.memory_space<hbm>>) target_semaphore(%run_scoped3A : memref<!tpu.dma_semaphore, #tpu.memory_space<semaphore_mem>>)
      %dma_wait3A = arith.constant 0 : i32
      %dma_wait3A_26 = tpu.memref_slice %arg5[%arg0, %mul3A_16, %dma_wait3A] : memref<2x10000x128xf32, #tpu.memory_space<hbm>> -> memref<1x624x128xf32, #tpu.memory_space<hbm>>
      %dma_wait3A_27 = tpu.memref_squeeze %dma_wait3A_26 : memref<1x624x128xf32, #tpu.memory_space<hbm>> -> memref<624x128xf32, #tpu.memory_space<hbm>>
      %dma_wait3A_28 = arith.constant 0 : i32
      %dma_wait3A_29 = tpu.memref_slice %arg11[%mul3A_14, %dma_wait3A_28] : memref<10000x128xf32, #tpu.memory_space<vmem_shared>> -> memref<624x128xf32, #tpu.memory_space<vmem_shared>>
      tpu.wait_dma2 semaphore(%run_scoped3A : memref<!tpu.dma_semaphore, #tpu.memory_space<semaphore_mem>>) src(%dma_wait3A_29 : memref<624x128xf32, #tpu.memory_space<vmem_shared>>) dst(%dma_wait3A_27 : memref<624x128xf32, #tpu.memory_space<hbm>>)
      tpu.yield
    }) : () -> ()
    %eq3A_17 = arith.constant 15 : i32
    %eq3A_18 = arith.cmpi eq, %arg1, %eq3A_17 : i32
    %convert_element_type3A_19 = arith.extui %eq3A_18 : i1 to i32
    %cond3A_20 = arith.constant 0 : i32
    %cond3A_21 = arith.cmpi ne, %convert_element_type3A_19, %cond3A_20 : i32
    scf.if %cond3A_21 {
      "tpu.region"() ({
        %run_scoped3A = tpu.sem_alloc : memref<!tpu.dma_semaphore, #tpu.memory_space<semaphore_mem>>
        %dma_start3A = arith.constant 9984 : i32
        %dma_start3A_22 = arith.constant 0 : i32
        %dma_start3A_23 = tpu.memref_slice %arg5[%arg0, %dma_start3A, %dma_start3A_22] : memref<2x10000x128xf32, #tpu.memory_space<hbm>> -> memref<1x16x128xf32, #tpu.memory_space<hbm>>
        %dma_start3A_24 = tpu.memref_squeeze %dma_start3A_23 : memref<1x16x128xf32, #tpu.memory_space<hbm>> -> memref<16x128xf32, #tpu.memory_space<hbm>>
        %dma_start3A_25 = arith.constant 9984 : i32
        %dma_start3A_26 = arith.constant 0 : i32
        %dma_start3A_27 = tpu.memref_slice %arg11[%dma_start3A_25, %dma_start3A_26] : memref<10000x128xf32, #tpu.memory_space<vmem_shared>> -> memref<16x128xf32, #tpu.memory_space<vmem_shared>>
        tpu.enqueue_dma source(%dma_start3A_27 : memref<16x128xf32, #tpu.memory_space<vmem_shared>>) target(%dma_start3A_24 : memref<16x128xf32, #tpu.memory_space<hbm>>) target_semaphore(%run_scoped3A : memref<!tpu.dma_semaphore, #tpu.memory_space<semaphore_mem>>)
        %dma_wait3A = arith.constant 9984 : i32
        %dma_wait3A_28 = arith.constant 0 : i32
        %dma_wait3A_29 = tpu.memref_slice %arg5[%arg0, %dma_wait3A, %dma_wait3A_28] : memref<2x10000x128xf32, #tpu.memory_space<hbm>> -> memref<1x16x128xf32, #tpu.memory_space<hbm>>
        %dma_wait3A_30 = tpu.memref_squeeze %dma_wait3A_29 : memref<1x16x128xf32, #tpu.memory_space<hbm>> -> memref<16x128xf32, #tpu.memory_space<hbm>>
        %dma_wait3A_31 = arith.constant 9984 : i32
        %dma_wait3A_32 = arith.constant 0 : i32
        %dma_wait3A_33 = tpu.memref_slice %arg11[%dma_wait3A_31, %dma_wait3A_32] : memref<10000x128xf32, #tpu.memory_space<vmem_shared>> -> memref<16x128xf32, #tpu.memory_space<vmem_shared>>
        tpu.wait_dma2 semaphore(%run_scoped3A : memref<!tpu.dma_semaphore, #tpu.memory_space<semaphore_mem>>) src(%dma_wait3A_33 : memref<16x128xf32, #tpu.memory_space<vmem_shared>>) dst(%dma_wait3A_30 : memref<16x128xf32, #tpu.memory_space<hbm>>)
        tpu.yield
      }) : () -> ()
    } else {
    }
    return
  }
}

#map = affine_map<(d0, d1) -> (0, 0, 0, 0, 0)>
#map1 = affine_map<(d0, d1) -> (0)>
#map2 = affine_map<(d0, d1) -> (0, 0, 0)>
module attributes {stable_mosaic.version = 14 : i64} {
  func.func @_deg_kernel(%arg0: i32, %arg1: i32, %arg2: memref<2x16x4x25x100xi32, #tpu.memory_space<hbm>>, %arg3: memref<100xf32, #tpu.memory_space<hbm>>, %arg4: memref<10240xf32, #tpu.memory_space<hbm>>, %arg5: memref<2x1x10240xf32, #tpu.memory_space<hbm>>, %arg6: memref<25x100xi32, #tpu.memory_space<vmem>>, %arg7: memref<100xf32, #tpu.memory_space<vmem>>, %arg8: memref<10240xf32, #tpu.memory_space<vmem_shared>>) attributes {dimension_semantics = [#tpu.dimension_semantics<core_parallel>, #tpu.dimension_semantics<subcore_parallel>], iteration_bounds = array<i64: 2, 16>, scalar_prefetch = 0 : i64, scratch_operands = 3 : i64, tpu.core_type = #tpu.core_type<sc_vector_subcore>, window_params = [{transform_indices = #map}, {transform_indices = #map1}, {transform_indices = #map1}, {transform_indices = #map2}]} {
    %mul3A = arith.constant 640 : i32
    %mul3A_0 = arith.muli %arg1, %mul3A : i32
    %mul3A_1 = arith.constant 640 : i32
    %mul3A_2 = arith.muli %arg1, %mul3A_1 : i32
    "tpu.region"() ({
      %run_scoped3A_13 = tpu.sem_alloc : memref<!tpu.dma_semaphore, #tpu.memory_space<semaphore_mem>>
      %dma_start3A = tpu.memref_slice %arg8[%mul3A_2] : memref<10240xf32, #tpu.memory_space<vmem_shared>> -> memref<640xf32, #tpu.memory_space<vmem_shared>>
      %dma_start3A_14 = tpu.memref_slice %arg4[%mul3A_0] : memref<10240xf32, #tpu.memory_space<hbm>> -> memref<640xf32, #tpu.memory_space<hbm>>
      tpu.enqueue_dma source(%dma_start3A_14 : memref<640xf32, #tpu.memory_space<hbm>>) target(%dma_start3A : memref<640xf32, #tpu.memory_space<vmem_shared>>) target_semaphore(%run_scoped3A_13 : memref<!tpu.dma_semaphore, #tpu.memory_space<semaphore_mem>>)
      %dma_wait3A = tpu.memref_slice %arg8[%mul3A_2] : memref<10240xf32, #tpu.memory_space<vmem_shared>> -> memref<640xf32, #tpu.memory_space<vmem_shared>>
      %dma_wait3A_15 = tpu.memref_slice %arg4[%mul3A_0] : memref<10240xf32, #tpu.memory_space<hbm>> -> memref<640xf32, #tpu.memory_space<hbm>>
      tpu.wait_dma2 semaphore(%run_scoped3A_13 : memref<!tpu.dma_semaphore, #tpu.memory_space<semaphore_mem>>) src(%dma_wait3A_15 : memref<640xf32, #tpu.memory_space<hbm>>) dst(%dma_wait3A : memref<640xf32, #tpu.memory_space<vmem_shared>>)
      tpu.yield
    }) : () -> ()
    "tpu.region"() ({
      %run_scoped3A_13 = tpu.sem_alloc : memref<!tpu.dma_semaphore, #tpu.memory_space<semaphore_mem>>
      tpu.enqueue_dma source(%arg3 : memref<100xf32, #tpu.memory_space<hbm>>) target(%arg7 : memref<100xf32, #tpu.memory_space<vmem>>) target_semaphore(%run_scoped3A_13 : memref<!tpu.dma_semaphore, #tpu.memory_space<semaphore_mem>>)
      tpu.wait_dma2 semaphore(%run_scoped3A_13 : memref<!tpu.dma_semaphore, #tpu.memory_space<semaphore_mem>>) src(%arg3 : memref<100xf32, #tpu.memory_space<hbm>>) dst(%arg7 : memref<100xf32, #tpu.memory_space<vmem>>)
      tpu.yield
    }) : () -> ()
    %barrier3A = arith.constant 0 : index
    tpu.barrier barrier_id(%barrier3A)
    %scan3A = arith.constant 0 : i32
    %scan3A_3 = arith.constant 0 : i32
    %scan3A_4 = arith.constant 4 : i32
    %scan3A_5 = arith.addi %scan3A_3, %scan3A_4 : i32
    %scan3A_6 = arith.constant 1 : i32
    scf.for %scan3A_13 = %scan3A_3 to %scan3A_5 step %scan3A_6  : i32 {
      "tpu.region"() ({
        %run_scoped3A_19 = tpu.sem_alloc : memref<!tpu.dma_semaphore, #tpu.memory_space<semaphore_mem>>
        %dma_start3A = arith.constant 0 : i32
        %dma_start3A_20 = arith.constant 0 : i32
        %dma_start3A_21 = tpu.memref_slice %arg2[%arg0, %arg1, %scan3A_13, %dma_start3A, %dma_start3A_20] : memref<2x16x4x25x100xi32, #tpu.memory_space<hbm>> -> memref<1x1x1x25x100xi32, #tpu.memory_space<hbm>>
        %dma_start3A_22 = tpu.memref_squeeze %dma_start3A_21 : memref<1x1x1x25x100xi32, #tpu.memory_space<hbm>> -> memref<25x100xi32, #tpu.memory_space<hbm>>
        %dma_start3A_23 = arith.constant 0 : i32
        %dma_start3A_24 = arith.constant 0 : i32
        %dma_start3A_25 = tpu.memref_slice %arg2[%arg0, %arg1, %scan3A_13, %dma_start3A_23, %dma_start3A_24] : memref<2x16x4x25x100xi32, #tpu.memory_space<hbm>> -> memref<1x1x1x25x100xi32, #tpu.memory_space<hbm>>
        %dma_start3A_26 = tpu.memref_squeeze %dma_start3A_25 : memref<1x1x1x25x100xi32, #tpu.memory_space<hbm>> -> memref<25x100xi32, #tpu.memory_space<hbm>>
        tpu.enqueue_dma source(%dma_start3A_26 : memref<25x100xi32, #tpu.memory_space<hbm>>) target(%arg6 : memref<25x100xi32, #tpu.memory_space<vmem>>) target_semaphore(%run_scoped3A_19 : memref<!tpu.dma_semaphore, #tpu.memory_space<semaphore_mem>>)
        %dma_wait3A = arith.constant 0 : i32
        %dma_wait3A_27 = arith.constant 0 : i32
        %dma_wait3A_28 = tpu.memref_slice %arg2[%arg0, %arg1, %scan3A_13, %dma_wait3A, %dma_wait3A_27] : memref<2x16x4x25x100xi32, #tpu.memory_space<hbm>> -> memref<1x1x1x25x100xi32, #tpu.memory_space<hbm>>
        %dma_wait3A_29 = tpu.memref_squeeze %dma_wait3A_28 : memref<1x1x1x25x100xi32, #tpu.memory_space<hbm>> -> memref<25x100xi32, #tpu.memory_space<hbm>>
        %dma_wait3A_30 = arith.constant 0 : i32
        %dma_wait3A_31 = arith.constant 0 : i32
        %dma_wait3A_32 = tpu.memref_slice %arg2[%arg0, %arg1, %scan3A_13, %dma_wait3A_30, %dma_wait3A_31] : memref<2x16x4x25x100xi32, #tpu.memory_space<hbm>> -> memref<1x1x1x25x100xi32, #tpu.memory_space<hbm>>
        %dma_wait3A_33 = tpu.memref_squeeze %dma_wait3A_32 : memref<1x1x1x25x100xi32, #tpu.memory_space<hbm>> -> memref<25x100xi32, #tpu.memory_space<hbm>>
        tpu.wait_dma2 semaphore(%run_scoped3A_19 : memref<!tpu.dma_semaphore, #tpu.memory_space<semaphore_mem>>) src(%dma_wait3A_33 : memref<25x100xi32, #tpu.memory_space<hbm>>) dst(%arg6 : memref<25x100xi32, #tpu.memory_space<vmem>>)
        tpu.yield
      }) : () -> ()
      %scan3A_14 = arith.constant 0 : i32
      %scan3A_15 = arith.constant 25 : i32
      %scan3A_16 = arith.addi %scan3A_14, %scan3A_15 : i32
      %scan3A_17 = arith.constant 1 : i32
      scf.for %scan3A_19 = %scan3A_14 to %scan3A_16 step %scan3A_17  : i32 {
        "tpu.region"() ({
          %run_scoped3A_20 = tpu.sem_alloc : memref<!tpu.dma_semaphore, #tpu.memory_space<semaphore_mem>>
          %dma_start3A = arith.constant 0 : i32
          %dma_start3A_21 = tpu.memref_slice %arg6[%scan3A_19, %dma_start3A] : memref<25x100xi32, #tpu.memory_space<vmem>> -> memref<1x100xi32, #tpu.memory_space<vmem>>
          %dma_start3A_22 = tpu.memref_squeeze %dma_start3A_21 : memref<1x100xi32, #tpu.memory_space<vmem>> -> memref<100xi32, #tpu.memory_space<vmem>>
          %dma_start3A_23 = arith.constant 0 : i32
          %dma_start3A_24 = tpu.memref_slice %arg8[%dma_start3A_23] : memref<10240xf32, #tpu.memory_space<vmem_shared>> -> memref<10240xf32, #tpu.memory_space<vmem_shared>>
          tpu.enqueue_indirect_dma source(%arg7 : memref<100xf32, #tpu.memory_space<vmem>>) target(%dma_start3A_24 : memref<10240xf32, #tpu.memory_space<vmem_shared>>) offsets(%dma_start3A_22 : memref<100xi32, #tpu.memory_space<vmem>>) semaphore(%run_scoped3A_20 : memref<!tpu.dma_semaphore, #tpu.memory_space<semaphore_mem>>) {add = true}
          %dma_wait3A = arith.constant 0 : i32
          %dma_wait3A_25 = tpu.memref_slice %arg6[%scan3A_19, %dma_wait3A] : memref<25x100xi32, #tpu.memory_space<vmem>> -> memref<1x100xi32, #tpu.memory_space<vmem>>
          %dma_wait3A_26 = tpu.memref_squeeze %dma_wait3A_25 : memref<1x100xi32, #tpu.memory_space<vmem>> -> memref<100xi32, #tpu.memory_space<vmem>>
          %dma_wait3A_27 = arith.constant 0 : i32
          %dma_wait3A_28 = tpu.memref_slice %arg8[%dma_wait3A_27] : memref<10240xf32, #tpu.memory_space<vmem_shared>> -> memref<10240xf32, #tpu.memory_space<vmem_shared>>
          tpu.wait_indirect_dma semaphore(%run_scoped3A_20 : memref<!tpu.dma_semaphore, #tpu.memory_space<semaphore_mem>>) src(%arg7 : memref<100xf32, #tpu.memory_space<vmem>>) dst(%dma_wait3A_28 : memref<10240xf32, #tpu.memory_space<vmem_shared>>)
          tpu.yield
        }) : () -> ()
      }
      %scan3A_18 = arith.constant 25 : i32
    }
    %scan3A_7 = arith.constant 4 : i32
    %barrier3A_8 = arith.constant 0 : index
    tpu.barrier barrier_id(%barrier3A_8)
    %mul3A_9 = arith.constant 640 : i32
    %mul3A_10 = arith.muli %arg1, %mul3A_9 : i32
    %mul3A_11 = arith.constant 640 : i32
    %mul3A_12 = arith.muli %arg1, %mul3A_11 : i32
    %run_scoped3A = arith.constant 0 : i32
    "tpu.region"() ({
      %run_scoped3A_13 = tpu.sem_alloc : memref<!tpu.dma_semaphore, #tpu.memory_space<semaphore_mem>>
      %dma_start3A = tpu.memref_slice %arg5[%arg0, %run_scoped3A, %mul3A_12] : memref<2x1x10240xf32, #tpu.memory_space<hbm>> -> memref<1x1x640xf32, #tpu.memory_space<hbm>>
      %dma_start3A_14 = tpu.memref_squeeze %dma_start3A : memref<1x1x640xf32, #tpu.memory_space<hbm>> -> memref<640xf32, #tpu.memory_space<hbm>>
      %dma_start3A_15 = tpu.memref_slice %arg8[%mul3A_10] : memref<10240xf32, #tpu.memory_space<vmem_shared>> -> memref<640xf32, #tpu.memory_space<vmem_shared>>
      tpu.enqueue_dma source(%dma_start3A_15 : memref<640xf32, #tpu.memory_space<vmem_shared>>) target(%dma_start3A_14 : memref<640xf32, #tpu.memory_space<hbm>>) target_semaphore(%run_scoped3A_13 : memref<!tpu.dma_semaphore, #tpu.memory_space<semaphore_mem>>)
      %dma_wait3A = tpu.memref_slice %arg5[%arg0, %run_scoped3A, %mul3A_12] : memref<2x1x10240xf32, #tpu.memory_space<hbm>> -> memref<1x1x640xf32, #tpu.memory_space<hbm>>
      %dma_wait3A_16 = tpu.memref_squeeze %dma_wait3A : memref<1x1x640xf32, #tpu.memory_space<hbm>> -> memref<640xf32, #tpu.memory_space<hbm>>
      %dma_wait3A_17 = tpu.memref_slice %arg8[%mul3A_10] : memref<10240xf32, #tpu.memory_space<vmem_shared>> -> memref<640xf32, #tpu.memory_space<vmem_shared>>
      tpu.wait_dma2 semaphore(%run_scoped3A_13 : memref<!tpu.dma_semaphore, #tpu.memory_space<semaphore_mem>>) src(%dma_wait3A_17 : memref<640xf32, #tpu.memory_space<vmem_shared>>) dst(%dma_wait3A_16 : memref<640xf32, #tpu.memory_space<hbm>>)
      tpu.yield
    }) : () -> ()
    return
  }
}

#map = affine_map<(d0, d1) -> (0, 0)>
#map1 = affine_map<(d0, d1) -> (0, 0, 0, 0, 0)>
#map2 = affine_map<(d0, d1) -> (0, 0, 0)>
module attributes {stable_mosaic.version = 14 : i64} {
  func.func @_prop(%arg0: i32, %arg1: i32, %arg2: memref<10000x128xf32, #tpu.memory_space<hbm>>, %arg3: memref<2x16x4x25x100xi32, #tpu.memory_space<hbm>>, %arg4: memref<2x16x4x25x100xi32, #tpu.memory_space<hbm>>, %arg5: memref<10000x128xf32, #tpu.memory_space<hbm>>, %arg6: memref<2x10000x128xf32, #tpu.memory_space<hbm>>, %arg7: memref<25x100xi32, #tpu.memory_space<vmem>>, %arg8: memref<25x100xi32, #tpu.memory_space<vmem>>, %arg9: memref<100x128xf32, #tpu.memory_space<vmem>>, %arg10: memref<100x128xf32, #tpu.memory_space<vmem>>, %arg11: memref<100x128xf32, #tpu.memory_space<vmem>>, %arg12: memref<10000x128xf32, #tpu.memory_space<vmem_shared>>, %arg13: memref<!tpu.dma_semaphore, #tpu.memory_space<semaphore_mem>>, %arg14: memref<!tpu.dma_semaphore, #tpu.memory_space<semaphore_mem>>, %arg15: memref<!tpu.dma_semaphore, #tpu.memory_space<semaphore_mem>>, %arg16: memref<!tpu.dma_semaphore, #tpu.memory_space<semaphore_mem>>, %arg17: memref<!tpu.dma_semaphore, #tpu.memory_space<semaphore_mem>>, %arg18: memref<!tpu.dma_semaphore, #tpu.memory_space<semaphore_mem>>) attributes {dimension_semantics = [#tpu.dimension_semantics<core_parallel>, #tpu.dimension_semantics<subcore_parallel>], iteration_bounds = array<i64: 2, 16>, scalar_prefetch = 0 : i64, scratch_operands = 12 : i64, tpu.core_type = #tpu.core_type<sc_vector_subcore>, window_params = [{transform_indices = #map}, {transform_indices = #map1}, {transform_indices = #map1}, {transform_indices = #map}, {transform_indices = #map2}]} {
    %eq3A = arith.constant 0 : i32
    %eq3A_0 = arith.cmpi eq, %arg0, %eq3A : i32
    %convert_element_type3A = arith.extui %eq3A_0 : i1 to i32
    %cond3A = arith.constant 0 : i32
    %cond3A_1 = arith.cmpi ne, %convert_element_type3A, %cond3A : i32
    scf.if %cond3A_1 {
      %mul3A_21 = arith.constant 624 : i32
      %mul3A_22 = arith.muli %arg1, %mul3A_21 : i32
      %mul3A_23 = arith.constant 624 : i32
      %mul3A_24 = arith.muli %arg1, %mul3A_23 : i32
      "tpu.region"() ({
        %run_scoped3A = tpu.sem_alloc : memref<!tpu.dma_semaphore, #tpu.memory_space<semaphore_mem>>
        %dma_start3A = arith.constant 0 : i32
        %dma_start3A_30 = tpu.memref_slice %arg12[%mul3A_24, %dma_start3A] : memref<10000x128xf32, #tpu.memory_space<vmem_shared>> -> memref<624x128xf32, #tpu.memory_space<vmem_shared>>
        %dma_start3A_31 = arith.constant 0 : i32
        %dma_start3A_32 = tpu.memref_slice %arg2[%mul3A_22, %dma_start3A_31] : memref<10000x128xf32, #tpu.memory_space<hbm>> -> memref<624x128xf32, #tpu.memory_space<hbm>>
        tpu.enqueue_dma source(%dma_start3A_32 : memref<624x128xf32, #tpu.memory_space<hbm>>) target(%dma_start3A_30 : memref<624x128xf32, #tpu.memory_space<vmem_shared>>) target_semaphore(%run_scoped3A : memref<!tpu.dma_semaphore, #tpu.memory_space<semaphore_mem>>)
        %dma_wait3A = arith.constant 0 : i32
        %dma_wait3A_33 = tpu.memref_slice %arg12[%mul3A_24, %dma_wait3A] : memref<10000x128xf32, #tpu.memory_space<vmem_shared>> -> memref<624x128xf32, #tpu.memory_space<vmem_shared>>
        %dma_wait3A_34 = arith.constant 0 : i32
        %dma_wait3A_35 = tpu.memref_slice %arg2[%mul3A_22, %dma_wait3A_34] : memref<10000x128xf32, #tpu.memory_space<hbm>> -> memref<624x128xf32, #tpu.memory_space<hbm>>
        tpu.wait_dma2 semaphore(%run_scoped3A : memref<!tpu.dma_semaphore, #tpu.memory_space<semaphore_mem>>) src(%dma_wait3A_35 : memref<624x128xf32, #tpu.memory_space<hbm>>) dst(%dma_wait3A_33 : memref<624x128xf32, #tpu.memory_space<vmem_shared>>)
        tpu.yield
      }) : () -> ()
      %eq3A_25 = arith.constant 15 : i32
      %eq3A_26 = arith.cmpi eq, %arg1, %eq3A_25 : i32
      %convert_element_type3A_27 = arith.extui %eq3A_26 : i1 to i32
      %cond3A_28 = arith.constant 0 : i32
      %cond3A_29 = arith.cmpi ne, %convert_element_type3A_27, %cond3A_28 : i32
      scf.if %cond3A_29 {
        "tpu.region"() ({
          %run_scoped3A = tpu.sem_alloc : memref<!tpu.dma_semaphore, #tpu.memory_space<semaphore_mem>>
          %dma_start3A = arith.constant 9984 : i32
          %dma_start3A_30 = arith.constant 0 : i32
          %dma_start3A_31 = tpu.memref_slice %arg12[%dma_start3A, %dma_start3A_30] : memref<10000x128xf32, #tpu.memory_space<vmem_shared>> -> memref<16x128xf32, #tpu.memory_space<vmem_shared>>
          %dma_start3A_32 = arith.constant 9984 : i32
          %dma_start3A_33 = arith.constant 0 : i32
          %dma_start3A_34 = tpu.memref_slice %arg2[%dma_start3A_32, %dma_start3A_33] : memref<10000x128xf32, #tpu.memory_space<hbm>> -> memref<16x128xf32, #tpu.memory_space<hbm>>
          tpu.enqueue_dma source(%dma_start3A_34 : memref<16x128xf32, #tpu.memory_space<hbm>>) target(%dma_start3A_31 : memref<16x128xf32, #tpu.memory_space<vmem_shared>>) target_semaphore(%run_scoped3A : memref<!tpu.dma_semaphore, #tpu.memory_space<semaphore_mem>>)
          %dma_wait3A = arith.constant 9984 : i32
          %dma_wait3A_35 = arith.constant 0 : i32
          %dma_wait3A_36 = tpu.memref_slice %arg12[%dma_wait3A, %dma_wait3A_35] : memref<10000x128xf32, #tpu.memory_space<vmem_shared>> -> memref<16x128xf32, #tpu.memory_space<vmem_shared>>
          %dma_wait3A_37 = arith.constant 9984 : i32
          %dma_wait3A_38 = arith.constant 0 : i32
          %dma_wait3A_39 = tpu.memref_slice %arg2[%dma_wait3A_37, %dma_wait3A_38] : memref<10000x128xf32, #tpu.memory_space<hbm>> -> memref<16x128xf32, #tpu.memory_space<hbm>>
          tpu.wait_dma2 semaphore(%run_scoped3A : memref<!tpu.dma_semaphore, #tpu.memory_space<semaphore_mem>>) src(%dma_wait3A_39 : memref<16x128xf32, #tpu.memory_space<hbm>>) dst(%dma_wait3A_36 : memref<16x128xf32, #tpu.memory_space<vmem_shared>>)
          tpu.yield
        }) : () -> ()
      } else {
      }
    } else {
    }
    %eq3A_2 = arith.constant 1 : i32
    %eq3A_3 = arith.cmpi eq, %arg0, %eq3A_2 : i32
    %convert_element_type3A_4 = arith.extui %eq3A_3 : i1 to i32
    %cond3A_5 = arith.constant 0 : i32
    %cond3A_6 = arith.cmpi ne, %convert_element_type3A_4, %cond3A_5 : i32
    scf.if %cond3A_6 {
      %mul3A_21 = arith.constant 624 : i32
      %mul3A_22 = arith.muli %arg1, %mul3A_21 : i32
      %mul3A_23 = arith.constant 624 : i32
      %mul3A_24 = arith.muli %arg1, %mul3A_23 : i32
      "tpu.region"() ({
        %run_scoped3A = tpu.sem_alloc : memref<!tpu.dma_semaphore, #tpu.memory_space<semaphore_mem>>
        %dma_start3A = arith.constant 0 : i32
        %dma_start3A_30 = tpu.memref_slice %arg12[%mul3A_24, %dma_start3A] : memref<10000x128xf32, #tpu.memory_space<vmem_shared>> -> memref<624x128xf32, #tpu.memory_space<vmem_shared>>
        %dma_start3A_31 = arith.constant 0 : i32
        %dma_start3A_32 = tpu.memref_slice %arg5[%mul3A_22, %dma_start3A_31] : memref<10000x128xf32, #tpu.memory_space<hbm>> -> memref<624x128xf32, #tpu.memory_space<hbm>>
        tpu.enqueue_dma source(%dma_start3A_32 : memref<624x128xf32, #tpu.memory_space<hbm>>) target(%dma_start3A_30 : memref<624x128xf32, #tpu.memory_space<vmem_shared>>) target_semaphore(%run_scoped3A : memref<!tpu.dma_semaphore, #tpu.memory_space<semaphore_mem>>)
        %dma_wait3A = arith.constant 0 : i32
        %dma_wait3A_33 = tpu.memref_slice %arg12[%mul3A_24, %dma_wait3A] : memref<10000x128xf32, #tpu.memory_space<vmem_shared>> -> memref<624x128xf32, #tpu.memory_space<vmem_shared>>
        %dma_wait3A_34 = arith.constant 0 : i32
        %dma_wait3A_35 = tpu.memref_slice %arg5[%mul3A_22, %dma_wait3A_34] : memref<10000x128xf32, #tpu.memory_space<hbm>> -> memref<624x128xf32, #tpu.memory_space<hbm>>
        tpu.wait_dma2 semaphore(%run_scoped3A : memref<!tpu.dma_semaphore, #tpu.memory_space<semaphore_mem>>) src(%dma_wait3A_35 : memref<624x128xf32, #tpu.memory_space<hbm>>) dst(%dma_wait3A_33 : memref<624x128xf32, #tpu.memory_space<vmem_shared>>)
        tpu.yield
      }) : () -> ()
      %eq3A_25 = arith.constant 15 : i32
      %eq3A_26 = arith.cmpi eq, %arg1, %eq3A_25 : i32
      %convert_element_type3A_27 = arith.extui %eq3A_26 : i1 to i32
      %cond3A_28 = arith.constant 0 : i32
      %cond3A_29 = arith.cmpi ne, %convert_element_type3A_27, %cond3A_28 : i32
      scf.if %cond3A_29 {
        "tpu.region"() ({
          %run_scoped3A = tpu.sem_alloc : memref<!tpu.dma_semaphore, #tpu.memory_space<semaphore_mem>>
          %dma_start3A = arith.constant 9984 : i32
          %dma_start3A_30 = arith.constant 0 : i32
          %dma_start3A_31 = tpu.memref_slice %arg12[%dma_start3A, %dma_start3A_30] : memref<10000x128xf32, #tpu.memory_space<vmem_shared>> -> memref<16x128xf32, #tpu.memory_space<vmem_shared>>
          %dma_start3A_32 = arith.constant 9984 : i32
          %dma_start3A_33 = arith.constant 0 : i32
          %dma_start3A_34 = tpu.memref_slice %arg5[%dma_start3A_32, %dma_start3A_33] : memref<10000x128xf32, #tpu.memory_space<hbm>> -> memref<16x128xf32, #tpu.memory_space<hbm>>
          tpu.enqueue_dma source(%dma_start3A_34 : memref<16x128xf32, #tpu.memory_space<hbm>>) target(%dma_start3A_31 : memref<16x128xf32, #tpu.memory_space<vmem_shared>>) target_semaphore(%run_scoped3A : memref<!tpu.dma_semaphore, #tpu.memory_space<semaphore_mem>>)
          %dma_wait3A = arith.constant 9984 : i32
          %dma_wait3A_35 = arith.constant 0 : i32
          %dma_wait3A_36 = tpu.memref_slice %arg12[%dma_wait3A, %dma_wait3A_35] : memref<10000x128xf32, #tpu.memory_space<vmem_shared>> -> memref<16x128xf32, #tpu.memory_space<vmem_shared>>
          %dma_wait3A_37 = arith.constant 9984 : i32
          %dma_wait3A_38 = arith.constant 0 : i32
          %dma_wait3A_39 = tpu.memref_slice %arg5[%dma_wait3A_37, %dma_wait3A_38] : memref<10000x128xf32, #tpu.memory_space<hbm>> -> memref<16x128xf32, #tpu.memory_space<hbm>>
          tpu.wait_dma2 semaphore(%run_scoped3A : memref<!tpu.dma_semaphore, #tpu.memory_space<semaphore_mem>>) src(%dma_wait3A_39 : memref<16x128xf32, #tpu.memory_space<hbm>>) dst(%dma_wait3A_36 : memref<16x128xf32, #tpu.memory_space<vmem_shared>>)
          tpu.yield
        }) : () -> ()
      } else {
      }
    } else {
    }
    %barrier3A = arith.constant 0 : index
    tpu.barrier barrier_id(%barrier3A)
    %scan3A = arith.constant 0 : i32
    %scan3A_7 = arith.constant 0 : i32
    %scan3A_8 = arith.constant 4 : i32
    %scan3A_9 = arith.addi %scan3A_7, %scan3A_8 : i32
    %scan3A_10 = arith.constant 1 : i32
    scf.for %scan3A_21 = %scan3A_7 to %scan3A_9 step %scan3A_10  : i32 {
      "tpu.region"() ({
        %run_scoped3A = tpu.sem_alloc : memref<!tpu.dma_semaphore, #tpu.memory_space<semaphore_mem>>
        %dma_start3A_68 = arith.constant 0 : i32
        %dma_start3A_69 = arith.constant 0 : i32
        %dma_start3A_70 = tpu.memref_slice %arg3[%arg0, %arg1, %scan3A_21, %dma_start3A_68, %dma_start3A_69] : memref<2x16x4x25x100xi32, #tpu.memory_space<hbm>> -> memref<1x1x1x25x100xi32, #tpu.memory_space<hbm>>
        %dma_start3A_71 = tpu.memref_squeeze %dma_start3A_70 : memref<1x1x1x25x100xi32, #tpu.memory_space<hbm>> -> memref<25x100xi32, #tpu.memory_space<hbm>>
        %dma_start3A_72 = arith.constant 0 : i32
        %dma_start3A_73 = arith.constant 0 : i32
        %dma_start3A_74 = tpu.memref_slice %arg3[%arg0, %arg1, %scan3A_21, %dma_start3A_72, %dma_start3A_73] : memref<2x16x4x25x100xi32, #tpu.memory_space<hbm>> -> memref<1x1x1x25x100xi32, #tpu.memory_space<hbm>>
        %dma_start3A_75 = tpu.memref_squeeze %dma_start3A_74 : memref<1x1x1x25x100xi32, #tpu.memory_space<hbm>> -> memref<25x100xi32, #tpu.memory_space<hbm>>
        tpu.enqueue_dma source(%dma_start3A_75 : memref<25x100xi32, #tpu.memory_space<hbm>>) target(%arg7 : memref<25x100xi32, #tpu.memory_space<vmem>>) target_semaphore(%run_scoped3A : memref<!tpu.dma_semaphore, #tpu.memory_space<semaphore_mem>>)
        %dma_wait3A_76 = arith.constant 0 : i32
        %dma_wait3A_77 = arith.constant 0 : i32
        %dma_wait3A_78 = tpu.memref_slice %arg3[%arg0, %arg1, %scan3A_21, %dma_wait3A_76, %dma_wait3A_77] : memref<2x16x4x25x100xi32, #tpu.memory_space<hbm>> -> memref<1x1x1x25x100xi32, #tpu.memory_space<hbm>>
        %dma_wait3A_79 = tpu.memref_squeeze %dma_wait3A_78 : memref<1x1x1x25x100xi32, #tpu.memory_space<hbm>> -> memref<25x100xi32, #tpu.memory_space<hbm>>
        %dma_wait3A_80 = arith.constant 0 : i32
        %dma_wait3A_81 = arith.constant 0 : i32
        %dma_wait3A_82 = tpu.memref_slice %arg3[%arg0, %arg1, %scan3A_21, %dma_wait3A_80, %dma_wait3A_81] : memref<2x16x4x25x100xi32, #tpu.memory_space<hbm>> -> memref<1x1x1x25x100xi32, #tpu.memory_space<hbm>>
        %dma_wait3A_83 = tpu.memref_squeeze %dma_wait3A_82 : memref<1x1x1x25x100xi32, #tpu.memory_space<hbm>> -> memref<25x100xi32, #tpu.memory_space<hbm>>
        tpu.wait_dma2 semaphore(%run_scoped3A : memref<!tpu.dma_semaphore, #tpu.memory_space<semaphore_mem>>) src(%dma_wait3A_83 : memref<25x100xi32, #tpu.memory_space<hbm>>) dst(%arg7 : memref<25x100xi32, #tpu.memory_space<vmem>>)
        tpu.yield
      }) : () -> ()
      "tpu.region"() ({
        %run_scoped3A = tpu.sem_alloc : memref<!tpu.dma_semaphore, #tpu.memory_space<semaphore_mem>>
        %dma_start3A_68 = arith.constant 0 : i32
        %dma_start3A_69 = arith.constant 0 : i32
        %dma_start3A_70 = tpu.memref_slice %arg4[%arg0, %arg1, %scan3A_21, %dma_start3A_68, %dma_start3A_69] : memref<2x16x4x25x100xi32, #tpu.memory_space<hbm>> -> memref<1x1x1x25x100xi32, #tpu.memory_space<hbm>>
        %dma_start3A_71 = tpu.memref_squeeze %dma_start3A_70 : memref<1x1x1x25x100xi32, #tpu.memory_space<hbm>> -> memref<25x100xi32, #tpu.memory_space<hbm>>
        %dma_start3A_72 = arith.constant 0 : i32
        %dma_start3A_73 = arith.constant 0 : i32
        %dma_start3A_74 = tpu.memref_slice %arg4[%arg0, %arg1, %scan3A_21, %dma_start3A_72, %dma_start3A_73] : memref<2x16x4x25x100xi32, #tpu.memory_space<hbm>> -> memref<1x1x1x25x100xi32, #tpu.memory_space<hbm>>
        %dma_start3A_75 = tpu.memref_squeeze %dma_start3A_74 : memref<1x1x1x25x100xi32, #tpu.memory_space<hbm>> -> memref<25x100xi32, #tpu.memory_space<hbm>>
        tpu.enqueue_dma source(%dma_start3A_75 : memref<25x100xi32, #tpu.memory_space<hbm>>) target(%arg8 : memref<25x100xi32, #tpu.memory_space<vmem>>) target_semaphore(%run_scoped3A : memref<!tpu.dma_semaphore, #tpu.memory_space<semaphore_mem>>)
        %dma_wait3A_76 = arith.constant 0 : i32
        %dma_wait3A_77 = arith.constant 0 : i32
        %dma_wait3A_78 = tpu.memref_slice %arg4[%arg0, %arg1, %scan3A_21, %dma_wait3A_76, %dma_wait3A_77] : memref<2x16x4x25x100xi32, #tpu.memory_space<hbm>> -> memref<1x1x1x25x100xi32, #tpu.memory_space<hbm>>
        %dma_wait3A_79 = tpu.memref_squeeze %dma_wait3A_78 : memref<1x1x1x25x100xi32, #tpu.memory_space<hbm>> -> memref<25x100xi32, #tpu.memory_space<hbm>>
        %dma_wait3A_80 = arith.constant 0 : i32
        %dma_wait3A_81 = arith.constant 0 : i32
        %dma_wait3A_82 = tpu.memref_slice %arg4[%arg0, %arg1, %scan3A_21, %dma_wait3A_80, %dma_wait3A_81] : memref<2x16x4x25x100xi32, #tpu.memory_space<hbm>> -> memref<1x1x1x25x100xi32, #tpu.memory_space<hbm>>
        %dma_wait3A_83 = tpu.memref_squeeze %dma_wait3A_82 : memref<1x1x1x25x100xi32, #tpu.memory_space<hbm>> -> memref<25x100xi32, #tpu.memory_space<hbm>>
        tpu.wait_dma2 semaphore(%run_scoped3A : memref<!tpu.dma_semaphore, #tpu.memory_space<semaphore_mem>>) src(%dma_wait3A_83 : memref<25x100xi32, #tpu.memory_space<hbm>>) dst(%arg8 : memref<25x100xi32, #tpu.memory_space<vmem>>)
        tpu.yield
      }) : () -> ()
      %dma_start3A = arith.constant 0 : i32
      %dma_start3A_22 = arith.constant 0 : i32
      %dma_start3A_23 = tpu.memref_slice %arg7[%dma_start3A, %dma_start3A_22] : memref<25x100xi32, #tpu.memory_space<vmem>> -> memref<1x100xi32, #tpu.memory_space<vmem>>
      %dma_start3A_24 = tpu.memref_squeeze %dma_start3A_23 : memref<1x100xi32, #tpu.memory_space<vmem>> -> memref<100xi32, #tpu.memory_space<vmem>>
      %dma_start3A_25 = arith.constant 0 : i32
      %dma_start3A_26 = arith.constant 0 : i32
      %dma_start3A_27 = tpu.memref_slice %arg2[%dma_start3A_25, %dma_start3A_26] : memref<10000x128xf32, #tpu.memory_space<hbm>> -> memref<10000x128xf32, #tpu.memory_space<hbm>>
      tpu.enqueue_indirect_dma source(%dma_start3A_27 : memref<10000x128xf32, #tpu.memory_space<hbm>>) target(%arg9 : memref<100x128xf32, #tpu.memory_space<vmem>>) offsets(%dma_start3A_24 : memref<100xi32, #tpu.memory_space<vmem>>) semaphore(%arg13 : memref<!tpu.dma_semaphore, #tpu.memory_space<semaphore_mem>>)
      %dma_start3A_28 = arith.constant 1 : i32
      %dma_start3A_29 = arith.constant 0 : i32
      %dma_start3A_30 = tpu.memref_slice %arg7[%dma_start3A_28, %dma_start3A_29] : memref<25x100xi32, #tpu.memory_space<vmem>> -> memref<1x100xi32, #tpu.memory_space<vmem>>
      %dma_start3A_31 = tpu.memref_squeeze %dma_start3A_30 : memref<1x100xi32, #tpu.memory_space<vmem>> -> memref<100xi32, #tpu.memory_space<vmem>>
      %dma_start3A_32 = arith.constant 0 : i32
      %dma_start3A_33 = arith.constant 0 : i32
      %dma_start3A_34 = tpu.memref_slice %arg2[%dma_start3A_32, %dma_start3A_33] : memref<10000x128xf32, #tpu.memory_space<hbm>> -> memref<10000x128xf32, #tpu.memory_space<hbm>>
      tpu.enqueue_indirect_dma source(%dma_start3A_34 : memref<10000x128xf32, #tpu.memory_space<hbm>>) target(%arg10 : memref<100x128xf32, #tpu.memory_space<vmem>>) offsets(%dma_start3A_31 : memref<100xi32, #tpu.memory_space<vmem>>) semaphore(%arg14 : memref<!tpu.dma_semaphore, #tpu.memory_space<semaphore_mem>>)
      %scan3A_35 = arith.constant 0 : i32
      %scan3A_36 = arith.constant 0 : i32
      %scan3A_37 = arith.constant 8 : i32
      %scan3A_38 = arith.addi %scan3A_36, %scan3A_37 : i32
      %scan3A_39 = arith.constant 1 : i32
      scf.for %scan3A_68 = %scan3A_36 to %scan3A_38 step %scan3A_39  : i32 {
        %mul3A_69 = arith.constant 3 : i32
        %mul3A_70 = arith.muli %mul3A_69, %scan3A_68 : i32
        %dma_wait3A_71 = arith.constant 0 : i32
        %dma_wait3A_72 = tpu.memref_slice %arg7[%mul3A_70, %dma_wait3A_71] : memref<25x100xi32, #tpu.memory_space<vmem>> -> memref<1x100xi32, #tpu.memory_space<vmem>>
        %dma_wait3A_73 = tpu.memref_squeeze %dma_wait3A_72 : memref<1x100xi32, #tpu.memory_space<vmem>> -> memref<100xi32, #tpu.memory_space<vmem>>
        %dma_wait3A_74 = arith.constant 0 : i32
        %dma_wait3A_75 = arith.constant 0 : i32
        %dma_wait3A_76 = tpu.memref_slice %arg2[%dma_wait3A_74, %dma_wait3A_75] : memref<10000x128xf32, #tpu.memory_space<hbm>> -> memref<10000x128xf32, #tpu.memory_space<hbm>>
        tpu.wait_indirect_dma semaphore(%arg13 : memref<!tpu.dma_semaphore, #tpu.memory_space<semaphore_mem>>) src(%dma_wait3A_76 : memref<10000x128xf32, #tpu.memory_space<hbm>>) dst(%arg9 : memref<100x128xf32, #tpu.memory_space<vmem>>)
        %dma_start3A_77 = arith.constant 0 : i32
        %dma_start3A_78 = tpu.memref_slice %arg8[%mul3A_70, %dma_start3A_77] : memref<25x100xi32, #tpu.memory_space<vmem>> -> memref<1x100xi32, #tpu.memory_space<vmem>>
        %dma_start3A_79 = tpu.memref_squeeze %dma_start3A_78 : memref<1x100xi32, #tpu.memory_space<vmem>> -> memref<100xi32, #tpu.memory_space<vmem>>
        %dma_start3A_80 = arith.constant 0 : i32
        %dma_start3A_81 = arith.constant 0 : i32
        %dma_start3A_82 = tpu.memref_slice %arg12[%dma_start3A_80, %dma_start3A_81] : memref<10000x128xf32, #tpu.memory_space<vmem_shared>> -> memref<10000x128xf32, #tpu.memory_space<vmem_shared>>
        tpu.enqueue_indirect_dma source(%arg9 : memref<100x128xf32, #tpu.memory_space<vmem>>) target(%dma_start3A_82 : memref<10000x128xf32, #tpu.memory_space<vmem_shared>>) offsets(%dma_start3A_79 : memref<100xi32, #tpu.memory_space<vmem>>) semaphore(%arg16 : memref<!tpu.dma_semaphore, #tpu.memory_space<semaphore_mem>>) {add = true}
        %ge3A = arith.constant 1 : i32
        %ge3A_83 = arith.cmpi sge, %mul3A_70, %ge3A : i32
        %convert_element_type3A_84 = arith.extui %ge3A_83 : i1 to i32
        %cond3A_85 = arith.constant 0 : i32
        %cond3A_86 = arith.cmpi ne, %convert_element_type3A_84, %cond3A_85 : i32
        scf.if %cond3A_86 {
          %sub3A = arith.constant 1 : i32
          %sub3A_144 = arith.subi %mul3A_70, %sub3A : i32
          %max3A = arith.constant 0 : i32
          %max3A_145 = arith.maxsi %sub3A_144, %max3A : i32
          %dma_wait3A_146 = arith.constant 0 : i32
          %dma_wait3A_147 = tpu.memref_slice %arg8[%max3A_145, %dma_wait3A_146] : memref<25x100xi32, #tpu.memory_space<vmem>> -> memref<1x100xi32, #tpu.memory_space<vmem>>
          %dma_wait3A_148 = tpu.memref_squeeze %dma_wait3A_147 : memref<1x100xi32, #tpu.memory_space<vmem>> -> memref<100xi32, #tpu.memory_space<vmem>>
          %dma_wait3A_149 = arith.constant 0 : i32
          %dma_wait3A_150 = arith.constant 0 : i32
          %dma_wait3A_151 = tpu.memref_slice %arg12[%dma_wait3A_149, %dma_wait3A_150] : memref<10000x128xf32, #tpu.memory_space<vmem_shared>> -> memref<10000x128xf32, #tpu.memory_space<vmem_shared>>
          tpu.wait_indirect_dma semaphore(%arg18 : memref<!tpu.dma_semaphore, #tpu.memory_space<semaphore_mem>>) src(%arg11 : memref<100x128xf32, #tpu.memory_space<vmem>>) dst(%dma_wait3A_151 : memref<10000x128xf32, #tpu.memory_space<vmem_shared>>)
        } else {
        }
        %add3A = arith.constant 2 : i32
        %add3A_87 = arith.addi %mul3A_70, %add3A : i32
        %lt3A = arith.constant 25 : i32
        %lt3A_88 = arith.cmpi slt, %add3A_87, %lt3A : i32
        %convert_element_type3A_89 = arith.extui %lt3A_88 : i1 to i32
        %cond3A_90 = arith.constant 0 : i32
        %cond3A_91 = arith.cmpi ne, %convert_element_type3A_89, %cond3A_90 : i32
        scf.if %cond3A_91 {
          %add3A_144 = arith.constant 2 : i32
          %add3A_145 = arith.addi %mul3A_70, %add3A_144 : i32
          %min3A = arith.constant 24 : i32
          %min3A_146 = arith.minsi %add3A_145, %min3A : i32
          %dma_start3A_147 = arith.constant 0 : i32
          %dma_start3A_148 = tpu.memref_slice %arg7[%min3A_146, %dma_start3A_147] : memref<25x100xi32, #tpu.memory_space<vmem>> -> memref<1x100xi32, #tpu.memory_space<vmem>>
          %dma_start3A_149 = tpu.memref_squeeze %dma_start3A_148 : memref<1x100xi32, #tpu.memory_space<vmem>> -> memref<100xi32, #tpu.memory_space<vmem>>
          %dma_start3A_150 = arith.constant 0 : i32
          %dma_start3A_151 = arith.constant 0 : i32
          %dma_start3A_152 = tpu.memref_slice %arg2[%dma_start3A_150, %dma_start3A_151] : memref<10000x128xf32, #tpu.memory_space<hbm>> -> memref<10000x128xf32, #tpu.memory_space<hbm>>
          tpu.enqueue_indirect_dma source(%dma_start3A_152 : memref<10000x128xf32, #tpu.memory_space<hbm>>) target(%arg11 : memref<100x128xf32, #tpu.memory_space<vmem>>) offsets(%dma_start3A_149 : memref<100xi32, #tpu.memory_space<vmem>>) semaphore(%arg15 : memref<!tpu.dma_semaphore, #tpu.memory_space<semaphore_mem>>)
        } else {
        }
        %add3A_92 = arith.constant 1 : i32
        %add3A_93 = arith.addi %mul3A_70, %add3A_92 : i32
        %dma_wait3A_94 = arith.constant 0 : i32
        %dma_wait3A_95 = tpu.memref_slice %arg7[%add3A_93, %dma_wait3A_94] : memref<25x100xi32, #tpu.memory_space<vmem>> -> memref<1x100xi32, #tpu.memory_space<vmem>>
        %dma_wait3A_96 = tpu.memref_squeeze %dma_wait3A_95 : memref<1x100xi32, #tpu.memory_space<vmem>> -> memref<100xi32, #tpu.memory_space<vmem>>
        %dma_wait3A_97 = arith.constant 0 : i32
        %dma_wait3A_98 = arith.constant 0 : i32
        %dma_wait3A_99 = tpu.memref_slice %arg2[%dma_wait3A_97, %dma_wait3A_98] : memref<10000x128xf32, #tpu.memory_space<hbm>> -> memref<10000x128xf32, #tpu.memory_space<hbm>>
        tpu.wait_indirect_dma semaphore(%arg14 : memref<!tpu.dma_semaphore, #tpu.memory_space<semaphore_mem>>) src(%dma_wait3A_99 : memref<10000x128xf32, #tpu.memory_space<hbm>>) dst(%arg10 : memref<100x128xf32, #tpu.memory_space<vmem>>)
        %dma_start3A_100 = arith.constant 0 : i32
        %dma_start3A_101 = tpu.memref_slice %arg8[%add3A_93, %dma_start3A_100] : memref<25x100xi32, #tpu.memory_space<vmem>> -> memref<1x100xi32, #tpu.memory_space<vmem>>
        %dma_start3A_102 = tpu.memref_squeeze %dma_start3A_101 : memref<1x100xi32, #tpu.memory_space<vmem>> -> memref<100xi32, #tpu.memory_space<vmem>>
        %dma_start3A_103 = arith.constant 0 : i32
        %dma_start3A_104 = arith.constant 0 : i32
        %dma_start3A_105 = tpu.memref_slice %arg12[%dma_start3A_103, %dma_start3A_104] : memref<10000x128xf32, #tpu.memory_space<vmem_shared>> -> memref<10000x128xf32, #tpu.memory_space<vmem_shared>>
        tpu.enqueue_indirect_dma source(%arg10 : memref<100x128xf32, #tpu.memory_space<vmem>>) target(%dma_start3A_105 : memref<10000x128xf32, #tpu.memory_space<vmem_shared>>) offsets(%dma_start3A_102 : memref<100xi32, #tpu.memory_space<vmem>>) semaphore(%arg17 : memref<!tpu.dma_semaphore, #tpu.memory_space<semaphore_mem>>) {add = true}
        %ge3A_106 = arith.constant 1 : i32
        %ge3A_107 = arith.cmpi sge, %add3A_93, %ge3A_106 : i32
        %convert_element_type3A_108 = arith.extui %ge3A_107 : i1 to i32
        %cond3A_109 = arith.constant 0 : i32
        %cond3A_110 = arith.cmpi ne, %convert_element_type3A_108, %cond3A_109 : i32
        scf.if %cond3A_110 {
          %sub3A = arith.constant 1 : i32
          %sub3A_144 = arith.subi %add3A_93, %sub3A : i32
          %max3A = arith.constant 0 : i32
          %max3A_145 = arith.maxsi %sub3A_144, %max3A : i32
          %dma_wait3A_146 = arith.constant 0 : i32
          %dma_wait3A_147 = tpu.memref_slice %arg8[%max3A_145, %dma_wait3A_146] : memref<25x100xi32, #tpu.memory_space<vmem>> -> memref<1x100xi32, #tpu.memory_space<vmem>>
          %dma_wait3A_148 = tpu.memref_squeeze %dma_wait3A_147 : memref<1x100xi32, #tpu.memory_space<vmem>> -> memref<100xi32, #tpu.memory_space<vmem>>
          %dma_wait3A_149 = arith.constant 0 : i32
          %dma_wait3A_150 = arith.constant 0 : i32
          %dma_wait3A_151 = tpu.memref_slice %arg12[%dma_wait3A_149, %dma_wait3A_150] : memref<10000x128xf32, #tpu.memory_space<vmem_shared>> -> memref<10000x128xf32, #tpu.memory_space<vmem_shared>>
          tpu.wait_indirect_dma semaphore(%arg16 : memref<!tpu.dma_semaphore, #tpu.memory_space<semaphore_mem>>) src(%arg9 : memref<100x128xf32, #tpu.memory_space<vmem>>) dst(%dma_wait3A_151 : memref<10000x128xf32, #tpu.memory_space<vmem_shared>>)
        } else {
        }
        %add3A_111 = arith.constant 2 : i32
        %add3A_112 = arith.addi %add3A_93, %add3A_111 : i32
        %lt3A_113 = arith.constant 25 : i32
        %lt3A_114 = arith.cmpi slt, %add3A_112, %lt3A_113 : i32
        %convert_element_type3A_115 = arith.extui %lt3A_114 : i1 to i32
        %cond3A_116 = arith.constant 0 : i32
        %cond3A_117 = arith.cmpi ne, %convert_element_type3A_115, %cond3A_116 : i32
        scf.if %cond3A_117 {
          %add3A_144 = arith.constant 2 : i32
          %add3A_145 = arith.addi %add3A_93, %add3A_144 : i32
          %min3A = arith.constant 24 : i32
          %min3A_146 = arith.minsi %add3A_145, %min3A : i32
          %dma_start3A_147 = arith.constant 0 : i32
          %dma_start3A_148 = tpu.memref_slice %arg7[%min3A_146, %dma_start3A_147] : memref<25x100xi32, #tpu.memory_space<vmem>> -> memref<1x100xi32, #tpu.memory_space<vmem>>
          %dma_start3A_149 = tpu.memref_squeeze %dma_start3A_148 : memref<1x100xi32, #tpu.memory_space<vmem>> -> memref<100xi32, #tpu.memory_space<vmem>>
          %dma_start3A_150 = arith.constant 0 : i32
          %dma_start3A_151 = arith.constant 0 : i32
          %dma_start3A_152 = tpu.memref_slice %arg2[%dma_start3A_150, %dma_start3A_151] : memref<10000x128xf32, #tpu.memory_space<hbm>> -> memref<10000x128xf32, #tpu.memory_space<hbm>>
          tpu.enqueue_indirect_dma source(%dma_start3A_152 : memref<10000x128xf32, #tpu.memory_space<hbm>>) target(%arg9 : memref<100x128xf32, #tpu.memory_space<vmem>>) offsets(%dma_start3A_149 : memref<100xi32, #tpu.memory_space<vmem>>) semaphore(%arg13 : memref<!tpu.dma_semaphore, #tpu.memory_space<semaphore_mem>>)
        } else {
        }
        %add3A_118 = arith.constant 2 : i32
        %add3A_119 = arith.addi %mul3A_70, %add3A_118 : i32
        %dma_wait3A_120 = arith.constant 0 : i32
        %dma_wait3A_121 = tpu.memref_slice %arg7[%add3A_119, %dma_wait3A_120] : memref<25x100xi32, #tpu.memory_space<vmem>> -> memref<1x100xi32, #tpu.memory_space<vmem>>
        %dma_wait3A_122 = tpu.memref_squeeze %dma_wait3A_121 : memref<1x100xi32, #tpu.memory_space<vmem>> -> memref<100xi32, #tpu.memory_space<vmem>>
        %dma_wait3A_123 = arith.constant 0 : i32
        %dma_wait3A_124 = arith.constant 0 : i32
        %dma_wait3A_125 = tpu.memref_slice %arg2[%dma_wait3A_123, %dma_wait3A_124] : memref<10000x128xf32, #tpu.memory_space<hbm>> -> memref<10000x128xf32, #tpu.memory_space<hbm>>
        tpu.wait_indirect_dma semaphore(%arg15 : memref<!tpu.dma_semaphore, #tpu.memory_space<semaphore_mem>>) src(%dma_wait3A_125 : memref<10000x128xf32, #tpu.memory_space<hbm>>) dst(%arg11 : memref<100x128xf32, #tpu.memory_space<vmem>>)
        %dma_start3A_126 = arith.constant 0 : i32
        %dma_start3A_127 = tpu.memref_slice %arg8[%add3A_119, %dma_start3A_126] : memref<25x100xi32, #tpu.memory_space<vmem>> -> memref<1x100xi32, #tpu.memory_space<vmem>>
        %dma_start3A_128 = tpu.memref_squeeze %dma_start3A_127 : memref<1x100xi32, #tpu.memory_space<vmem>> -> memref<100xi32, #tpu.memory_space<vmem>>
        %dma_start3A_129 = arith.constant 0 : i32
        %dma_start3A_130 = arith.constant 0 : i32
        %dma_start3A_131 = tpu.memref_slice %arg12[%dma_start3A_129, %dma_start3A_130] : memref<10000x128xf32, #tpu.memory_space<vmem_shared>> -> memref<10000x128xf32, #tpu.memory_space<vmem_shared>>
        tpu.enqueue_indirect_dma source(%arg11 : memref<100x128xf32, #tpu.memory_space<vmem>>) target(%dma_start3A_131 : memref<10000x128xf32, #tpu.memory_space<vmem_shared>>) offsets(%dma_start3A_128 : memref<100xi32, #tpu.memory_space<vmem>>) semaphore(%arg18 : memref<!tpu.dma_semaphore, #tpu.memory_space<semaphore_mem>>) {add = true}
        %ge3A_132 = arith.constant 1 : i32
        %ge3A_133 = arith.cmpi sge, %add3A_119, %ge3A_132 : i32
        %convert_element_type3A_134 = arith.extui %ge3A_133 : i1 to i32
        %cond3A_135 = arith.constant 0 : i32
        %cond3A_136 = arith.cmpi ne, %convert_element_type3A_134, %cond3A_135 : i32
        scf.if %cond3A_136 {
          %sub3A = arith.constant 1 : i32
          %sub3A_144 = arith.subi %add3A_119, %sub3A : i32
          %max3A = arith.constant 0 : i32
          %max3A_145 = arith.maxsi %sub3A_144, %max3A : i32
          %dma_wait3A_146 = arith.constant 0 : i32
          %dma_wait3A_147 = tpu.memref_slice %arg8[%max3A_145, %dma_wait3A_146] : memref<25x100xi32, #tpu.memory_space<vmem>> -> memref<1x100xi32, #tpu.memory_space<vmem>>
          %dma_wait3A_148 = tpu.memref_squeeze %dma_wait3A_147 : memref<1x100xi32, #tpu.memory_space<vmem>> -> memref<100xi32, #tpu.memory_space<vmem>>
          %dma_wait3A_149 = arith.constant 0 : i32
          %dma_wait3A_150 = arith.constant 0 : i32
          %dma_wait3A_151 = tpu.memref_slice %arg12[%dma_wait3A_149, %dma_wait3A_150] : memref<10000x128xf32, #tpu.memory_space<vmem_shared>> -> memref<10000x128xf32, #tpu.memory_space<vmem_shared>>
          tpu.wait_indirect_dma semaphore(%arg17 : memref<!tpu.dma_semaphore, #tpu.memory_space<semaphore_mem>>) src(%arg10 : memref<100x128xf32, #tpu.memory_space<vmem>>) dst(%dma_wait3A_151 : memref<10000x128xf32, #tpu.memory_space<vmem_shared>>)
        } else {
        }
        %add3A_137 = arith.constant 2 : i32
        %add3A_138 = arith.addi %add3A_119, %add3A_137 : i32
        %lt3A_139 = arith.constant 25 : i32
        %lt3A_140 = arith.cmpi slt, %add3A_138, %lt3A_139 : i32
        %convert_element_type3A_141 = arith.extui %lt3A_140 : i1 to i32
        %cond3A_142 = arith.constant 0 : i32
        %cond3A_143 = arith.cmpi ne, %convert_element_type3A_141, %cond3A_142 : i32
        scf.if %cond3A_143 {
          %add3A_144 = arith.constant 2 : i32
          %add3A_145 = arith.addi %add3A_119, %add3A_144 : i32
          %min3A = arith.constant 24 : i32
          %min3A_146 = arith.minsi %add3A_145, %min3A : i32
          %dma_start3A_147 = arith.constant 0 : i32
          %dma_start3A_148 = tpu.memref_slice %arg7[%min3A_146, %dma_start3A_147] : memref<25x100xi32, #tpu.memory_space<vmem>> -> memref<1x100xi32, #tpu.memory_space<vmem>>
          %dma_start3A_149 = tpu.memref_squeeze %dma_start3A_148 : memref<1x100xi32, #tpu.memory_space<vmem>> -> memref<100xi32, #tpu.memory_space<vmem>>
          %dma_start3A_150 = arith.constant 0 : i32
          %dma_start3A_151 = arith.constant 0 : i32
          %dma_start3A_152 = tpu.memref_slice %arg2[%dma_start3A_150, %dma_start3A_151] : memref<10000x128xf32, #tpu.memory_space<hbm>> -> memref<10000x128xf32, #tpu.memory_space<hbm>>
          tpu.enqueue_indirect_dma source(%dma_start3A_152 : memref<10000x128xf32, #tpu.memory_space<hbm>>) target(%arg10 : memref<100x128xf32, #tpu.memory_space<vmem>>) offsets(%dma_start3A_149 : memref<100xi32, #tpu.memory_space<vmem>>) semaphore(%arg14 : memref<!tpu.dma_semaphore, #tpu.memory_space<semaphore_mem>>)
        } else {
        }
      }
      %scan3A_40 = arith.constant 8 : i32
      %dma_wait3A = arith.constant 24 : i32
      %dma_wait3A_41 = arith.constant 0 : i32
      %dma_wait3A_42 = tpu.memref_slice %arg7[%dma_wait3A, %dma_wait3A_41] : memref<25x100xi32, #tpu.memory_space<vmem>> -> memref<1x100xi32, #tpu.memory_space<vmem>>
      %dma_wait3A_43 = tpu.memref_squeeze %dma_wait3A_42 : memref<1x100xi32, #tpu.memory_space<vmem>> -> memref<100xi32, #tpu.memory_space<vmem>>
      %dma_wait3A_44 = arith.constant 0 : i32
      %dma_wait3A_45 = arith.constant 0 : i32
      %dma_wait3A_46 = tpu.memref_slice %arg2[%dma_wait3A_44, %dma_wait3A_45] : memref<10000x128xf32, #tpu.memory_space<hbm>> -> memref<10000x128xf32, #tpu.memory_space<hbm>>
      tpu.wait_indirect_dma semaphore(%arg13 : memref<!tpu.dma_semaphore, #tpu.memory_space<semaphore_mem>>) src(%dma_wait3A_46 : memref<10000x128xf32, #tpu.memory_space<hbm>>) dst(%arg9 : memref<100x128xf32, #tpu.memory_space<vmem>>)
      %dma_start3A_47 = arith.constant 24 : i32
      %dma_start3A_48 = arith.constant 0 : i32
      %dma_start3A_49 = tpu.memref_slice %arg8[%dma_start3A_47, %dma_start3A_48] : memref<25x100xi32, #tpu.memory_space<vmem>> -> memref<1x100xi32, #tpu.memory_space<vmem>>
      %dma_start3A_50 = tpu.memref_squeeze %dma_start3A_49 : memref<1x100xi32, #tpu.memory_space<vmem>> -> memref<100xi32, #tpu.memory_space<vmem>>
      %dma_start3A_51 = arith.constant 0 : i32
      %dma_start3A_52 = arith.constant 0 : i32
      %dma_start3A_53 = tpu.memref_slice %arg12[%dma_start3A_51, %dma_start3A_52] : memref<10000x128xf32, #tpu.memory_space<vmem_shared>> -> memref<10000x128xf32, #tpu.memory_space<vmem_shared>>
      tpu.enqueue_indirect_dma source(%arg9 : memref<100x128xf32, #tpu.memory_space<vmem>>) target(%dma_start3A_53 : memref<10000x128xf32, #tpu.memory_space<vmem_shared>>) offsets(%dma_start3A_50 : memref<100xi32, #tpu.memory_space<vmem>>) semaphore(%arg16 : memref<!tpu.dma_semaphore, #tpu.memory_space<semaphore_mem>>) {add = true}
      %dma_wait3A_54 = arith.constant 23 : i32
      %dma_wait3A_55 = arith.constant 0 : i32
      %dma_wait3A_56 = tpu.memref_slice %arg8[%dma_wait3A_54, %dma_wait3A_55] : memref<25x100xi32, #tpu.memory_space<vmem>> -> memref<1x100xi32, #tpu.memory_space<vmem>>
      %dma_wait3A_57 = tpu.memref_squeeze %dma_wait3A_56 : memref<1x100xi32, #tpu.memory_space<vmem>> -> memref<100xi32, #tpu.memory_space<vmem>>
      %dma_wait3A_58 = arith.constant 0 : i32
      %dma_wait3A_59 = arith.constant 0 : i32
      %dma_wait3A_60 = tpu.memref_slice %arg12[%dma_wait3A_58, %dma_wait3A_59] : memref<10000x128xf32, #tpu.memory_space<vmem_shared>> -> memref<10000x128xf32, #tpu.memory_space<vmem_shared>>
      tpu.wait_indirect_dma semaphore(%arg18 : memref<!tpu.dma_semaphore, #tpu.memory_space<semaphore_mem>>) src(%arg11 : memref<100x128xf32, #tpu.memory_space<vmem>>) dst(%dma_wait3A_60 : memref<10000x128xf32, #tpu.memory_space<vmem_shared>>)
      %dma_wait3A_61 = arith.constant 24 : i32
      %dma_wait3A_62 = arith.constant 0 : i32
      %dma_wait3A_63 = tpu.memref_slice %arg8[%dma_wait3A_61, %dma_wait3A_62] : memref<25x100xi32, #tpu.memory_space<vmem>> -> memref<1x100xi32, #tpu.memory_space<vmem>>
      %dma_wait3A_64 = tpu.memref_squeeze %dma_wait3A_63 : memref<1x100xi32, #tpu.memory_space<vmem>> -> memref<100xi32, #tpu.memory_space<vmem>>
      %dma_wait3A_65 = arith.constant 0 : i32
      %dma_wait3A_66 = arith.constant 0 : i32
      %dma_wait3A_67 = tpu.memref_slice %arg12[%dma_wait3A_65, %dma_wait3A_66] : memref<10000x128xf32, #tpu.memory_space<vmem_shared>> -> memref<10000x128xf32, #tpu.memory_space<vmem_shared>>
      tpu.wait_indirect_dma semaphore(%arg16 : memref<!tpu.dma_semaphore, #tpu.memory_space<semaphore_mem>>) src(%arg9 : memref<100x128xf32, #tpu.memory_space<vmem>>) dst(%dma_wait3A_67 : memref<10000x128xf32, #tpu.memory_space<vmem_shared>>)
    }
    %scan3A_11 = arith.constant 4 : i32
    %barrier3A_12 = arith.constant 0 : index
    tpu.barrier barrier_id(%barrier3A_12)
    %mul3A = arith.constant 624 : i32
    %mul3A_13 = arith.muli %arg1, %mul3A : i32
    %mul3A_14 = arith.constant 624 : i32
    %mul3A_15 = arith.muli %arg1, %mul3A_14 : i32
    "tpu.region"() ({
      %run_scoped3A = tpu.sem_alloc : memref<!tpu.dma_semaphore, #tpu.memory_space<semaphore_mem>>
      %dma_start3A = arith.constant 0 : i32
      %dma_start3A_21 = tpu.memref_slice %arg6[%arg0, %mul3A_15, %dma_start3A] : memref<2x10000x128xf32, #tpu.memory_space<hbm>> -> memref<1x624x128xf32, #tpu.memory_space<hbm>>
      %dma_start3A_22 = tpu.memref_squeeze %dma_start3A_21 : memref<1x624x128xf32, #tpu.memory_space<hbm>> -> memref<624x128xf32, #tpu.memory_space<hbm>>
      %dma_start3A_23 = arith.constant 0 : i32
      %dma_start3A_24 = tpu.memref_slice %arg12[%mul3A_13, %dma_start3A_23] : memref<10000x128xf32, #tpu.memory_space<vmem_shared>> -> memref<624x128xf32, #tpu.memory_space<vmem_shared>>
      tpu.enqueue_dma source(%dma_start3A_24 : memref<624x128xf32, #tpu.memory_space<vmem_shared>>) target(%dma_start3A_22 : memref<624x128xf32, #tpu.memory_space<hbm>>) target_semaphore(%run_scoped3A : memref<!tpu.dma_semaphore, #tpu.memory_space<semaphore_mem>>)
      %dma_wait3A = arith.constant 0 : i32
      %dma_wait3A_25 = tpu.memref_slice %arg6[%arg0, %mul3A_15, %dma_wait3A] : memref<2x10000x128xf32, #tpu.memory_space<hbm>> -> memref<1x624x128xf32, #tpu.memory_space<hbm>>
      %dma_wait3A_26 = tpu.memref_squeeze %dma_wait3A_25 : memref<1x624x128xf32, #tpu.memory_space<hbm>> -> memref<624x128xf32, #tpu.memory_space<hbm>>
      %dma_wait3A_27 = arith.constant 0 : i32
      %dma_wait3A_28 = tpu.memref_slice %arg12[%mul3A_13, %dma_wait3A_27] : memref<10000x128xf32, #tpu.memory_space<vmem_shared>> -> memref<624x128xf32, #tpu.memory_space<vmem_shared>>
      tpu.wait_dma2 semaphore(%run_scoped3A : memref<!tpu.dma_semaphore, #tpu.memory_space<semaphore_mem>>) src(%dma_wait3A_28 : memref<624x128xf32, #tpu.memory_space<vmem_shared>>) dst(%dma_wait3A_26 : memref<624x128xf32, #tpu.memory_space<hbm>>)
      tpu.yield
    }) : () -> ()
    %eq3A_16 = arith.constant 15 : i32
    %eq3A_17 = arith.cmpi eq, %arg1, %eq3A_16 : i32
    %convert_element_type3A_18 = arith.extui %eq3A_17 : i1 to i32
    %cond3A_19 = arith.constant 0 : i32
    %cond3A_20 = arith.cmpi ne, %convert_element_type3A_18, %cond3A_19 : i32
    scf.if %cond3A_20 {
      "tpu.region"() ({
        %run_scoped3A = tpu.sem_alloc : memref<!tpu.dma_semaphore, #tpu.memory_space<semaphore_mem>>
        %dma_start3A = arith.constant 9984 : i32
        %dma_start3A_21 = arith.constant 0 : i32
        %dma_start3A_22 = tpu.memref_slice %arg6[%arg0, %dma_start3A, %dma_start3A_21] : memref<2x10000x128xf32, #tpu.memory_space<hbm>> -> memref<1x16x128xf32, #tpu.memory_space<hbm>>
        %dma_start3A_23 = tpu.memref_squeeze %dma_start3A_22 : memref<1x16x128xf32, #tpu.memory_space<hbm>> -> memref<16x128xf32, #tpu.memory_space<hbm>>
        %dma_start3A_24 = arith.constant 9984 : i32
        %dma_start3A_25 = arith.constant 0 : i32
        %dma_start3A_26 = tpu.memref_slice %arg12[%dma_start3A_24, %dma_start3A_25] : memref<10000x128xf32, #tpu.memory_space<vmem_shared>> -> memref<16x128xf32, #tpu.memory_space<vmem_shared>>
        tpu.enqueue_dma source(%dma_start3A_26 : memref<16x128xf32, #tpu.memory_space<vmem_shared>>) target(%dma_start3A_23 : memref<16x128xf32, #tpu.memory_space<hbm>>) target_semaphore(%run_scoped3A : memref<!tpu.dma_semaphore, #tpu.memory_space<semaphore_mem>>)
        %dma_wait3A = arith.constant 9984 : i32
        %dma_wait3A_27 = arith.constant 0 : i32
        %dma_wait3A_28 = tpu.memref_slice %arg6[%arg0, %dma_wait3A, %dma_wait3A_27] : memref<2x10000x128xf32, #tpu.memory_space<hbm>> -> memref<1x16x128xf32, #tpu.memory_space<hbm>>
        %dma_wait3A_29 = tpu.memref_squeeze %dma_wait3A_28 : memref<1x16x128xf32, #tpu.memory_space<hbm>> -> memref<16x128xf32, #tpu.memory_space<hbm>>
        %dma_wait3A_30 = arith.constant 9984 : i32
        %dma_wait3A_31 = arith.constant 0 : i32
        %dma_wait3A_32 = tpu.memref_slice %arg12[%dma_wait3A_30, %dma_wait3A_31] : memref<10000x128xf32, #tpu.memory_space<vmem_shared>> -> memref<16x128xf32, #tpu.memory_space<vmem_shared>>
        tpu.wait_dma2 semaphore(%run_scoped3A : memref<!tpu.dma_semaphore, #tpu.memory_space<semaphore_mem>>) src(%dma_wait3A_32 : memref<16x128xf32, #tpu.memory_space<vmem_shared>>) dst(%dma_wait3A_29 : memref<16x128xf32, #tpu.memory_space<hbm>>)
        tpu.yield
      }) : () -> ()
    } else {
    }
    return
  }
}

module attributes {stable_mosaic.version = 14 : i64} {
  func.func @_b1_body(%arg0: i32, %arg1: memref<1000x128xf32, #tpu.memory_space<vmem>>, %arg2: memref<256x128xf32, #tpu.memory_space<vmem>>, %arg3: memref<1x256xf32, #tpu.memory_space<vmem>>, %arg4: memref<1000x2xf32, #tpu.memory_space<vmem>>, %arg5: memref<2x1000x128xf32, #tpu.memory_space<vmem>>, %arg6: memref<1000x1xf32, #tpu.memory_space<vmem>>) attributes {dimension_semantics = [#tpu.dimension_semantics<arbitrary>], iteration_bounds = array<i64: 10>, scalar_prefetch = 0 : i64, scratch_operands = 0 : i64, tpu.core_type = #tpu.core_type<tc>, window_params = [{transform_indices = @transform_0, window_bounds = array<i64: 1000, 128>}, {pipeline_mode = #tpu.pipeline_mode<synchronous>, transform_indices = @transform_1, window_bounds = array<i64: 256, 128>}, {pipeline_mode = #tpu.pipeline_mode<synchronous>, transform_indices = @transform_2, window_bounds = array<i64: 1, 256>}, {transform_indices = @transform_3, window_bounds = array<i64: 1000, 2>}, {transform_indices = @transform_4, window_bounds = array<i64: 2, 1000, 128>}, {transform_indices = @transform_5, window_bounds = array<i64: 1000, 1>}]} {
    %get3A = arith.constant 0 : index
    %get3A_0 = arith.constant 0 : index
    %get3A_1 = vector.load %arg4[%get3A, %get3A_0] : memref<1000x2xf32, #tpu.memory_space<vmem>>, vector<1000x1xf32>
    %get3A_2 = arith.constant 0 : index
    %get3A_3 = arith.constant 1 : index
    %get3A_4 = vector.load %arg4[%get3A_2, %get3A_3] : memref<1000x2xf32, #tpu.memory_space<vmem>>, vector<1000x1xf32>
    %add3A = arith.addf %get3A_1, %get3A_4 : vector<1000x1xf32>
    %add3A_5 = arith.constant 1.000000e+00 : f32
    %add3A_6 = vector.broadcast %add3A_5 : f32 to vector<1000x1xf32>
    %add3A_7 = arith.addf %add3A, %add3A_6 : vector<1000x1xf32>
    %rsqrt3A = math.rsqrt %add3A_7 : vector<1000x1xf32>
    %get3A_8 = arith.constant 0 : index
    %get3A_9 = arith.constant 0 : index
    %get3A_10 = vector.load %arg1[%get3A_8, %get3A_9] : memref<1000x128xf32, #tpu.memory_space<vmem>>, vector<1000x128xf32>
    %get3A_11 = arith.constant 0 : index
    %get3A_12 = arith.constant 0 : index
    %get3A_13 = vector.load %arg2[%get3A_11, %get3A_12] : memref<256x128xf32, #tpu.memory_space<vmem>>, vector<256x128xf32>
    %dot_general3A = arith.constant dense<0.000000e+00> : vector<1000x256xf32>
    %dot_general3A_14 = tpu.matmul %get3A_10, %get3A_13, %dot_general3A {dimension_numbers = #tpu.dot_dimension_numbers<[1], [1], [0], [0], [0, 0, 1, 0], [], []>, transpose_lhs_hint = false} : vector<1000x128xf32>, vector<256x128xf32>, vector<1000x256xf32> -> vector<1000x256xf32>
    %get3A_15 = arith.constant 0 : index
    %get3A_16 = arith.constant 0 : index
    %get3A_17 = vector.load %arg3[%get3A_15, %get3A_16] : memref<1x256xf32, #tpu.memory_space<vmem>>, vector<1x256xf32>
    %add3A_18 = vector.broadcast %get3A_17 : vector<1x256xf32> to vector<1000x256xf32>
    %add3A_19 = arith.addf %dot_general3A_14, %add3A_18 : vector<1000x256xf32>
    %mul3A = vector.broadcast %rsqrt3A : vector<1000x1xf32> to vector<1000x256xf32>
    %mul3A_20 = arith.mulf %add3A_19, %mul3A : vector<1000x256xf32>
    %swap3A = arith.constant 0 : index
    %swap3A_21 = arith.constant 0 : index
    %swap3A_22 = vector.load %arg6[%swap3A, %swap3A_21] : memref<1000x1xf32, #tpu.memory_space<vmem>>, vector<1000x1xf32>
    tpu.vector_store %arg6[%swap3A, %swap3A_21], %rsqrt3A {strides = array<i32>} : memref<1000x1xf32, #tpu.memory_space<vmem>>, vector<1000x1xf32>,
    %slice3A = vector.extract_strided_slice %mul3A_20 {offsets = [0, 0], sizes = [1000, 128], strides = [1, 1]} : vector<1000x256xf32> to vector<1000x128xf32>
    %swap3A_23 = arith.constant 0 : index
    %swap3A_24 = arith.constant 0 : index
    %swap3A_25 = arith.constant 0 : index
    %swap3A_26 = vector.load %arg5[%swap3A_23, %swap3A_24, %swap3A_25] : memref<2x1000x128xf32, #tpu.memory_space<vmem>>, vector<1x1000x128xf32>
    %swap3A_27 = vector.shape_cast %swap3A_26 : vector<1x1000x128xf32> to vector<1000x128xf32>
    %swap3A_28 = vector.shape_cast %slice3A : vector<1000x128xf32> to vector<1x1000x128xf32>
    tpu.vector_store %arg5[%swap3A_23, %swap3A_24, %swap3A_25], %swap3A_28 {strides = array<i32>} : memref<2x1000x128xf32, #tpu.memory_space<vmem>>, vector<1x1000x128xf32>,
    %slice3A_29 = vector.extract_strided_slice %mul3A_20 {offsets = [0, 128], sizes = [1000, 128], strides = [1, 1]} : vector<1000x256xf32> to vector<1000x128xf32>
    %swap3A_30 = arith.constant 1 : index
    %swap3A_31 = arith.constant 0 : index
    %swap3A_32 = arith.constant 0 : index
    %swap3A_33 = vector.load %arg5[%swap3A_30, %swap3A_31, %swap3A_32] : memref<2x1000x128xf32, #tpu.memory_space<vmem>>, vector<1x1000x128xf32>
    %swap3A_34 = vector.shape_cast %swap3A_33 : vector<1x1000x128xf32> to vector<1000x128xf32>
    %swap3A_35 = vector.shape_cast %slice3A_29 : vector<1000x128xf32> to vector<1x1000x128xf32>
    tpu.vector_store %arg5[%swap3A_30, %swap3A_31, %swap3A_32], %swap3A_35 {strides = array<i32>} : memref<2x1000x128xf32, #tpu.memory_space<vmem>>, vector<1x1000x128xf32>,
    return
  }
  func.func @transform_0(%arg0: i32) -> (i32, i32) {
    %c0_i32 = arith.constant 0 : i32
    %c0_i32_0 = arith.constant 0 : i32
    return %arg0, %c0_i32 : i32, i32
  }
  func.func @transform_1(%arg0: i32) -> (i32, i32) {
    %c0_i32 = arith.constant 0 : i32
    %c0_i32_0 = arith.constant 0 : i32
    %c0_i32_1 = arith.constant 0 : i32
    return %c0_i32, %c0_i32_0 : i32, i32
  }
  func.func @transform_2(%arg0: i32) -> (i32, i32) {
    %c0_i32 = arith.constant 0 : i32
    %c0_i32_0 = arith.constant 0 : i32
    %c0_i32_1 = arith.constant 0 : i32
    return %c0_i32, %c0_i32_0 : i32, i32
  }
  func.func @transform_3(%arg0: i32) -> (i32, i32) {
    %c0_i32 = arith.constant 0 : i32
    %c0_i32_0 = arith.constant 0 : i32
    return %arg0, %c0_i32 : i32, i32
  }
  func.func @transform_4(%arg0: i32) -> (i32, i32, i32) {
    %c0_i32 = arith.constant 0 : i32
    %c0_i32_0 = arith.constant 0 : i32
    %c0_i32_1 = arith.constant 0 : i32
    return %c0_i32, %arg0, %c0_i32_0 : i32, i32, i32
  }
  func.func @transform_5(%arg0: i32) -> (i32, i32) {
    %c0_i32 = arith.constant 0 : i32
    %c0_i32_0 = arith.constant 0 : i32
    return %arg0, %c0_i32 : i32, i32
  }
}

module attributes {stable_mosaic.version = 14 : i64} {
  func.func @_b2_body(%arg0: i32, %arg1: memref<2x1000x128xf32, #tpu.memory_space<vmem>>, %arg2: memref<1000x1xf32, #tpu.memory_space<vmem>>, %arg3: memref<128x256xf32, #tpu.memory_space<vmem>>, %arg4: memref<1x128xf32, #tpu.memory_space<vmem>>, %arg5: memref<1000x128xf32, #tpu.memory_space<vmem>>) attributes {dimension_semantics = [#tpu.dimension_semantics<arbitrary>], iteration_bounds = array<i64: 10>, scalar_prefetch = 0 : i64, scratch_operands = 0 : i64, tpu.core_type = #tpu.core_type<tc>, window_params = [{transform_indices = @transform_0, window_bounds = array<i64: 2, 1000, 128>}, {transform_indices = @transform_1, window_bounds = array<i64: 1000, 1>}, {pipeline_mode = #tpu.pipeline_mode<synchronous>, transform_indices = @transform_2, window_bounds = array<i64: 128, 256>}, {pipeline_mode = #tpu.pipeline_mode<synchronous>, transform_indices = @transform_3, window_bounds = array<i64: 1, 128>}, {transform_indices = @transform_4, window_bounds = array<i64: 1000, 128>}]} {
    %get3A = arith.constant 0 : index
    %get3A_0 = arith.constant 0 : index
    %get3A_1 = vector.load %arg2[%get3A, %get3A_0] : memref<1000x1xf32, #tpu.memory_space<vmem>>, vector<1000x1xf32>
    %get3A_2 = arith.constant 0 : index
    %get3A_3 = arith.constant 0 : index
    %get3A_4 = arith.constant 0 : index
    %get3A_5 = vector.load %arg1[%get3A_2, %get3A_3, %get3A_4] : memref<2x1000x128xf32, #tpu.memory_space<vmem>>, vector<1x1000x128xf32>
    %get3A_6 = vector.shape_cast %get3A_5 : vector<1x1000x128xf32> to vector<1000x128xf32>
    %mul3A = vector.broadcast %get3A_1 : vector<1000x1xf32> to vector<1000x128xf32>
    %mul3A_7 = arith.mulf %get3A_6, %mul3A : vector<1000x128xf32>
    %get3A_8 = arith.constant 1 : index
    %get3A_9 = arith.constant 0 : index
    %get3A_10 = arith.constant 0 : index
    %get3A_11 = vector.load %arg1[%get3A_8, %get3A_9, %get3A_10] : memref<2x1000x128xf32, #tpu.memory_space<vmem>>, vector<1x1000x128xf32>
    %get3A_12 = vector.shape_cast %get3A_11 : vector<1x1000x128xf32> to vector<1000x128xf32>
    %mul3A_13 = vector.broadcast %get3A_1 : vector<1000x1xf32> to vector<1000x128xf32>
    %mul3A_14 = arith.mulf %get3A_12, %mul3A_13 : vector<1000x128xf32>
    %concatenate3A = tpu.concatenate %mul3A_7, %mul3A_14 in 1 : vector<1000x128xf32>, vector<1000x128xf32> -> vector<1000x256xf32>
    %get3A_15 = arith.constant 0 : index
    %get3A_16 = arith.constant 0 : index
    %get3A_17 = vector.load %arg3[%get3A_15, %get3A_16] : memref<128x256xf32, #tpu.memory_space<vmem>>, vector<128x256xf32>
    %dot_general3A = arith.constant dense<0.000000e+00> : vector<1000x128xf32>
    %dot_general3A_18 = tpu.matmul %concatenate3A, %get3A_17, %dot_general3A {dimension_numbers = #tpu.dot_dimension_numbers<[1], [1], [0], [0], [0, 0, 1, 0], [], []>, transpose_lhs_hint = false} : vector<1000x256xf32>, vector<128x256xf32>, vector<1000x128xf32> -> vector<1000x128xf32>
    %get3A_19 = arith.constant 0 : index
    %get3A_20 = arith.constant 0 : index
    %get3A_21 = vector.load %arg4[%get3A_19, %get3A_20] : memref<1x128xf32, #tpu.memory_space<vmem>>, vector<1x128xf32>
    %add3A = vector.broadcast %get3A_21 : vector<1x128xf32> to vector<1000x128xf32>
    %add3A_22 = arith.addf %dot_general3A_18, %add3A : vector<1000x128xf32>
    %mul3A_23 = vector.broadcast %get3A_1 : vector<1000x1xf32> to vector<1000x128xf32>
    %mul3A_24 = arith.mulf %add3A_22, %mul3A_23 : vector<1000x128xf32>
    %swap3A = arith.constant 0 : index
    %swap3A_25 = arith.constant 0 : index
    %swap3A_26 = vector.load %arg5[%swap3A, %swap3A_25] : memref<1000x128xf32, #tpu.memory_space<vmem>>, vector<1000x128xf32>
    tpu.vector_store %arg5[%swap3A, %swap3A_25], %mul3A_24 {strides = array<i32>} : memref<1000x128xf32, #tpu.memory_space<vmem>>, vector<1000x128xf32>,
    return
  }
  func.func @transform_0(%arg0: i32) -> (i32, i32, i32) {
    %c0_i32 = arith.constant 0 : i32
    %c0_i32_0 = arith.constant 0 : i32
    %c0_i32_1 = arith.constant 0 : i32
    return %c0_i32, %arg0, %c0_i32_0 : i32, i32, i32
  }
  func.func @transform_1(%arg0: i32) -> (i32, i32) {
    %c0_i32 = arith.constant 0 : i32
    %c0_i32_0 = arith.constant 0 : i32
    return %arg0, %c0_i32 : i32, i32
  }
  func.func @transform_2(%arg0: i32) -> (i32, i32) {
    %c0_i32 = arith.constant 0 : i32
    %c0_i32_0 = arith.constant 0 : i32
    %c0_i32_1 = arith.constant 0 : i32
    return %c0_i32, %c0_i32_0 : i32, i32
  }
  func.func @transform_3(%arg0: i32) -> (i32, i32) {
    %c0_i32 = arith.constant 0 : i32
    %c0_i32_0 = arith.constant 0 : i32
    %c0_i32_1 = arith.constant 0 : i32
    return %c0_i32, %c0_i32_0 : i32, i32
  }
  func.func @transform_4(%arg0: i32) -> (i32, i32) {
    %c0_i32 = arith.constant 0 : i32
    %c0_i32_0 = arith.constant 0 : i32
    return %arg0, %c0_i32 : i32, i32
  }
}

module attributes {stable_mosaic.version = 14 : i64} {
  func.func @_b3_body(%arg0: i32, %arg1: memref<2x1000x128xf32, #tpu.memory_space<vmem>>, %arg2: memref<1000x1xf32, #tpu.memory_space<vmem>>, %arg3: memref<1000x128xf32, #tpu.memory_space<vmem>>) attributes {dimension_semantics = [#tpu.dimension_semantics<arbitrary>], iteration_bounds = array<i64: 10>, scalar_prefetch = 0 : i64, scratch_operands = 0 : i64, tpu.core_type = #tpu.core_type<tc>, window_params = [{transform_indices = @transform_0, window_bounds = array<i64: 2, 1000, 128>}, {transform_indices = @transform_1, window_bounds = array<i64: 1000, 1>}, {transform_indices = @transform_2, window_bounds = array<i64: 1000, 128>}]} {
    %get3A = arith.constant 0 : index
    %get3A_0 = arith.constant 0 : index
    %get3A_1 = vector.load %arg2[%get3A, %get3A_0] : memref<1000x1xf32, #tpu.memory_space<vmem>>, vector<1000x1xf32>
    %get3A_2 = arith.constant 0 : index
    %get3A_3 = arith.constant 0 : index
    %get3A_4 = arith.constant 0 : index
    %get3A_5 = vector.load %arg1[%get3A_2, %get3A_3, %get3A_4] : memref<2x1000x128xf32, #tpu.memory_space<vmem>>, vector<1x1000x128xf32>
    %get3A_6 = vector.shape_cast %get3A_5 : vector<1x1000x128xf32> to vector<1000x128xf32>
    %get3A_7 = arith.constant 1 : index
    %get3A_8 = arith.constant 0 : index
    %get3A_9 = arith.constant 0 : index
    %get3A_10 = vector.load %arg1[%get3A_7, %get3A_8, %get3A_9] : memref<2x1000x128xf32, #tpu.memory_space<vmem>>, vector<1x1000x128xf32>
    %get3A_11 = vector.shape_cast %get3A_10 : vector<1x1000x128xf32> to vector<1000x128xf32>
    %add3A = arith.addf %get3A_6, %get3A_11 : vector<1000x128xf32>
    %mul3A = vector.broadcast %get3A_1 : vector<1000x1xf32> to vector<1000x128xf32>
    %mul3A_12 = arith.mulf %add3A, %mul3A : vector<1000x128xf32>
    %swap3A = arith.constant 0 : index
    %swap3A_13 = arith.constant 0 : index
    %swap3A_14 = vector.load %arg3[%swap3A, %swap3A_13] : memref<1000x128xf32, #tpu.memory_space<vmem>>, vector<1000x128xf32>
    tpu.vector_store %arg3[%swap3A, %swap3A_13], %mul3A_12 {strides = array<i32>} : memref<1000x128xf32, #tpu.memory_space<vmem>>, vector<1000x128xf32>,
    return
  }
  func.func @transform_0(%arg0: i32) -> (i32, i32, i32) {
    %c0_i32 = arith.constant 0 : i32
    %c0_i32_0 = arith.constant 0 : i32
    %c0_i32_1 = arith.constant 0 : i32
    return %c0_i32, %arg0, %c0_i32_0 : i32, i32, i32
  }
  func.func @transform_1(%arg0: i32) -> (i32, i32) {
    %c0_i32 = arith.constant 0 : i32
    %c0_i32_0 = arith.constant 0 : i32
    return %arg0, %c0_i32 : i32, i32
  }
  func.func @transform_2(%arg0: i32) -> (i32, i32) {
    %c0_i32 = arith.constant 0 : i32
    %c0_i32_0 = arith.constant 0 : i32
    return %arg0, %c0_i32 : i32, i32
  }
}

</mosaic_0001>

<sc_bundles>
// kernel: kernel.11.cloned.1.call-start
scs
__scs_entry_jumppad:
0x0: {  	(pc) =	sbr.rel $0x88, $3  }
0x1: {  	(tag) =	ssettag $0x0;
	lr =	simm.s32 $0x1  }
0x2: {  	[smem:$0x3F9B] =	sst lr;
	_ =	strace $0xD0000000  }
0x3: {  	_ = 	snop  }
0x4: {  	_ = 	snop  }
0x5: {  	_ = 	snop  }
0x6: {  	_ = 	snop  }
0x7: {  	_ = 	snop  }
__scs_overlays_trampoline_lowered:
0x8: {  	[smem:$0x3FAA] =	sst s0  }
0x9: {  	[smem:$0x3FAB] =	sst s1  }
0xa: {  	[smem:$0x3FAC] =	sst s2  }
0xb: {  	[smem:$0x3FAD] =	sst s3  }
0xc: {  	[smem:$0x3FAE] =	sst s4  }
0xd: {  	[smem:$0x3FAF] =	sst s5  }
0xe: {  	[smem:$0x3FB0] =	sst s6  }
0xf: {  	[smem:$0x3FB1] =	sst s7  }
0x10: {  	[smem:$0x3FB2] =	sst s8  }
0x11: {  	[smem:$0x3FB3] =	sst s9;
	s0 =	simm.s32 @!p0 $0x0  }
0x12: {  	s1 =	sld [smem:$0x3F99];
	s0 =	simm.s32 @p0 $0x1  }
0x13: {  	[smem:$0x3FB4] =	sst s0;
	s0 =	simm.s32 @!p1 $0x0  }
0x14: {  	s2 =	sld [smem:$0x3F98];
	s0 =	simm.s32 @p1 $0x1  }
0x15: {  	[smem:$0x3FB5] =	sst s0;
	s0 =	simm.s32 @!p2 $0x0  }
0x16: {  	s3 =	sld [smem:$0x3FDB];
	s0 =	simm.s32 @p2 $0x1  }
0x17: {  	s4 =	simm.s32 $0x1BF5;
	[smem:$0x3FB7] =	sst s0  }
0x18: {  	s0 =	sld [smem:$0x3F9A];
	_ =	swait.ge [sflag:s4], $0x0  }
0x19: {  	s7 =	sld [smem:$0x3F9B]  }
0x1a: {  	s8 =	sadd.s32 $0xFFFFE003, lr  }
0x1b: {  	s9 =	sadd.s32 $0xFFFFFEF7, lr;
	s5 =	simm.s32 $0xFFFFFFFF;
	p2 =	slt.u32 s8, $0xFFFFF086  }
0x1c: {  	p1 =	slt.u32 s9, $0xF7A;
	s5 =	simm.s32 @!p2 $0x0  }
0x1d: {  	s5 =	simm.s32 @p1 $0x1;
	p0 =	seq.s32 s7, s2  }
0x1e: {  	s7 =	smul.u32 @!p0 $0xF7A, s2;
	p2 =	seq.s32 @!p0 s5, $0x0  }
0x1f: {  	s9 =	smul.u32 $0xF7A, s1;
	s8 =	simm.s32 @!p0 $0x1BF5;
	p2 =	por !p2, p0  }
0x20: {  	[sflag:s8] =	ssyncset.s32 @!p0 $0xFFFFF086;
	s6 =	sadd.s32 @!p0 s3, s7;
	s7 =	simm.s32 @!p0 $0x108  }
0x21: {  	s3 =	sadd.s32 s3, s9;
	s6 =	sadd.s32 @!p0 $0x88, s6;
	s7 =	simm.s32 @p2 $0x1082  }
0x22: {  	[simem:s7], [sflag:s8] =	dma.local @!p0 [hbm:s6], $0xF7A  }
0x23: {  	s9 =	sor.u32 $0xD0000000, s2;
	s6 =	simm.s32 $0x108;
	_ =	swait.ge @!p0 [sflag:s8], $0x0  }
0x24: {  	s3 =	sadd.s32 $0x88, s3;
	s6 =	simm.s32 @!p1 $0x1082;
	[sflag:s4] =	ssyncset.s32 $0xFFFFF086  }
0x25: {  	[simem:s6], [sflag:s4] =	dma.local [hbm:s3], $0xF7A  }
0x26: {  	[smem:$0x3F9B] =	sst s1;
	(tag) =	ssettag s2;
	_ =	strace s9  }
0x27: {  	s1 =	sld [smem:$0x3FAB]  }
0x28: {  	s2 =	sld [smem:$0x3FAC]  }
0x29: {  	s4 =	sld [smem:$0x3FAE]  }
0x2a: {  	p0 =	seq.s32 s5, $0x0;
	s5 =	sld [smem:$0x3FAF]  }
0x2b: {  	s6 =	sld [smem:$0x3FB0]  }
0x2c: {  	s7 =	sld [smem:$0x3FB1]  }
0x2d: {  	s3 =	simm.s32 $0x108;
	s8 =	sld [smem:$0x3FB2]  }
0x2e: {  	s3 =	simm.s32 @!p0 $0x1082;
	s9 =	sld [smem:$0x3FB3]  }
0x2f: {  	lr =	sadd.s32 s0, s3;
	s0 =	sld [smem:$0x3FAA]  }
0x30: {  	s3 =	sld [smem:$0x3FAD]  }
0x31: {  	[smem:$0x3FB6] =	sst s10  }
0x32: {  	s10 =	sld [smem:$0x3FB4];
	_ =	sdelay $0x3  }
0x33: {  	p0 =	seq.s32 s10, $0x1;
	s10 =	sld [smem:$0x3FB6];
	_ =	sdelay $0x3  }
0x34: {  	[smem:$0x3FB6] =	sst s10  }
0x35: {  	s10 =	sld [smem:$0x3FB5];
	_ =	sdelay $0x3  }
0x36: {  	p1 =	seq.s32 s10, $0x1;
	s10 =	sld [smem:$0x3FB6];
	_ =	sdelay $0x3  }
0x37: {  	[smem:$0x3FB6] =	sst s10  }
0x38: {  	s10 =	sld [smem:$0x3FB7]  }
0x39: {  	_ = 	snop;
	(pc) =	sbr.ind lr, $3  }
0x3a: {  	_ = 	snop  }
0x3b: {  	_ = 	snop  }
0x3c: {  	p2 =	seq.s32 s10, $0x1;
	s10 =	sld [smem:$0x3FB6]  }
0x3d: {  	_ =	shalt  }
0x3e: {  	_ =	shalt  }
0x3f: {  	_ =	shalt  }
0x40: {  	_ =	shalt  }
0x41: {  	_ =	shalt  }
0x42: {  	_ =	shalt  }
0x43: {  	_ =	shalt  }
0x44: {  	_ =	shalt  }
0x45: {  	_ =	shalt  }
0x46: {  	_ =	shalt  }
0x47: {  	_ =	shalt  }
0x48: {  	_ =	shalt  }
0x49: {  	_ =	shalt  }
0x4a: {  	_ =	shalt  }
0x4b: {  	_ =	shalt  }
0x4c: {  	_ =	shalt  }
0x4d: {  	_ =	shalt  }
0x4e: {  	_ =	shalt  }
0x4f: {  	_ =	shalt  }
0x50: {  	_ =	shalt  }
0x51: {  	_ =	shalt  }
0x52: {  	_ =	shalt  }
0x53: {  	_ =	shalt  }
0x54: {  	_ =	shalt  }
0x55: {  	_ =	shalt  }
0x56: {  	_ =	shalt  }
0x57: {  	_ =	shalt  }
0x58: {  	_ =	shalt  }
0x59: {  	_ =	shalt  }
0x5a: {  	_ =	shalt  }
0x5b: {  	_ =	shalt  }
0x5c: {  	_ =	shalt  }
0x5d: {  	_ =	shalt  }
0x5e: {  	_ =	shalt  }
0x5f: {  	_ =	shalt  }
0x60: {  	_ =	shalt  }
0x61: {  	_ =	shalt  }
0x62: {  	_ =	shalt  }
0x63: {  	_ =	shalt  }
0x64: {  	_ =	shalt  }
0x65: {  	_ =	shalt  }
0x66: {  	_ =	shalt  }
0x67: {  	_ =	shalt  }
0x68: {  	_ =	shalt  }
0x69: {  	_ =	shalt  }
0x6a: {  	_ =	shalt  }
0x6b: {  	_ =	shalt  }
0x6c: {  	_ =	shalt  }
0x6d: {  	_ =	shalt  }
0x6e: {  	_ =	shalt  }
0x6f: {  	_ =	shalt  }
0x70: {  	_ =	shalt  }
0x71: {  	_ =	shalt  }
0x72: {  	_ =	shalt  }
0x73: {  	_ =	shalt  }
0x74: {  	_ =	shalt  }
0x75: {  	_ =	shalt  }
0x76: {  	_ =	shalt  }
0x77: {  	_ =	shalt  }
0x78: {  	_ =	shalt  }
0x79: {  	_ =	shalt  }
0x7a: {  	_ =	shalt  }
0x7b: {  	_ =	shalt  }
0x7c: {  	_ =	shalt  }
0x7d: {  	_ =	shalt  }
0x7e: {  	_ =	shalt  }
0x7f: {  	_ =	shalt  }
0x80: {  	_ =	shalt  }
0x81: {  	_ =	shalt  }
0x82: {  	_ =	shalt  }
0x83: {  	_ =	shalt  }
0x84: {  	_ =	shalt  }
0x85: {  	_ =	shalt  }
0x86: {  	_ =	shalt  }
0x87: {  	_ =	shalt  }
.Lfunc_end0:
.L_simem_size_0:
called_computation.1_lowered:
.L_overlay_start_0:
0x88: {  	s2 =	sld [smem:$0x3FD9]  }
0x89: {  	s3 =	sld [smem:$0x3FFE];
	_ =	sdelay $0x1  }
0x8a: {  	s1 =	srdreg.scid  }
0x8b: {  	s0 =	sand.u32 $0x1, s1  }
0x8c: {  	s17 =	sshll.u32 s0, $0xA;
	s2 =	sadd.s32 s3, s2  }
0x8d: {  	s2 =	sadd.s32 s2, s17  }
0x8e: {  	[smem:$0x3FC2] =	sst s2  }
0x8f: {  	_ = 	snop  }
0x90: {  	s2 =	sld [smem:$0x3FD0];
	(tm) =	ssettm $0x1  }
0x91: {  	s18 =	sld [smem:$0x3FFB];
	_ =	sdelay $0x3  }
0x92: {  	_ =	strace s18  }
0x93: {  	s3 =	sld [smem:$0x3FFC];
	_ =	sdelay $0x3  }
0x94: {  	_ =	strace s3  }
0x95: {  	s3 =	sld [smem:$0x3FFD];
	_ =	sdelay $0x3  }
0x96: {  	_ =	strace s3  }
0x97: {  	_ =	strace $0x8FFFFFFF  }
0x98: {  	s19 =	sld [smem:$0x3FDB];
	_ =	sdelay $0x1  }
0x99: {  	s4 =	simm.s32 $_scs_section_size  }
0x9a: {  	s5 =	simm.s32 $_size__tile_overlayer_lowered;
	s6 =	simm.s32 $_tile_overlayer_lowered  }
0x9b: {  	s22 =	simm.s32 $0x1BFF;
	s21 =	sshll.u32 s6, $0x1;
	s3 =	sadd.s32 s4, s19  }
0x9c: {  	s7 =	simm.s32 $0x0;
	s20 =	sshll.u32 s5, $0x1;
	s5 =	sadd.s32 s21, s3  }
0x9d: {  	[timem:s7], [sflag:s22] =	dma.local [hbm:s5], s20  }
0x9e: {  	_ =	swait.ge [sflag:s22], s20  }
0x9f: {  	s4 =	ssub.s32 $0x0, s20;
	[sflag:s22] =	ssyncset.done $0x0  }
0xa0: {  	[sflag:s22] =	ssyncadd.s32 s4;
	_ =	sdelay $0x1  }
0xa1: {  	s23 =	simm.s32 $0x1B8B  }
0xa2: {  	_ =	swait.ge [sflag:s23], $0x1  }
0xa3: {  	[sflag:s23] =	ssyncset.done $0x0  }
0xa4: {  	s25 =	simm.s32 $0x1B8E;
	s24 =	sld [smem:$0x3FFE];
	[sflag:s23] =	ssyncadd.s32 $0xFFFFFFFF  }
0xa5: {  	s26 =	simm.s32 $execute0_lowered;
	[smem:$0x3FD2] =	sst s25  }
0xa6: {  	s5 =	sshll.u32 s26, $0x1;
	_ =	strace $0x80000049;
	[dreg:$0x1] =	wrdreg $0xFFFFFFFF  }
0xa7: {  	s28 =	simm.s32 $_size_execute0_lowered;
	s3 =	sadd.s32 s3, s5;
	[dreg:$0x0] =	wrdreg $0x0  }
0xa8: {  	s5 =	sshll.u32 s28, $0x1;
	[dreg:$0x2] =	wrdreg s3  }
0xa9: {  	[dreg:$0x3] =	wrdreg s5  }
0xaa: {  	[dreg:$0x4] =	wrdreg $0xC0  }
0xab: {  	_ =	task [dreg:s7], $0x5FFFF  }
0xac: {  	[dreg:$0x1] =	wrdreg $0xFFFFFFFF  }
0xad: {  	[dreg:$0x0] =	wrdreg $0x60  }
0xae: {  	[dreg:$0x2] =	wrdreg s24  }
0xaf: {  	[dreg:$0x3] =	wrdreg s2  }
0xb0: {  	[dreg:$0x4] =	wrdreg $0xC4000  }
0xb1: {  	[dreg:$0x5] =	wrdreg $0x9  }
0xb2: {  	_ =	task.clear_ibuf [dreg:s7], $0x6FFFF;
	_ =	strace $0x90000049  }
0xb3: {  	s29 =	simm.s32 $0x9;
	_ =	strace $0x8000004B  }
0xb4: {  	_ =	swait.ge [sflag:s29], $0x1  }
0xb5: {  	[sflag:s29] =	ssyncadd.s32 $0xFFFFFFFF  }
0xb6: {  	_ =	strace $0x9000004B  }
0xb7: {  	_ =	sfence  }
0xb8: {  	s30 =	sld [smem:$0x0];
	_ =	sdelay $0x2  }
0xb9: {  	s31 =	sshll.u32 s1, $0xD;
	s1 =	sshrl.u32 s1, $0x2  }
0xba: {  	s3 =	sand.u32 $0x4000, s31;
	s1 =	sadd.s32 s1, s30  }
0xbb: {  	s0 =	sor.u32 s3, s0;
	s1 =	sshll.u32 s1, $0x11  }
0xbc: {  	s0 =	sor.u32 s1, s0  }
0xbd: {  	s0 =	sadd.s32 $0x8F2B, s0  }
0xbe: {  	[sflag:s0] =	ssyncadd.remote.s32 $0x1  }
0xbf: {  	_ =	sfence.sel $0xFFFF  }
0xc0: {  	[dreg:$0x0] =	wrdreg $0xFFFFFFFF;
	(pc) =	sbr.abs _section_cstart, $3  }
0xc1: {  	[dreg:$0x1] =	wrdreg $0xFFFFFFFF  }
0xc2: {  	_ =	task.clear_ibuf [dreg:s7], $0x2FFFF;
	_ =	strace $0x9FFFFFFF  }
0xc3: {  	(tm) =	ssettm $0x7FFFFFFF  }
tec
execute0_lowered:
.L_overlay_start_1:
0x0: {  	(tag) =	ssettag $0x1  }
0x1: {  	s0 =	rddreg [dreg:$0x0]  }
0x2: {  	s1 =	rddreg [dreg:$0x1]  }
0x3: {  	s2 =	rddreg [dreg:$0x2];
	s3 =	simm.s32 $0x0;
	s4 =	srdreg.scid  }
0x4: {  	s15 =	stileid.u32;
	s16 =	simm.s32 $0x7;
	s18 =	simm.s32 $0x1400  }
0x5: {  	s19 =	simm.s32 $0x64;
	s20 =	simm.s32 $0x2800;
	s28 =	simm.s32 $0x1480  }
0x6: {  	s29 =	simm.s32 $0x4;
	s30 =	simm.s32 $0x180;
	s31 =	simm.s32 $0x3  }
0x7: {  	[smem:$0x7FF] =	sst s3;
	s5 =	sadd.s32 $0x1F600, s0;
	s7 =	smul.u32 $0x4E000, s15  }
0x8: {  	s6 =	sadd.s32 $0x12E00, s0;
	s4 =	sand.u32 $0x1, s4;
	s11 =	smul.u32 $0x2700, s15  }
0x9: {  	s0 =	sadd.s32 $0x6D800, s0;
	s22 =	sshll.u32 s15, $0x6;
	s23 =	smul.u32 $0x13800, s15  }
0xa: {  	p0 =	sne.s32 s15, $0xF;
	s8 =	ssub.s32 $0x2, s4;
	s9 =	smul.u32 $0x27100, s4  }
0xb: {  	_ =	strace $0x8000004A;
	s12 =	smul.u32 $0x138800, s4;
	s10 =	sshrl.u32 s8, $0x1  }
0xc: {  	s4 =	smul.u32 $0x64000, s4;
	s7 =	sshrl.u32 s7, $0x2;
	s10 =	ssub.s32 s8, s10  }
0xd: {  	s7 =	sadd.s32 s7, s2;
	s21 =	sadd.s32 s11, s9;
	s13 =	sshrl.u32 s12, $0x3  }
0xe: {  	s9 =	smul.u32 $0x6400, s15;
	s11 =	sadd.s32 s23, s12;
	s12 =	sadd.s32 $0x138000, s2  }
0xf: {  	s23 =	simm.s32 $0x1;
	s8 =	sadd.s32 s5, s21;
	s13 =	sadd.s32 $0x27000, s13  }
0x10: {  	s14 =	sshrl.u32 s11, $0x3;
	s26 =	smax.u32 s10, $0x1;
	s15 =	sshrl.u32 s7, $0x3  }
0x11: {  	s17 =	sshrl.u32 @!p0 s12, $0x3;
	s21 =	simm.s32 $0x80;
	[dreg:$0x4] =	wrdreg s8  }
0x12: {  	s7 =	simm.s32 $0x200;
	s10 =	simm.s32 $0x6;
	[dreg:$0x8] =	wrdreg s26  }
0x13: {  	s12 =	simm.s32 $0x2780;
	s8 =	sor.u32 $0x1C07, s22;
	[dreg:$0x9] =	wrdreg s15  }
.Ltmp0:
0x14: {  	s24 =	sadd.s32 s5, s13;
	[dreg:$0xa] =	wrdreg s17;
	(pc) =	sbr.rel .LBB2_1-.Ltmp0, $4  }
0x15: {  	s11 =	sadd.s32 s4, s9;
	s25 =	sadd.s32 s0, s14;
	[dreg:$0x5] =	wrdreg s24  }
0x16: {  	s0 =	sadd.s32 s0, s13;
	s22 =	simm.s32 $0x5C00;
	[dreg:$0x6] =	wrdreg s25  }
0x17: {  	s26 =	simm.s32 $0x2;
	s4 =	simm.s32 $0x5;
	[dreg:$0x7] =	wrdreg s0  }
0x18: {  	s24 =	simm.s32 $0x100;
	s25 =	simm.s32 $0x9000;
	s0 =	simm.s32 $0x1500  }
.LBB2_6:
0x19: {  	[bflag:$0x0] =	sbarrier.arrive $0xFFFF  }
0x1a: {  	s13 =	rddreg [dreg:$0x6]  }
0x1b: {  	s15 =	rddreg [dreg:$0x9]  }
0x1c: {  	[hbm:s13], [sflag:s8] =	dma.local [spmem:s15], $0x2700  }
0x1d: {  	_ =	swait.ge [sflag:s16], $0x2700  }
0x1e: {  	[sflag:s16] =	ssyncset.done $0x0;
	s13 =	rddreg [dreg:$0x7]  }
0x1f: {  	s17 =	rddreg [dreg:$0xa];
	[sflag:s16] =	ssyncadd.s32 $0xFFFFD900  }
0x20: {  	[hbm:s13], [sflag:s8] =	dma.local @!p0 [spmem:s17], $0x100  }
0x21: {  	s13 =	simm.s32 @!p0 $0x7  }
0x22: {  	_ =	swait.ge @!p0 [sflag:s13], $0x100  }
0x23: {  	s3 =	sadd.s32 $0x1, s3;
	s14 =	rddreg [dreg:$0x8]  }
0x24: {  	p1 =	sne.s32 s3, s14  }
.Ltmp1:
0x25: {  	_ = 	snop;
	(pc) =	sbr.rel @!p1 .LBB2_7-.Ltmp1, $3  }
0x26: {  	_ =	sdelay $0x1  }
0x27: {  	[sflag:s13] =	ssyncset.done @!p0 $0x0  }
0x28: {  	[sflag:s13] =	ssyncadd.s32 @!p0 $0xFFFFFF00  }
.LBB2_1:
0x29: {  	s13 =	rddreg [dreg:$0x4]  }
0x2a: {  	[spmem:s15], [sflag:s8] =	dma.local [hbm:s13], $0x2700  }
0x2b: {  	_ =	swait.ge [sflag:s16], $0x2700  }
0x2c: {  	[sflag:s16] =	ssyncset.done $0x0  }
0x2d: {  	s13 =	rddreg [dreg:$0x5];
	[sflag:s16] =	ssyncadd.s32 $0xFFFFD900  }
0x2e: {  	[spmem:s17], [sflag:s8] =	dma.local @!p0 [hbm:s13], $0x100  }
0x2f: {  	s13 =	simm.s32 @!p0 $0x7  }
.Ltmp2:
0x30: {  	_ =	swait.ge @!p0 [sflag:s13], $0x100;
	(pc) =	sbr.rel .LBB2_2-.Ltmp2, $4  }
0x31: {  	[sflag:s13] =	ssyncset.done @!p0 $0x0  }
0x32: {  	[sflag:s13] =	ssyncadd.s32 @!p0 $0xFFFFFF00  }
0x33: {  	[bflag:$0x0] =	sbarrier.arrive $0xFFFF  }
0x34: {  	s13 =	simm.s32 $0x0  }
.LBB2_5:
0x35: {  	_ =	swait.ge [sflag:s23], $0x3200  }
0x36: {  	[sflag:s23] =	ssyncset.done $0x0  }
0x37: {  	s13 =	sadd.s32 $0x1, s13;
	[sflag:s23] =	ssyncadd.s32 $0xFFFFCE00  }
0x38: {  	[spmem:s2] =	stream.indirect.scatter.add.f32 [tilespmem:s20], [sflag:$0x4], $0x80, s12, s19, $0xb8;
	[tilespmem:$0x1FC80] =	vst v63  }
0x39: {  	p1 =	sne.s32 s13, $0x5;
	_ =	swait.ge [sflag:s10], $0x3200  }
.Ltmp3:
0x3a: {  	[sflag:s10] =	ssyncset.done $0x0;
	(pc) =	sbr.rel @!p1 .LBB2_6-.Ltmp3, $4  }
0x3b: {  	[sflag:s10] =	ssyncadd.s32 $0xFFFFCE00  }
0x3c: {  	_ =	swait.ge [sflag:s29], $0x3200  }
0x3d: {  	[sflag:s29] =	ssyncset.done $0x0  }
0x3e: {  	[sflag:s29] =	ssyncadd.s32 $0xFFFFCE00  }
.LBB2_2:
0x3f: {  	s15 =	smul.u32 $0x1400, s13;
	_ =	sdelay $0x1  }
0x40: {  	s14 =	sadd.s32 s11, s15  }
0x41: {  	s14 =	sshrl.u32 s14, $0x3  }
0x42: {  	s17 =	sadd.s32 s1, s14;
	s14 =	simm.s32 $0x0  }
0x43: {  	[tilespmem:s14], [sflag:$0x7] =	stream.linear.gather [hbm4b:s17+s14], $0x1400, $0x38;
	[tilespmem:$0x1FC80] =	vst v63  }
0x44: {  	s15 =	sadd.s32 s9, s15;
	_ =	swait.ge [sflag:s16], $0x1400  }
0x45: {  	s15 =	sshrl.u32 s15, $0x3;
	[sflag:s16] =	ssyncset.done $0x0  }
0x46: {  	s15 =	sadd.s32 s6, s15;
	[sflag:s16] =	ssyncadd.s32 $0xFFFFEC00  }
0x47: {  	[tilespmem:s18], [sflag:$0x7] =	stream.linear.gather [hbm4b:s15+s14], $0x1400, $0x38;
	[tilespmem:$0x1FC80] =	vst v63  }
0x48: {  	_ =	swait.ge [sflag:s16], $0x1400  }
0x49: {  	[sflag:s16] =	ssyncset.done $0x0  }
0x4a: {  	[sflag:s16] =	ssyncadd.s32 $0xFFFFEC00  }
0x4b: {  	[tilespmem:s20], [sflag:$0x1] =	stream.indirect.gather [hbm4b:s5+s19], $0x80, s14, s19, $0xb8;
	[tilespmem:$0x1FC80] =	vst v63  }
0x4c: {  	_ = 	snop  }
0x4d: {  	[tilespmem:s22], [sflag:$0x2] =	stream.indirect.gather [hbm4b:s5+s19], $0x80, s21, s19, $0xb8;
	[tilespmem:$0x1FC80] =	vst v63  }
0x4e: {  	_ =	swait.ge [sflag:s23], $0x3200  }
0x4f: {  	[sflag:s23] =	ssyncset.done $0x0  }
0x50: {  	[sflag:s23] =	ssyncadd.s32 $0xFFFFCE00  }
0x51: {  	[spmem:s2] =	stream.indirect.scatter.add.f32 [tilespmem:s20], [sflag:$0x4], $0x80, s18, s19, $0xb8;
	[tilespmem:$0x1FC80] =	vst v63  }
0x52: {  	_ = 	snop  }
0x53: {  	[tilespmem:s25], [sflag:$0x3] =	stream.indirect.gather [hbm4b:s5+s19], $0x80, s24, s19, $0xb8;
	[tilespmem:$0x1FC80] =	vst v63  }
0x54: {  	_ =	swait.ge [sflag:s26], $0x3200  }
0x55: {  	[sflag:s26] =	ssyncset.done $0x0  }
0x56: {  	[sflag:s26] =	ssyncadd.s32 $0xFFFFCE00  }
0x57: {  	[spmem:s2] =	stream.indirect.scatter.add.f32 [tilespmem:s22], [sflag:$0x5], $0x80, s28, s19, $0xb8;
	[tilespmem:$0x1FC80] =	vst v63  }
0x58: {  	_ =	swait.ge [sflag:s29], $0x3200  }
0x59: {  	[sflag:s29] =	ssyncset.done $0x0  }
0x5a: {  	[sflag:s29] =	ssyncadd.s32 $0xFFFFCE00  }
0x5b: {  	[tilespmem:s20], [sflag:$0x1] =	stream.indirect.gather [hbm4b:s5+s19], $0x80, s30, s19, $0xb8;
	[tilespmem:$0x1FC80] =	vst v63  }
0x5c: {  	_ =	swait.ge [sflag:s31], $0x3200  }
0x5d: {  	[sflag:s31] =	ssyncset.done $0x0  }
0x5e: {  	[sflag:s31] =	ssyncadd.s32 $0xFFFFCE00  }
0x5f: {  	[spmem:s2] =	stream.indirect.scatter.add.f32 [tilespmem:s25], [sflag:$0x6], $0x80, s0, s19, $0xb8;
	[tilespmem:$0x1FC80] =	vst v63  }
0x60: {  	_ =	swait.ge [sflag:s4], $0x3200  }
0x61: {  	[sflag:s4] =	ssyncset.done $0x0  }
0x62: {  	[sflag:s4] =	ssyncadd.s32 $0xFFFFCE00  }
0x63: {  	[tilespmem:s22], [sflag:$0x2] =	stream.indirect.gather [hbm4b:s5+s19], $0x80, s7, s19, $0xb8;
	[tilespmem:$0x1FC80] =	vst v63  }
.LBB2_3:
0x64: {  	_ =	swait.ge [sflag:s23], $0x3200  }
0x65: {  	s15 =	sshra.s32 s14, $0x2;
	[sflag:s23] =	ssyncset.done $0x0  }
0x66: {  	s17 =	sadd.s32 $0x1580, s15;
	[sflag:s23] =	ssyncadd.s32 $0xFFFFCE00  }
0x67: {  	[spmem:s2] =	stream.indirect.scatter.add.f32 [tilespmem:s20], [sflag:$0x4], $0x80, s17, s19, $0xb8;
	[tilespmem:$0x1FC80] =	vst v63  }
0x68: {  	_ =	swait.ge [sflag:s10], $0x3200  }
0x69: {  	[sflag:s10] =	ssyncset.done $0x0  }
0x6a: {  	s17 =	sadd.s32 $0x280, s15;
	[sflag:s10] =	ssyncadd.s32 $0xFFFFCE00  }
0x6b: {  	[tilespmem:s25], [sflag:$0x3] =	stream.indirect.gather [hbm4b:s5+s19], $0x80, s17, s19, $0xb8;
	[tilespmem:$0x1FC80] =	vst v63  }
0x6c: {  	_ =	swait.ge [sflag:s26], $0x3200  }
0x6d: {  	[sflag:s26] =	ssyncset.done $0x0  }
0x6e: {  	s17 =	sadd.s32 $0x1600, s15;
	[sflag:s26] =	ssyncadd.s32 $0xFFFFCE00  }
0x6f: {  	[spmem:s2] =	stream.indirect.scatter.add.f32 [tilespmem:s22], [sflag:$0x5], $0x80, s17, s19, $0xb8;
	[tilespmem:$0x1FC80] =	vst v63  }
0x70: {  	_ =	swait.ge [sflag:s29], $0x3200  }
0x71: {  	[sflag:s29] =	ssyncset.done $0x0  }
0x72: {  	s17 =	sadd.s32 $0x300, s15;
	[sflag:s29] =	ssyncadd.s32 $0xFFFFCE00  }
0x73: {  	[tilespmem:s20], [sflag:$0x1] =	stream.indirect.gather [hbm4b:s5+s19], $0x80, s17, s19, $0xb8;
	[tilespmem:$0x1FC80] =	vst v63  }
0x74: {  	_ =	swait.ge [sflag:s31], $0x3200  }
0x75: {  	p1 =	seq.s32 s14, $0x4200;
	[sflag:s31] =	ssyncset.done $0x0  }
.Ltmp4:
0x76: {  	s17 =	sadd.s32 $0x1680, s15;
	[sflag:s31] =	ssyncadd.s32 $0xFFFFCE00;
	(pc) =	sbr.rel @p1 .LBB2_5-.Ltmp4, $4  }
0x77: {  	[spmem:s2] =	stream.indirect.scatter.add.f32 [tilespmem:s25], [sflag:$0x6], $0x80, s17, s19, $0xb8;
	[tilespmem:$0x1FC80] =	vst v63  }
0x78: {  	_ =	swait.ge [sflag:s4], $0x3200  }
0x79: {  	[sflag:s4] =	ssyncset.done $0x0  }
0x7a: {  	[sflag:s4] =	ssyncadd.s32 $0xFFFFCE00  }
.Ltmp5:
0x7b: {  	(pc) =	sbr.rel .LBB2_3-.Ltmp5, $3  }
0x7c: {  	_ =	sdelay $0x1  }
0x7d: {  	s15 =	sadd.s32 $0x380, s15;
	s14 =	sadd.s32 $0x600, s14  }
0x7e: {  	[tilespmem:s22], [sflag:$0x2] =	stream.indirect.gather [hbm4b:s5+s19], $0x80, s15, s19, $0xb8;
	[tilespmem:$0x1FC80] =	vst v63  }
.LBB2_7:
0x7f: {  	_ =	sfence.sel $0x180000  }
0x80: {  	[bflag:$0x0] =	sbarrier.arrive $0xFFFF  }
0x81: {  	_ =	strace $0x9000004A  }
0x82: {  	s0 =	stileid.u32;
	[bflag:$0x2] =	sbarrier.arrive $0xFFFF  }
0x83: {  	p0 =	sne.s32 s0, $0x0;
	s0 =	rddreg [dreg:$0x3]  }
0x84: {  	s0 =	sadd.s32 @!p0 $0x100000, s0  }
0x85: {  	[sflag:s0] =	ssyncadd.tile.s32 @!p0 $0x1;
	_ =	shalt  }
.Lfunc_end2:
_tile_overlayer_lowered:
.L_overlay_start_2:
0x86: {  	(tag) =	ssettag $0x2  }
0x87: {  	s0 =	rddreg [dreg:$0x0];
	s2 =	stileid.u32  }
0x88: {  	s1 =	rddreg [dreg:$0x1];
	p0 =	sne.s32 s2, $0x0  }
0x89: {  	s3 =	rddreg [dreg:$0x2];
	[bflag:$0x3] =	sbarrier.arrive $0xFFFF;
	s2 =	simm.s32 @!p0 $0x1C07  }
0x8a: {  	[timem:s3], [sflag:s2] =	dma.local @!p0 [hbm:s0], s1  }
0x8b: {  	s0 =	simm.s32 @!p0 $0x7  }
0x8c: {  	_ =	swait.ge @!p0 [sflag:s0], s1  }
0x8d: {  	s1 =	ssub.s32 @!p0 $0x0, s1;
	[sflag:s0] =	ssyncset.done @!p0 $0x0  }
0x8e: {  	[sflag:s0] =	ssyncadd.s32 @!p0 s1  }
0x8f: {  	[bflag:$0x3] =	sbarrier.arrive $0xFFFF  }
0x90: {  	_ =	shalt  }

// kernel: kernel.14.cloned.1.call-start
scs
__scs_entry_jumppad:
0x0: {  	(pc) =	sbr.rel $0x88, $3  }
0x1: {  	(tag) =	ssettag $0x0;
	lr =	simm.s32 $0x1  }
0x2: {  	[smem:$0x3F9B] =	sst lr;
	_ =	strace $0xD0000000  }
0x3: {  	_ = 	snop  }
0x4: {  	_ = 	snop  }
0x5: {  	_ = 	snop  }
0x6: {  	_ = 	snop  }
0x7: {  	_ = 	snop  }
__scs_overlays_trampoline_lowered:
0x8: {  	[smem:$0x3FAA] =	sst s0  }
0x9: {  	[smem:$0x3FAB] =	sst s1  }
0xa: {  	[smem:$0x3FAC] =	sst s2  }
0xb: {  	[smem:$0x3FAD] =	sst s3  }
0xc: {  	[smem:$0x3FAE] =	sst s4  }
0xd: {  	[smem:$0x3FAF] =	sst s5  }
0xe: {  	[smem:$0x3FB0] =	sst s6  }
0xf: {  	[smem:$0x3FB1] =	sst s7  }
0x10: {  	[smem:$0x3FB2] =	sst s8  }
0x11: {  	[smem:$0x3FB3] =	sst s9;
	s0 =	simm.s32 @!p0 $0x0  }
0x12: {  	s1 =	sld [smem:$0x3F99];
	s0 =	simm.s32 @p0 $0x1  }
0x13: {  	[smem:$0x3FB4] =	sst s0;
	s0 =	simm.s32 @!p1 $0x0  }
0x14: {  	s2 =	sld [smem:$0x3F98];
	s0 =	simm.s32 @p1 $0x1  }
0x15: {  	[smem:$0x3FB5] =	sst s0;
	s0 =	simm.s32 @!p2 $0x0  }
0x16: {  	s3 =	sld [smem:$0x3FDB];
	s0 =	simm.s32 @p2 $0x1  }
0x17: {  	s4 =	simm.s32 $0x1BF5;
	[smem:$0x3FB7] =	sst s0  }
0x18: {  	s0 =	sld [smem:$0x3F9A];
	_ =	swait.ge [sflag:s4], $0x0  }
0x19: {  	s7 =	sld [smem:$0x3F9B]  }
0x1a: {  	s8 =	sadd.s32 $0xFFFFE003, lr  }
0x1b: {  	s9 =	sadd.s32 $0xFFFFFEF7, lr;
	s5 =	simm.s32 $0xFFFFFFFF;
	p2 =	slt.u32 s8, $0xFFFFF086  }
0x1c: {  	p1 =	slt.u32 s9, $0xF7A;
	s5 =	simm.s32 @!p2 $0x0  }
0x1d: {  	s5 =	simm.s32 @p1 $0x1;
	p0 =	seq.s32 s7, s2  }
0x1e: {  	s7 =	smul.u32 @!p0 $0xF7A, s2;
	p2 =	seq.s32 @!p0 s5, $0x0  }
0x1f: {  	s9 =	smul.u32 $0xF7A, s1;
	s8 =	simm.s32 @!p0 $0x1BF5;
	p2 =	por !p2, p0  }
0x20: {  	[sflag:s8] =	ssyncset.s32 @!p0 $0xFFFFF086;
	s6 =	sadd.s32 @!p0 s3, s7;
	s7 =	simm.s32 @!p0 $0x108  }
0x21: {  	s3 =	sadd.s32 s3, s9;
	s6 =	sadd.s32 @!p0 $0x88, s6;
	s7 =	simm.s32 @p2 $0x1082  }
0x22: {  	[simem:s7], [sflag:s8] =	dma.local @!p0 [hbm:s6], $0xF7A  }
0x23: {  	s9 =	sor.u32 $0xD0000000, s2;
	s6 =	simm.s32 $0x108;
	_ =	swait.ge @!p0 [sflag:s8], $0x0  }
0x24: {  	s3 =	sadd.s32 $0x88, s3;
	s6 =	simm.s32 @!p1 $0x1082;
	[sflag:s4] =	ssyncset.s32 $0xFFFFF086  }
0x25: {  	[simem:s6], [sflag:s4] =	dma.local [hbm:s3], $0xF7A  }
0x26: {  	[smem:$0x3F9B] =	sst s1;
	(tag) =	ssettag s2;
	_ =	strace s9  }
0x27: {  	s1 =	sld [smem:$0x3FAB]  }
0x28: {  	s2 =	sld [smem:$0x3FAC]  }
0x29: {  	s4 =	sld [smem:$0x3FAE]  }
0x2a: {  	p0 =	seq.s32 s5, $0x0;
	s5 =	sld [smem:$0x3FAF]  }
0x2b: {  	s6 =	sld [smem:$0x3FB0]  }
0x2c: {  	s7 =	sld [smem:$0x3FB1]  }
0x2d: {  	s3 =	simm.s32 $0x108;
	s8 =	sld [smem:$0x3FB2]  }
0x2e: {  	s3 =	simm.s32 @!p0 $0x1082;
	s9 =	sld [smem:$0x3FB3]  }
0x2f: {  	lr =	sadd.s32 s0, s3;
	s0 =	sld [smem:$0x3FAA]  }
0x30: {  	s3 =	sld [smem:$0x3FAD]  }
0x31: {  	[smem:$0x3FB6] =	sst s10  }
0x32: {  	s10 =	sld [smem:$0x3FB4];
	_ =	sdelay $0x3  }
0x33: {  	p0 =	seq.s32 s10, $0x1;
	s10 =	sld [smem:$0x3FB6];
	_ =	sdelay $0x3  }
0x34: {  	[smem:$0x3FB6] =	sst s10  }
0x35: {  	s10 =	sld [smem:$0x3FB5];
	_ =	sdelay $0x3  }
0x36: {  	p1 =	seq.s32 s10, $0x1;
	s10 =	sld [smem:$0x3FB6];
	_ =	sdelay $0x3  }
0x37: {  	[smem:$0x3FB6] =	sst s10  }
0x38: {  	s10 =	sld [smem:$0x3FB7]  }
0x39: {  	_ = 	snop;
	(pc) =	sbr.ind lr, $3  }
0x3a: {  	_ = 	snop  }
0x3b: {  	_ = 	snop  }
0x3c: {  	p2 =	seq.s32 s10, $0x1;
	s10 =	sld [smem:$0x3FB6]  }
0x3d: {  	_ =	shalt  }
0x3e: {  	_ =	shalt  }
0x3f: {  	_ =	shalt  }
0x40: {  	_ =	shalt  }
0x41: {  	_ =	shalt  }
0x42: {  	_ =	shalt  }
0x43: {  	_ =	shalt  }
0x44: {  	_ =	shalt  }
0x45: {  	_ =	shalt  }
0x46: {  	_ =	shalt  }
0x47: {  	_ =	shalt  }
0x48: {  	_ =	shalt  }
0x49: {  	_ =	shalt  }
0x4a: {  	_ =	shalt  }
0x4b: {  	_ =	shalt  }
0x4c: {  	_ =	shalt  }
0x4d: {  	_ =	shalt  }
0x4e: {  	_ =	shalt  }
0x4f: {  	_ =	shalt  }
0x50: {  	_ =	shalt  }
0x51: {  	_ =	shalt  }
0x52: {  	_ =	shalt  }
0x53: {  	_ =	shalt  }
0x54: {  	_ =	shalt  }
0x55: {  	_ =	shalt  }
0x56: {  	_ =	shalt  }
0x57: {  	_ =	shalt  }
0x58: {  	_ =	shalt  }
0x59: {  	_ =	shalt  }
0x5a: {  	_ =	shalt  }
0x5b: {  	_ =	shalt  }
0x5c: {  	_ =	shalt  }
0x5d: {  	_ =	shalt  }
0x5e: {  	_ =	shalt  }
0x5f: {  	_ =	shalt  }
0x60: {  	_ =	shalt  }
0x61: {  	_ =	shalt  }
0x62: {  	_ =	shalt  }
0x63: {  	_ =	shalt  }
0x64: {  	_ =	shalt  }
0x65: {  	_ =	shalt  }
0x66: {  	_ =	shalt  }
0x67: {  	_ =	shalt  }
0x68: {  	_ =	shalt  }
0x69: {  	_ =	shalt  }
0x6a: {  	_ =	shalt  }
0x6b: {  	_ =	shalt  }
0x6c: {  	_ =	shalt  }
0x6d: {  	_ =	shalt  }
0x6e: {  	_ =	shalt  }
0x6f: {  	_ =	shalt  }
0x70: {  	_ =	shalt  }
0x71: {  	_ =	shalt  }
0x72: {  	_ =	shalt  }
0x73: {  	_ =	shalt  }
0x74: {  	_ =	shalt  }
0x75: {  	_ =	shalt  }
0x76: {  	_ =	shalt  }
0x77: {  	_ =	shalt  }
0x78: {  	_ =	shalt  }
0x79: {  	_ =	shalt  }
0x7a: {  	_ =	shalt  }
0x7b: {  	_ =	shalt  }
0x7c: {  	_ =	shalt  }
0x7d: {  	_ =	shalt  }
0x7e: {  	_ =	shalt  }
0x7f: {  	_ =	shalt  }
0x80: {  	_ =	shalt  }
0x81: {  	_ =	shalt  }
0x82: {  	_ =	shalt  }
0x83: {  	_ =	shalt  }
0x84: {  	_ =	shalt  }
0x85: {  	_ =	shalt  }
0x86: {  	_ =	shalt  }
0x87: {  	_ =	shalt  }
.Lfunc_end0:
.L_simem_size_0:
called_computation.2_lowered:
.L_overlay_start_0:
0x88: {  	s2 =	sld [smem:$0x3FD9]  }
0x89: {  	s3 =	sld [smem:$0x3FFE];
	_ =	sdelay $0x1  }
0x8a: {  	s1 =	srdreg.scid  }
0x8b: {  	s0 =	sand.u32 $0x1, s1  }
0x8c: {  	s17 =	sshll.u32 s0, $0xA;
	s2 =	sadd.s32 s3, s2  }
0x8d: {  	s2 =	sadd.s32 s2, s17  }
0x8e: {  	[smem:$0x3FC2] =	sst s2  }
0x8f: {  	_ = 	snop  }
0x90: {  	s2 =	sld [smem:$0x3FD0];
	(tm) =	ssettm $0x1  }
0x91: {  	s18 =	sld [smem:$0x3FFB];
	_ =	sdelay $0x3  }
0x92: {  	_ =	strace s18  }
0x93: {  	s3 =	sld [smem:$0x3FFC];
	_ =	sdelay $0x3  }
0x94: {  	_ =	strace s3  }
0x95: {  	s3 =	sld [smem:$0x3FFD];
	_ =	sdelay $0x3  }
0x96: {  	_ =	strace s3  }
0x97: {  	_ =	strace $0x8FFFFFFF  }
0x98: {  	s19 =	sld [smem:$0x3FDB];
	_ =	sdelay $0x1  }
0x99: {  	s4 =	simm.s32 $_scs_section_size  }
0x9a: {  	s5 =	simm.s32 $_size__tile_overlayer_lowered;
	s6 =	simm.s32 $_tile_overlayer_lowered  }
0x9b: {  	s22 =	simm.s32 $0x1BFF;
	s21 =	sshll.u32 s6, $0x1;
	s3 =	sadd.s32 s4, s19  }
0x9c: {  	s7 =	simm.s32 $0x0;
	s20 =	sshll.u32 s5, $0x1;
	s5 =	sadd.s32 s21, s3  }
0x9d: {  	[timem:s7], [sflag:s22] =	dma.local [hbm:s5], s20  }
0x9e: {  	_ =	swait.ge [sflag:s22], s20  }
0x9f: {  	s4 =	ssub.s32 $0x0, s20;
	[sflag:s22] =	ssyncset.done $0x0  }
0xa0: {  	[sflag:s22] =	ssyncadd.s32 s4;
	_ =	sdelay $0x1  }
0xa1: {  	s23 =	simm.s32 $0x1B8B  }
0xa2: {  	_ =	swait.ge [sflag:s23], $0x1  }
0xa3: {  	[sflag:s23] =	ssyncset.done $0x0  }
0xa4: {  	s25 =	simm.s32 $0x1B8E;
	s24 =	sld [smem:$0x3FFE];
	[sflag:s23] =	ssyncadd.s32 $0xFFFFFFFF  }
0xa5: {  	s26 =	simm.s32 $execute0_lowered;
	[smem:$0x3FD2] =	sst s25  }
0xa6: {  	s5 =	sshll.u32 s26, $0x1;
	_ =	strace $0x8000004C;
	[dreg:$0x1] =	wrdreg $0xFFFFFFFF  }
0xa7: {  	s28 =	simm.s32 $_size_execute0_lowered;
	s3 =	sadd.s32 s3, s5;
	[dreg:$0x0] =	wrdreg $0x0  }
0xa8: {  	s5 =	sshll.u32 s28, $0x1;
	[dreg:$0x2] =	wrdreg s3  }
0xa9: {  	[dreg:$0x3] =	wrdreg s5  }
0xaa: {  	[dreg:$0x4] =	wrdreg $0xC0  }
0xab: {  	_ =	task [dreg:s7], $0x5FFFF  }
0xac: {  	[dreg:$0x1] =	wrdreg $0xFFFFFFFF  }
0xad: {  	[dreg:$0x0] =	wrdreg $0x60  }
0xae: {  	[dreg:$0x2] =	wrdreg s2  }
0xaf: {  	[dreg:$0x3] =	wrdreg s24  }
0xb0: {  	[dreg:$0x4] =	wrdreg $0xBC000  }
0xb1: {  	[dreg:$0x5] =	wrdreg $0x9  }
0xb2: {  	_ =	task.clear_ibuf [dreg:s7], $0x6FFFF;
	_ =	strace $0x9000004C  }
0xb3: {  	s29 =	simm.s32 $0x9;
	_ =	strace $0x8000004E  }
0xb4: {  	_ =	swait.ge [sflag:s29], $0x1  }
0xb5: {  	[sflag:s29] =	ssyncadd.s32 $0xFFFFFFFF  }
0xb6: {  	_ =	strace $0x9000004E  }
0xb7: {  	_ =	sfence  }
0xb8: {  	s30 =	sld [smem:$0x0];
	_ =	sdelay $0x2  }
0xb9: {  	s31 =	sshll.u32 s1, $0xD;
	s1 =	sshrl.u32 s1, $0x2  }
0xba: {  	s3 =	sand.u32 $0x4000, s31;
	s1 =	sadd.s32 s1, s30  }
0xbb: {  	s0 =	sor.u32 s3, s0;
	s1 =	sshll.u32 s1, $0x11  }
0xbc: {  	s0 =	sor.u32 s1, s0  }
0xbd: {  	s0 =	sadd.s32 $0x8F2B, s0  }
0xbe: {  	[sflag:s0] =	ssyncadd.remote.s32 $0x1  }
0xbf: {  	_ =	sfence.sel $0xFFFF  }
0xc0: {  	[dreg:$0x0] =	wrdreg $0xFFFFFFFF;
	(pc) =	sbr.abs _section_cstart, $3  }
0xc1: {  	[dreg:$0x1] =	wrdreg $0xFFFFFFFF  }
0xc2: {  	_ =	task.clear_ibuf [dreg:s7], $0x2FFFF;
	_ =	strace $0x9FFFFFFF  }
0xc3: {  	(tm) =	ssettm $0x7FFFFFFF  }
tec
execute0_lowered:
.L_overlay_start_1:
0x0: {  	(tag) =	ssettag $0x1  }
0x1: {  	s1 =	rddreg [dreg:$0x0]  }
0x2: {  	s0 =	rddreg [dreg:$0x1]  }
0x3: {  	s3 =	rddreg [dreg:$0x2];
	s4 =	simm.s32 $0x0  }
0x4: {  	s17 =	simm.s32 $0x80;
	[smem:$0x7FF] =	sst s4  }
0x5: {  	s18 =	simm.s32 $0x100;
	_ =	strace $0x8000004D;
	[dreg:$0x6] =	wrdreg s17  }
0x6: {  	s20 =	simm.s32 $0x1080;
	[dreg:$0x7] =	wrdreg s18  }
0x7: {  	s21 =	simm.s32 $0x180;
	[dreg:$0x8] =	wrdreg s20  }
0x8: {  	s22 =	simm.s32 $0x1100;
	[dreg:$0x9] =	wrdreg s21  }
0x9: {  	s2 =	srdreg.scid;
	s24 =	simm.s32 $0x200;
	[dreg:$0xa] =	wrdreg s22  }
0xa: {  	s10 =	stileid.u32;
	s25 =	simm.s32 $0x1180;
	[dreg:$0xb] =	wrdreg s24  }
0xb: {  	s26 =	simm.s32 $0x280;
	s9 =	simm.s32 $0x1200;
	[dreg:$0xc] =	wrdreg s25  }
0xc: {  	s12 =	simm.s32 $0x300;
	s13 =	simm.s32 $0x1280;
	[dreg:$0xd] =	wrdreg s26  }
0xd: {  	s14 =	simm.s32 $0x380;
	s15 =	simm.s32 $0x1300;
	[dreg:$0xe] =	wrdreg s9  }
0xe: {  	s28 =	simm.s32 $0x6;
	s29 =	simm.s32 $0x1900;
	[dreg:$0xf] =	wrdreg s12  }
0xf: {  	s30 =	simm.s32 $0xA00;
	s31 =	simm.s32 $0x1980;
	[dreg:$0x10] =	wrdreg s13  }
0x10: {  	s2 =	sand.u32 $0x1, s2;
	s6 =	sshll.u32 s10, $0xB;
	[dreg:$0x11] =	wrdreg s14  }
0x11: {  	s11 =	sadd.s32 $0x11C00, s0;
	s23 =	smul.u32 $0x4E000, s10;
	[dreg:$0x12] =	wrdreg s15  }
0x12: {  	s8 =	smul.u32 $0x2700, s10;
	s17 =	simm.s32 $0x400;
	[smem:$0x7EA] =	sst s11  }
0x13: {  	s16 =	smul.u32 $0x13800, s10;
	s18 =	simm.s32 $0x1380;
	[dreg:$0x13] =	wrdreg s17  }
0x14: {  	p1 =	sne.s32 s10, $0xF;
	s20 =	simm.s32 $0x480;
	[dreg:$0x14] =	wrdreg s18  }
0x15: {  	p2 =	seq.s32 s10, $0xF;
	s21 =	simm.s32 $0x1400;
	[dreg:$0x15] =	wrdreg s20  }
0x16: {  	s5 =	sshll.u32 s2, $0xF;
	s22 =	simm.s32 $0x500;
	[dreg:$0x16] =	wrdreg s21  }
0x17: {  	s19 =	ssub.s32 $0x2, s2;
	s24 =	simm.s32 $0x580;
	[dreg:$0x17] =	wrdreg s22  }
0x18: {  	p0 =	seq.s32 s2, $0x1;
	s25 =	simm.s32 $0x1500;
	[dreg:$0x19] =	wrdreg s24  }
0x19: {  	s12 =	sadd.s32 $0x138000, s3;
	s13 =	simm.s32 $0x700;
	[dreg:$0x1a] =	wrdreg s25  }
0x1a: {  	s2 =	smul.u32 $0x138800, s2;
	s15 =	simm.s32 $0x7;
	[dreg:$0x1f] =	wrdreg s13  }
0x1b: {  	s5 =	sadd.s32 s5, s0;
	s9 =	sadd.s32 s1, s8;
	[smem:$0x7F1] =	sst s12  }
0x1c: {  	s0 =	sadd.s32 $0x38E00, s0;
	s8 =	sadd.s32 s11, s8;
	[smem:$0x7E9] =	sst s9  }
0x1d: {  	s7 =	sshrl.u32 s19, $0x1;
	s11 =	simm.s32 $0x1600;
	[smem:$0x7EB] =	sst s8  }
0x1e: {  	s17 =	sshrl.u32 s12, $0x3;
	s18 =	simm.s32 $0x780;
	[dreg:$0x1e] =	wrdreg s11  }
0x1f: {  	s20 =	simm.s32 $0x800;
	s21 =	simm.s32 $0x1780;
	[smem:$0x7F2] =	sst s17  }
0x20: {  	s22 =	simm.s32 $0x880;
	s24 =	simm.s32 $0x900;
	[smem:$0x7F4] =	sst s18  }
0x21: {  	s25 =	simm.s32 $0x1880;
	s13 =	simm.s32 $0x0;
	[smem:$0x7F6] =	sst s20  }
0x22: {  	s5 =	sadd.s32 s6, s5;
	s9 =	simm.s32 $0x680;
	[smem:$0x7F7] =	sst s21  }
0x23: {  	s17 =	simm.s32 $0x1000;
	s18 =	simm.s32 $0x64;
	[smem:$0x7F8] =	sst s22  }
0x24: {  	s20 =	simm.s32 $0x5400;
	s21 =	simm.s32 $0x1;
	[smem:$0x7FA] =	sst s24  }
0x25: {  	s22 =	simm.s32 $0x8800;
	s24 =	simm.s32 $0x4;
	[smem:$0x7FB] =	sst s25  }
0x26: {  	s25 =	simm.s32 $0x3;
	s6 =	sadd.s32 $0x1C00, s5;
	[dreg:$0x1d] =	wrdreg s9  }
0x27: {  	s11 =	simm.s32 $0x1C00;
	s5 =	sadd.s32 $0xBBA00, s5;
	[dreg:$0x4] =	wrdreg s6  }
0x28: {  	s9 =	simm.s32 $0xC00;
	[dreg:$0x5] =	wrdreg s5;
	s6 =	ssub.s32 s19, s7  }
0x29: {  	s7 =	sshrl.u32 s23, $0x2;
	s19 =	sadd.s32 s16, s2;
	s23 =	simm.s32 $0x1480  }
0x2a: {  	s2 =	sshrl.u32 s2, $0x3;
	s5 =	simm.s32 $0x600;
	[dreg:$0x18] =	wrdreg s23  }
0x2b: {  	s16 =	simm.s32 $0x1680;
	s7 =	sadd.s32 s7, s3;
	[dreg:$0x1b] =	wrdreg s5  }
0x2c: {  	s8 =	sshrl.u32 s19, $0x3;
	s26 =	smax.u32 s6, $0x1;
	[smem:$0x7F3] =	sst s16  }
0x2d: {  	s6 =	simm.s32 $0x1580;
	s19 =	simm.s32 $0x1700;
	[smem:$0x7EE] =	sst s26  }
0x2e: {  	s23 =	simm.s32 $0x1800;
	s5 =	simm.s32 $0xB80;
	[dreg:$0x1c] =	wrdreg s6  }
0x2f: {  	s16 =	simm.s32 $0x1B00;
	s8 =	sadd.s32 s0, s8;
	[smem:$0x7F5] =	sst s19  }
0x30: {  	s0 =	sadd.s32 s0, s2;
	s14 =	sshrl.u32 s7, $0x3;
	[smem:$0x7F9] =	sst s23  }
0x31: {  	s19 =	simm.s32 $0x2000;
	s26 =	simm.s32 $0x980;
	[smem:$0x7EC] =	sst s8  }
0x32: {  	s23 =	simm.s32 $0x2;
	s6 =	simm.s32 $0xB00;
	[smem:$0x7FC] =	sst s26  }
0x33: {  	s0 =	sadd.s32 $0x27000, s0;
	s8 =	sshll.u32 s10, $0x6;
	[smem:$0x7FD] =	sst s14  }
0x34: {  	s26 =	simm.s32 $0x5;
	s10 =	simm.s32 $0x1B80;
	[smem:$0x7ED] =	sst s0  }
0x35: {  	[smem:$0x7EF] =	sst s8;
	s2 =	sor.u32 $0x1C07, s8;
	s0 =	simm.s32 $0xA80  }
0x36: {  	s8 =	simm.s32 $0x1A80;
	[smem:$0x7F0] =	sst s2;
	s2 =	simm.s32 $0x1A00  }
.LBB2_1:
.Ltmp0:
0x37: {  	(pc) =	sbr.rel @!p0 .LBB2_2-.Ltmp0, $2  }
0x38: {  	_ =	sdelay $0x2  }
0x39: {  	[smem:$0x7E8] =	sst s13  }
0x3a: {  	s7 =	sld [smem:$0x7EB]  }
0x3b: {  	s12 =	sld [smem:$0x7F0];
	_ =	sdelay $0x2  }
0x3c: {  	[spmem:s14], [sflag:s12] =	dma.local [hbm:s7], $0x2700  }
.Ltmp1:
0x3d: {  	_ = 	snop;
	(pc) =	sbr.rel @p1 .LBB2_5-.Ltmp1, $4  }
.Ltmp2:
0x3e: {  	_ = 	snop;
	(pc) =	sbr.rel @!p1 .LBB2_4-.Ltmp2, $4  }
0x3f: {  	_ =	swait.ge [sflag:s15], $0x2700  }
0x40: {  	[sflag:s15] =	ssyncset.done $0x0  }
0x41: {  	s13 =	sld [smem:$0x7EA];
	[sflag:s15] =	ssyncadd.s32 $0xFFFFD900  }
0x42: {  	_ = 	snop  }
.LBB2_2:
0x43: {  	s7 =	sld [smem:$0x7EF]  }
0x44: {  	s13 =	sld [smem:$0x7E9];
	_ =	sdelay $0x1  }
.Ltmp3:
0x45: {  	s12 =	sor.u32 $0x1C07, s7;
	(pc) =	sbr.rel @!p2 .LBB2_5-.Ltmp3, $4  }
0x46: {  	[spmem:s14], [sflag:s12] =	dma.local [hbm:s13], $0x2700  }
0x47: {  	_ =	swait.ge [sflag:s15], $0x2700  }
0x48: {  	[sflag:s15] =	ssyncset.done $0x0  }
0x49: {  	s13 =	smov.u32 s1;
	[sflag:s15] =	ssyncadd.s32 $0xFFFFD900  }
.LBB2_4:
0x4a: {  	s7 =	sld [smem:$0x7F2];
	_ =	sdelay $0x1  }
0x4b: {  	s13 =	sadd.s32 $0x27000, s13  }
0x4c: {  	[spmem:s7], [sflag:s12] =	dma.local [hbm:s13], $0x100  }
0x4d: {  	_ =	swait.ge [sflag:s15], $0x100  }
0x4e: {  	[sflag:s15] =	ssyncset.done $0x0  }
0x4f: {  	[sflag:s15] =	ssyncadd.s32 $0xFFFFFF00  }
.LBB2_5:
0x50: {  	[bflag:$0x0] =	sbarrier.arrive $0xFFFF  }
0x51: {  	s12 =	rddreg [dreg:$0x5]  }
0x52: {  	s12 =	sadd.s32 $0x0, s12  }
0x53: {  	[tilespmem:s4], [sflag:$0x7] =	stream.linear.gather [hbm4b:s12+s4], $0xC80, $0x38;
	[tilespmem:$0x1F480] =	vst v63  }
0x54: {  	_ =	swait.ge [sflag:s15], $0xC80  }
0x55: {  	s14 =	rddreg [dreg:$0x4];
	[sflag:s15] =	ssyncset.done $0x0  }
0x56: {  	[sflag:s15] =	ssyncadd.s32 $0xFFFFF380;
	s12 =	sadd.s32 $0x0, s14  }
0x57: {  	[tilespmem:s17], [sflag:$0x7] =	stream.linear.gather [hbm4b:s12+s4], $0xC80, $0x38;
	[tilespmem:$0x1F480] =	vst v63  }
0x58: {  	_ =	swait.ge [sflag:s15], $0xC80  }
0x59: {  	[sflag:s15] =	ssyncset.done $0x0  }
0x5a: {  	[sflag:s15] =	ssyncadd.s32 $0xFFFFF380  }
0x5b: {  	[tilespmem:s19], [sflag:$0x1] =	stream.indirect.gather [hbm4b:s1+s18], $0x80, s4, s18, $0xb8;
	[tilespmem:$0x1F480] =	vst v63  }
0x5c: {  	s7 =	rddreg [dreg:$0x6]  }
0x5d: {  	[tilespmem:s20], [sflag:$0x2] =	stream.indirect.gather [hbm4b:s1+s18], $0x80, s7, s18, $0xb8;
	[tilespmem:$0x1F480] =	vst v63  }
0x5e: {  	_ =	swait.ge [sflag:s21], $0x3200  }
0x5f: {  	[sflag:s21] =	ssyncset.done $0x0  }
0x60: {  	[sflag:s21] =	ssyncadd.s32 $0xFFFFCE00  }
0x61: {  	[spmem:s3] =	stream.indirect.scatter.add.f32 [tilespmem:s19], [sflag:$0x4], $0x80, s17, s18, $0xb8;
	[tilespmem:$0x1F480] =	vst v63  }
0x62: {  	s13 =	rddreg [dreg:$0x7]  }
0x63: {  	[tilespmem:s22], [sflag:$0x3] =	stream.indirect.gather [hbm4b:s1+s18], $0x80, s13, s18, $0xb8;
	[tilespmem:$0x1F480] =	vst v63  }
0x64: {  	_ =	swait.ge [sflag:s23], $0x3200  }
0x65: {  	[sflag:s23] =	ssyncset.done $0x0  }
0x66: {  	s14 =	rddreg [dreg:$0x8];
	[sflag:s23] =	ssyncadd.s32 $0xFFFFCE00  }
0x67: {  	[spmem:s3] =	stream.indirect.scatter.add.f32 [tilespmem:s20], [sflag:$0x5], $0x80, s14, s18, $0xb8;
	[tilespmem:$0x1F480] =	vst v63  }
0x68: {  	_ =	swait.ge [sflag:s24], $0x3200  }
0x69: {  	[sflag:s24] =	ssyncset.done $0x0  }
0x6a: {  	s7 =	rddreg [dreg:$0x9];
	[sflag:s24] =	ssyncadd.s32 $0xFFFFCE00  }
0x6b: {  	[tilespmem:s19], [sflag:$0x1] =	stream.indirect.gather [hbm4b:s1+s18], $0x80, s7, s18, $0xb8;
	[tilespmem:$0x1F480] =	vst v63  }
0x6c: {  	_ =	swait.ge [sflag:s25], $0x3200  }
0x6d: {  	[sflag:s25] =	ssyncset.done $0x0  }
0x6e: {  	s13 =	rddreg [dreg:$0xa];
	[sflag:s25] =	ssyncadd.s32 $0xFFFFCE00  }
0x6f: {  	[spmem:s3] =	stream.indirect.scatter.add.f32 [tilespmem:s22], [sflag:$0x6], $0x80, s13, s18, $0xb8;
	[tilespmem:$0x1F480] =	vst v63  }
0x70: {  	_ =	swait.ge [sflag:s26], $0x3200  }
0x71: {  	[sflag:s26] =	ssyncset.done $0x0  }
0x72: {  	s14 =	rddreg [dreg:$0xb];
	[sflag:s26] =	ssyncadd.s32 $0xFFFFCE00  }
0x73: {  	[tilespmem:s20], [sflag:$0x2] =	stream.indirect.gather [hbm4b:s1+s18], $0x80, s14, s18, $0xb8;
	[tilespmem:$0x1F480] =	vst v63  }
0x74: {  	_ =	swait.ge [sflag:s21], $0x3200  }
0x75: {  	[sflag:s21] =	ssyncset.done $0x0  }
0x76: {  	s7 =	rddreg [dreg:$0xc];
	[sflag:s21] =	ssyncadd.s32 $0xFFFFCE00  }
0x77: {  	[spmem:s3] =	stream.indirect.scatter.add.f32 [tilespmem:s19], [sflag:$0x4], $0x80, s7, s18, $0xb8;
	[tilespmem:$0x1F480] =	vst v63  }
0x78: {  	_ =	swait.ge [sflag:s28], $0x3200  }
0x79: {  	[sflag:s28] =	ssyncset.done $0x0  }
0x7a: {  	s13 =	rddreg [dreg:$0xd];
	[sflag:s28] =	ssyncadd.s32 $0xFFFFCE00  }
0x7b: {  	[tilespmem:s22], [sflag:$0x3] =	stream.indirect.gather [hbm4b:s1+s18], $0x80, s13, s18, $0xb8;
	[tilespmem:$0x1F480] =	vst v63  }
0x7c: {  	_ =	swait.ge [sflag:s23], $0x3200  }
0x7d: {  	[sflag:s23] =	ssyncset.done $0x0  }
0x7e: {  	s14 =	rddreg [dreg:$0xe];
	[sflag:s23] =	ssyncadd.s32 $0xFFFFCE00  }
0x7f: {  	[spmem:s3] =	stream.indirect.scatter.add.f32 [tilespmem:s20], [sflag:$0x5], $0x80, s14, s18, $0xb8;
	[tilespmem:$0x1F480] =	vst v63  }
0x80: {  	_ =	swait.ge [sflag:s24], $0x3200  }
0x81: {  	[sflag:s24] =	ssyncset.done $0x0  }
0x82: {  	s7 =	rddreg [dreg:$0xf];
	[sflag:s24] =	ssyncadd.s32 $0xFFFFCE00  }
0x83: {  	[tilespmem:s19], [sflag:$0x1] =	stream.indirect.gather [hbm4b:s1+s18], $0x80, s7, s18, $0xb8;
	[tilespmem:$0x1F480] =	vst v63  }
0x84: {  	_ =	swait.ge [sflag:s25], $0x3200  }
0x85: {  	[sflag:s25] =	ssyncset.done $0x0  }
0x86: {  	s13 =	rddreg [dreg:$0x10];
	[sflag:s25] =	ssyncadd.s32 $0xFFFFCE00  }
0x87: {  	[spmem:s3] =	stream.indirect.scatter.add.f32 [tilespmem:s22], [sflag:$0x6], $0x80, s13, s18, $0xb8;
	[tilespmem:$0x1F480] =	vst v63  }
0x88: {  	_ =	swait.ge [sflag:s26], $0x3200  }
0x89: {  	[sflag:s26] =	ssyncset.done $0x0  }
0x8a: {  	s14 =	rddreg [dreg:$0x11];
	[sflag:s26] =	ssyncadd.s32 $0xFFFFCE00  }
0x8b: {  	[tilespmem:s20], [sflag:$0x2] =	stream.indirect.gather [hbm4b:s1+s18], $0x80, s14, s18, $0xb8;
	[tilespmem:$0x1F480] =	vst v63  }
0x8c: {  	_ =	swait.ge [sflag:s21], $0x3200  }
0x8d: {  	[sflag:s21] =	ssyncset.done $0x0  }
0x8e: {  	s7 =	rddreg [dreg:$0x12];
	[sflag:s21] =	ssyncadd.s32 $0xFFFFCE00  }
0x8f: {  	[spmem:s3] =	stream.indirect.scatter.add.f32 [tilespmem:s19], [sflag:$0x4], $0x80, s7, s18, $0xb8;
	[tilespmem:$0x1F480] =	vst v63  }
0x90: {  	_ =	swait.ge [sflag:s28], $0x3200  }
0x91: {  	[sflag:s28] =	ssyncset.done $0x0  }
0x92: {  	s13 =	rddreg [dreg:$0x13];
	[sflag:s28] =	ssyncadd.s32 $0xFFFFCE00  }
0x93: {  	[tilespmem:s22], [sflag:$0x3] =	stream.indirect.gather [hbm4b:s1+s18], $0x80, s13, s18, $0xb8;
	[tilespmem:$0x1F480] =	vst v63  }
0x94: {  	_ =	swait.ge [sflag:s23], $0x3200  }
0x95: {  	[sflag:s23] =	ssyncset.done $0x0  }
0x96: {  	s14 =	rddreg [dreg:$0x14];
	[sflag:s23] =	ssyncadd.s32 $0xFFFFCE00  }
0x97: {  	[spmem:s3] =	stream.indirect.scatter.add.f32 [tilespmem:s20], [sflag:$0x5], $0x80, s14, s18, $0xb8;
	[tilespmem:$0x1F480] =	vst v63  }
0x98: {  	_ =	swait.ge [sflag:s24], $0x3200  }
0x99: {  	[sflag:s24] =	ssyncset.done $0x0  }
0x9a: {  	s7 =	rddreg [dreg:$0x15];
	[sflag:s24] =	ssyncadd.s32 $0xFFFFCE00  }
0x9b: {  	[tilespmem:s19], [sflag:$0x1] =	stream.indirect.gather [hbm4b:s1+s18], $0x80, s7, s18, $0xb8;
	[tilespmem:$0x1F480] =	vst v63  }
0x9c: {  	_ =	swait.ge [sflag:s25], $0x3200  }
0x9d: {  	[sflag:s25] =	ssyncset.done $0x0  }
0x9e: {  	s13 =	rddreg [dreg:$0x16];
	[sflag:s25] =	ssyncadd.s32 $0xFFFFCE00  }
0x9f: {  	[spmem:s3] =	stream.indirect.scatter.add.f32 [tilespmem:s22], [sflag:$0x6], $0x80, s13, s18, $0xb8;
	[tilespmem:$0x1F480] =	vst v63  }
0xa0: {  	_ =	swait.ge [sflag:s26], $0x3200  }
0xa1: {  	[sflag:s26] =	ssyncset.done $0x0  }
0xa2: {  	s14 =	rddreg [dreg:$0x17];
	[sflag:s26] =	ssyncadd.s32 $0xFFFFCE00  }
0xa3: {  	[tilespmem:s20], [sflag:$0x2] =	stream.indirect.gather [hbm4b:s1+s18], $0x80, s14, s18, $0xb8;
	[tilespmem:$0x1F480] =	vst v63  }
0xa4: {  	_ =	swait.ge [sflag:s21], $0x3200  }
0xa5: {  	[sflag:s21] =	ssyncset.done $0x0  }
0xa6: {  	s7 =	rddreg [dreg:$0x18];
	[sflag:s21] =	ssyncadd.s32 $0xFFFFCE00  }
0xa7: {  	[spmem:s3] =	stream.indirect.scatter.add.f32 [tilespmem:s19], [sflag:$0x4], $0x80, s7, s18, $0xb8;
	[tilespmem:$0x1F480] =	vst v63  }
0xa8: {  	_ =	swait.ge [sflag:s28], $0x3200  }
0xa9: {  	[sflag:s28] =	ssyncset.done $0x0  }
0xaa: {  	s13 =	rddreg [dreg:$0x19];
	[sflag:s28] =	ssyncadd.s32 $0xFFFFCE00  }
0xab: {  	[tilespmem:s22], [sflag:$0x3] =	stream.indirect.gather [hbm4b:s1+s18], $0x80, s13, s18, $0xb8;
	[tilespmem:$0x1F480] =	vst v63  }
0xac: {  	_ =	swait.ge [sflag:s23], $0x3200  }
0xad: {  	[sflag:s23] =	ssyncset.done $0x0  }
0xae: {  	s14 =	rddreg [dreg:$0x1a];
	[sflag:s23] =	ssyncadd.s32 $0xFFFFCE00  }
0xaf: {  	[spmem:s3] =	stream.indirect.scatter.add.f32 [tilespmem:s20], [sflag:$0x5], $0x80, s14, s18, $0xb8;
	[tilespmem:$0x1F480] =	vst v63  }
0xb0: {  	_ =	swait.ge [sflag:s24], $0x3200  }
0xb1: {  	[sflag:s24] =	ssyncset.done $0x0  }
0xb2: {  	s7 =	rddreg [dreg:$0x1b];
	[sflag:s24] =	ssyncadd.s32 $0xFFFFCE00  }
0xb3: {  	[tilespmem:s19], [sflag:$0x1] =	stream.indirect.gather [hbm4b:s1+s18], $0x80, s7, s18, $0xb8;
	[tilespmem:$0x1F480] =	vst v63  }
0xb4: {  	_ =	swait.ge [sflag:s25], $0x3200  }
0xb5: {  	[sflag:s25] =	ssyncset.done $0x0  }
0xb6: {  	s13 =	rddreg [dreg:$0x1c];
	[sflag:s25] =	ssyncadd.s32 $0xFFFFCE00  }
0xb7: {  	[spmem:s3] =	stream.indirect.scatter.add.f32 [tilespmem:s22], [sflag:$0x6], $0x80, s13, s18, $0xb8;
	[tilespmem:$0x1F480] =	vst v63  }
0xb8: {  	_ =	swait.ge [sflag:s26], $0x3200  }
0xb9: {  	[sflag:s26] =	ssyncset.done $0x0  }
0xba: {  	s14 =	rddreg [dreg:$0x1d];
	[sflag:s26] =	ssyncadd.s32 $0xFFFFCE00  }
0xbb: {  	[tilespmem:s20], [sflag:$0x2] =	stream.indirect.gather [hbm4b:s1+s18], $0x80, s14, s18, $0xb8;
	[tilespmem:$0x1F480] =	vst v63  }
0xbc: {  	_ =	swait.ge [sflag:s21], $0x3200  }
0xbd: {  	[sflag:s21] =	ssyncset.done $0x0  }
0xbe: {  	s7 =	rddreg [dreg:$0x1e];
	[sflag:s21] =	ssyncadd.s32 $0xFFFFCE00  }
0xbf: {  	[spmem:s3] =	stream.indirect.scatter.add.f32 [tilespmem:s19], [sflag:$0x4], $0x80, s7, s18, $0xb8;
	[tilespmem:$0x1F480] =	vst v63  }
0xc0: {  	_ =	swait.ge [sflag:s28], $0x3200  }
0xc1: {  	[sflag:s28] =	ssyncset.done $0x0  }
0xc2: {  	s13 =	rddreg [dreg:$0x1f];
	[sflag:s28] =	ssyncadd.s32 $0xFFFFCE00  }
0xc3: {  	[tilespmem:s22], [sflag:$0x3] =	stream.indirect.gather [hbm4b:s1+s18], $0x80, s13, s18, $0xb8;
	[tilespmem:$0x1F480] =	vst v63  }
0xc4: {  	_ =	swait.ge [sflag:s23], $0x3200  }
0xc5: {  	s14 =	sld [smem:$0x7F3]  }
0xc6: {  	[sflag:s23] =	ssyncset.done $0x0  }
0xc7: {  	[sflag:s23] =	ssyncadd.s32 $0xFFFFCE00  }
0xc8: {  	[spmem:s3] =	stream.indirect.scatter.add.f32 [tilespmem:s20], [sflag:$0x5], $0x80, s14, s18, $0xb8;
	[tilespmem:$0x1F480] =	vst v63  }
0xc9: {  	_ =	swait.ge [sflag:s24], $0x3200  }
0xca: {  	s7 =	sld [smem:$0x7F4]  }
0xcb: {  	[sflag:s24] =	ssyncset.done $0x0  }
0xcc: {  	[sflag:s24] =	ssyncadd.s32 $0xFFFFCE00  }
0xcd: {  	[tilespmem:s19], [sflag:$0x1] =	stream.indirect.gather [hbm4b:s1+s18], $0x80, s7, s18, $0xb8;
	[tilespmem:$0x1F480] =	vst v63  }
0xce: {  	_ =	swait.ge [sflag:s25], $0x3200  }
0xcf: {  	s13 =	sld [smem:$0x7F5]  }
0xd0: {  	[sflag:s25] =	ssyncset.done $0x0  }
0xd1: {  	[sflag:s25] =	ssyncadd.s32 $0xFFFFCE00  }
0xd2: {  	[spmem:s3] =	stream.indirect.scatter.add.f32 [tilespmem:s22], [sflag:$0x6], $0x80, s13, s18, $0xb8;
	[tilespmem:$0x1F480] =	vst v63  }
0xd3: {  	_ =	swait.ge [sflag:s26], $0x3200  }
0xd4: {  	s14 =	sld [smem:$0x7F6]  }
0xd5: {  	[sflag:s26] =	ssyncset.done $0x0  }
0xd6: {  	[sflag:s26] =	ssyncadd.s32 $0xFFFFCE00  }
0xd7: {  	[tilespmem:s20], [sflag:$0x2] =	stream.indirect.gather [hbm4b:s1+s18], $0x80, s14, s18, $0xb8;
	[tilespmem:$0x1F480] =	vst v63  }
0xd8: {  	_ =	swait.ge [sflag:s21], $0x3200  }
0xd9: {  	s7 =	sld [smem:$0x7F7]  }
0xda: {  	[sflag:s21] =	ssyncset.done $0x0  }
0xdb: {  	[sflag:s21] =	ssyncadd.s32 $0xFFFFCE00  }
0xdc: {  	[spmem:s3] =	stream.indirect.scatter.add.f32 [tilespmem:s19], [sflag:$0x4], $0x80, s7, s18, $0xb8;
	[tilespmem:$0x1F480] =	vst v63  }
0xdd: {  	_ =	swait.ge [sflag:s28], $0x3200  }
0xde: {  	s13 =	sld [smem:$0x7F8]  }
0xdf: {  	[sflag:s28] =	ssyncset.done $0x0  }
0xe0: {  	[sflag:s28] =	ssyncadd.s32 $0xFFFFCE00  }
0xe1: {  	[tilespmem:s22], [sflag:$0x3] =	stream.indirect.gather [hbm4b:s1+s18], $0x80, s13, s18, $0xb8;
	[tilespmem:$0x1F480] =	vst v63  }
0xe2: {  	_ =	swait.ge [sflag:s23], $0x3200  }
0xe3: {  	s14 =	sld [smem:$0x7F9]  }
0xe4: {  	[sflag:s23] =	ssyncset.done $0x0  }
0xe5: {  	[sflag:s23] =	ssyncadd.s32 $0xFFFFCE00  }
0xe6: {  	[spmem:s3] =	stream.indirect.scatter.add.f32 [tilespmem:s20], [sflag:$0x5], $0x80, s14, s18, $0xb8;
	[tilespmem:$0x1F480] =	vst v63  }
0xe7: {  	_ =	swait.ge [sflag:s24], $0x3200  }
0xe8: {  	s7 =	sld [smem:$0x7FA]  }
0xe9: {  	[sflag:s24] =	ssyncset.done $0x0  }
0xea: {  	[sflag:s24] =	ssyncadd.s32 $0xFFFFCE00  }
0xeb: {  	[tilespmem:s19], [sflag:$0x1] =	stream.indirect.gather [hbm4b:s1+s18], $0x80, s7, s18, $0xb8;
	[tilespmem:$0x1F480] =	vst v63  }
0xec: {  	_ =	swait.ge [sflag:s25], $0x3200  }
0xed: {  	s13 =	sld [smem:$0x7FB]  }
0xee: {  	[sflag:s25] =	ssyncset.done $0x0  }
0xef: {  	[sflag:s25] =	ssyncadd.s32 $0xFFFFCE00  }
0xf0: {  	[spmem:s3] =	stream.indirect.scatter.add.f32 [tilespmem:s22], [sflag:$0x6], $0x80, s13, s18, $0xb8;
	[tilespmem:$0x1F480] =	vst v63  }
0xf1: {  	_ =	swait.ge [sflag:s26], $0x3200  }
0xf2: {  	s14 =	sld [smem:$0x7FC]  }
0xf3: {  	[sflag:s26] =	ssyncset.done $0x0  }
0xf4: {  	[sflag:s26] =	ssyncadd.s32 $0xFFFFCE00  }
0xf5: {  	[tilespmem:s20], [sflag:$0x2] =	stream.indirect.gather [hbm4b:s1+s18], $0x80, s14, s18, $0xb8;
	[tilespmem:$0x1F480] =	vst v63  }
0xf6: {  	_ =	swait.ge [sflag:s21], $0x3200  }
0xf7: {  	[sflag:s21] =	ssyncset.done $0x0  }
0xf8: {  	[sflag:s21] =	ssyncadd.s32 $0xFFFFCE00  }
0xf9: {  	[spmem:s3] =	stream.indirect.scatter.add.f32 [tilespmem:s19], [sflag:$0x4], $0x80, s29, s18, $0xb8;
	[tilespmem:$0x1F480] =	vst v63  }
0xfa: {  	_ =	swait.ge [sflag:s28], $0x3200  }
0xfb: {  	[sflag:s28] =	ssyncset.done $0x0  }
0xfc: {  	[sflag:s28] =	ssyncadd.s32 $0xFFFFCE00  }
0xfd: {  	[tilespmem:s22], [sflag:$0x3] =	stream.indirect.gather [hbm4b:s1+s18], $0x80, s30, s18, $0xb8;
	[tilespmem:$0x1F480] =	vst v63  }
0xfe: {  	_ =	swait.ge [sflag:s23], $0x3200  }
0xff: {  	[sflag:s23] =	ssyncset.done $0x0  }
0x100: {  	[sflag:s23] =	ssyncadd.s32 $0xFFFFCE00  }
0x101: {  	[spmem:s3] =	stream.indirect.scatter.add.f32 [tilespmem:s20], [sflag:$0x5], $0x80, s31, s18, $0xb8;
	[tilespmem:$0x1F480] =	vst v63  }
0x102: {  	_ =	swait.ge [sflag:s24], $0x3200  }
0x103: {  	[sflag:s24] =	ssyncset.done $0x0  }
0x104: {  	[sflag:s24] =	ssyncadd.s32 $0xFFFFCE00  }
0x105: {  	[tilespmem:s19], [sflag:$0x1] =	stream.indirect.gather [hbm4b:s1+s18], $0x80, s0, s18, $0xb8;
	[tilespmem:$0x1F480] =	vst v63  }
0x106: {  	_ =	swait.ge [sflag:s25], $0x3200  }
0x107: {  	[sflag:s25] =	ssyncset.done $0x0  }
0x108: {  	[sflag:s25] =	ssyncadd.s32 $0xFFFFCE00  }
0x109: {  	[spmem:s3] =	stream.indirect.scatter.add.f32 [tilespmem:s22], [sflag:$0x6], $0x80, s2, s18, $0xb8;
	[tilespmem:$0x1F480] =	vst v63  }
0x10a: {  	_ =	swait.ge [sflag:s26], $0x3200  }
0x10b: {  	[sflag:s26] =	ssyncset.done $0x0  }
0x10c: {  	[sflag:s26] =	ssyncadd.s32 $0xFFFFCE00  }
0x10d: {  	[tilespmem:s20], [sflag:$0x2] =	stream.indirect.gather [hbm4b:s1+s18], $0x80, s6, s18, $0xb8;
	[tilespmem:$0x1F480] =	vst v63  }
0x10e: {  	_ =	swait.ge [sflag:s21], $0x3200  }
0x10f: {  	[sflag:s21] =	ssyncset.done $0x0  }
0x110: {  	[sflag:s21] =	ssyncadd.s32 $0xFFFFCE00  }
0x111: {  	[spmem:s3] =	stream.indirect.scatter.add.f32 [tilespmem:s19], [sflag:$0x4], $0x80, s8, s18, $0xb8;
	[tilespmem:$0x1F480] =	vst v63  }
0x112: {  	_ =	swait.ge [sflag:s28], $0x3200  }
0x113: {  	[sflag:s28] =	ssyncset.done $0x0  }
0x114: {  	[sflag:s28] =	ssyncadd.s32 $0xFFFFCE00  }
0x115: {  	[tilespmem:s22], [sflag:$0x3] =	stream.indirect.gather [hbm4b:s1+s18], $0x80, s5, s18, $0xb8;
	[tilespmem:$0x1F480] =	vst v63  }
0x116: {  	_ =	swait.ge [sflag:s23], $0x3200  }
0x117: {  	[sflag:s23] =	ssyncset.done $0x0  }
0x118: {  	[sflag:s23] =	ssyncadd.s32 $0xFFFFCE00  }
0x119: {  	[spmem:s3] =	stream.indirect.scatter.add.f32 [tilespmem:s20], [sflag:$0x5], $0x80, s16, s18, $0xb8;
	[tilespmem:$0x1F480] =	vst v63  }
0x11a: {  	_ =	swait.ge [sflag:s24], $0x3200  }
0x11b: {  	[sflag:s24] =	ssyncset.done $0x0  }
0x11c: {  	[sflag:s24] =	ssyncadd.s32 $0xFFFFCE00  }
0x11d: {  	[tilespmem:s19], [sflag:$0x1] =	stream.indirect.gather [hbm4b:s1+s18], $0x80, s9, s18, $0xb8;
	[tilespmem:$0x1F480] =	vst v63  }
0x11e: {  	_ =	swait.ge [sflag:s25], $0x3200  }
0x11f: {  	[sflag:s25] =	ssyncset.done $0x0  }
0x120: {  	[sflag:s25] =	ssyncadd.s32 $0xFFFFCE00  }
0x121: {  	[spmem:s3] =	stream.indirect.scatter.add.f32 [tilespmem:s22], [sflag:$0x6], $0x80, s10, s18, $0xb8;
	[tilespmem:$0x1F480] =	vst v63  }
0x122: {  	_ =	swait.ge [sflag:s26], $0x3200  }
0x123: {  	[sflag:s26] =	ssyncset.done $0x0  }
0x124: {  	[sflag:s26] =	ssyncadd.s32 $0xFFFFCE00  }
0x125: {  	_ =	swait.ge [sflag:s21], $0x3200  }
0x126: {  	[sflag:s21] =	ssyncset.done $0x0  }
0x127: {  	[sflag:s21] =	ssyncadd.s32 $0xFFFFCE00  }
0x128: {  	[spmem:s3] =	stream.indirect.scatter.add.f32 [tilespmem:s19], [sflag:$0x4], $0x80, s11, s18, $0xb8;
	[tilespmem:$0x1F480] =	vst v63  }
0x129: {  	_ =	swait.ge [sflag:s28], $0x3200  }
0x12a: {  	[sflag:s28] =	ssyncset.done $0x0  }
0x12b: {  	[sflag:s28] =	ssyncadd.s32 $0xFFFFCE00  }
0x12c: {  	s12 =	simm.s32 $0x400;
	_ =	swait.ge [sflag:s24], $0x3200  }
0x12d: {  	s13 =	simm.s32 $0x200;
	s14 =	rddreg [dreg:$0x5];
	[sflag:s24] =	ssyncset.done $0x0  }
.LBB2_6:
0x12e: {  	[sflag:s24] =	ssyncadd.s32 $0xFFFFCE00;
	s14 =	sadd.s32 s13, s14  }
0x12f: {  	[tilespmem:s4], [sflag:$0x7] =	stream.linear.gather [hbm4b:s14+s4], $0xC80, $0x38;
	[tilespmem:$0x1F480] =	vst v63  }
0x130: {  	_ =	swait.ge [sflag:s15], $0xC80  }
0x131: {  	s14 =	rddreg [dreg:$0x4];
	[sflag:s15] =	ssyncset.done $0x0  }
0x132: {  	[sflag:s15] =	ssyncadd.s32 $0xFFFFF380;
	s14 =	sadd.s32 s13, s14  }
0x133: {  	[tilespmem:s17], [sflag:$0x7] =	stream.linear.gather [hbm4b:s14+s4], $0xC80, $0x38;
	[tilespmem:$0x1F480] =	vst v63  }
0x134: {  	_ =	swait.ge [sflag:s15], $0xC80  }
0x135: {  	[sflag:s15] =	ssyncset.done $0x0  }
0x136: {  	[sflag:s15] =	ssyncadd.s32 $0xFFFFF380  }
0x137: {  	[tilespmem:s19], [sflag:$0x1] =	stream.indirect.gather [hbm4b:s1+s18], $0x80, s4, s18, $0xb8;
	[tilespmem:$0x1F480] =	vst v63  }
0x138: {  	s14 =	rddreg [dreg:$0x6]  }
0x139: {  	[tilespmem:s20], [sflag:$0x2] =	stream.indirect.gather [hbm4b:s1+s18], $0x80, s14, s18, $0xb8;
	[tilespmem:$0x1F480] =	vst v63  }
0x13a: {  	_ =	swait.ge [sflag:s21], $0x3200  }
0x13b: {  	[sflag:s21] =	ssyncset.done $0x0  }
0x13c: {  	[sflag:s21] =	ssyncadd.s32 $0xFFFFCE00  }
0x13d: {  	[spmem:s3] =	stream.indirect.scatter.add.f32 [tilespmem:s19], [sflag:$0x4], $0x80, s17, s18, $0xb8;
	[tilespmem:$0x1F480] =	vst v63  }
0x13e: {  	s14 =	rddreg [dreg:$0x7]  }
0x13f: {  	[tilespmem:s22], [sflag:$0x3] =	stream.indirect.gather [hbm4b:s1+s18], $0x80, s14, s18, $0xb8;
	[tilespmem:$0x1F480] =	vst v63  }
0x140: {  	_ =	swait.ge [sflag:s23], $0x3200  }
0x141: {  	[sflag:s23] =	ssyncset.done $0x0  }
0x142: {  	s14 =	rddreg [dreg:$0x8];
	[sflag:s23] =	ssyncadd.s32 $0xFFFFCE00  }
0x143: {  	[spmem:s3] =	stream.indirect.scatter.add.f32 [tilespmem:s20], [sflag:$0x5], $0x80, s14, s18, $0xb8;
	[tilespmem:$0x1F480] =	vst v63  }
0x144: {  	_ =	swait.ge [sflag:s24], $0x3200  }
0x145: {  	[sflag:s24] =	ssyncset.done $0x0  }
0x146: {  	s14 =	rddreg [dreg:$0x9];
	[sflag:s24] =	ssyncadd.s32 $0xFFFFCE00  }
0x147: {  	[tilespmem:s19], [sflag:$0x1] =	stream.indirect.gather [hbm4b:s1+s18], $0x80, s14, s18, $0xb8;
	[tilespmem:$0x1F480] =	vst v63  }
0x148: {  	_ =	swait.ge [sflag:s25], $0x3200  }
0x149: {  	[sflag:s25] =	ssyncset.done $0x0  }
0x14a: {  	s14 =	rddreg [dreg:$0xa];
	[sflag:s25] =	ssyncadd.s32 $0xFFFFCE00  }
0x14b: {  	[spmem:s3] =	stream.indirect.scatter.add.f32 [tilespmem:s22], [sflag:$0x6], $0x80, s14, s18, $0xb8;
	[tilespmem:$0x1F480] =	vst v63  }
0x14c: {  	_ =	swait.ge [sflag:s26], $0x3200  }
0x14d: {  	[sflag:s26] =	ssyncset.done $0x0  }
0x14e: {  	s14 =	rddreg [dreg:$0xb];
	[sflag:s26] =	ssyncadd.s32 $0xFFFFCE00  }
0x14f: {  	[tilespmem:s20], [sflag:$0x2] =	stream.indirect.gather [hbm4b:s1+s18], $0x80, s14, s18, $0xb8;
	[tilespmem:$0x1F480] =	vst v63  }
0x150: {  	_ =	swait.ge [sflag:s21], $0x3200  }
0x151: {  	[sflag:s21] =	ssyncset.done $0x0  }
0x152: {  	s14 =	rddreg [dreg:$0xc];
	[sflag:s21] =	ssyncadd.s32 $0xFFFFCE00  }
0x153: {  	[spmem:s3] =	stream.indirect.scatter.add.f32 [tilespmem:s19], [sflag:$0x4], $0x80, s14, s18, $0xb8;
	[tilespmem:$0x1F480] =	vst v63  }
0x154: {  	_ =	swait.ge [sflag:s28], $0x3200  }
0x155: {  	[sflag:s28] =	ssyncset.done $0x0  }
0x156: {  	s14 =	rddreg [dreg:$0xd];
	[sflag:s28] =	ssyncadd.s32 $0xFFFFCE00  }
0x157: {  	[tilespmem:s22], [sflag:$0x3] =	stream.indirect.gather [hbm4b:s1+s18], $0x80, s14, s18, $0xb8;
	[tilespmem:$0x1F480] =	vst v63  }
0x158: {  	_ =	swait.ge [sflag:s23], $0x3200  }
0x159: {  	[sflag:s23] =	ssyncset.done $0x0  }
0x15a: {  	s14 =	rddreg [dreg:$0xe];
	[sflag:s23] =	ssyncadd.s32 $0xFFFFCE00  }
0x15b: {  	[spmem:s3] =	stream.indirect.scatter.add.f32 [tilespmem:s20], [sflag:$0x5], $0x80, s14, s18, $0xb8;
	[tilespmem:$0x1F480] =	vst v63  }
0x15c: {  	_ =	swait.ge [sflag:s24], $0x3200  }
0x15d: {  	[sflag:s24] =	ssyncset.done $0x0  }
0x15e: {  	s14 =	rddreg [dreg:$0xf];
	[sflag:s24] =	ssyncadd.s32 $0xFFFFCE00  }
0x15f: {  	[tilespmem:s19], [sflag:$0x1] =	stream.indirect.gather [hbm4b:s1+s18], $0x80, s14, s18, $0xb8;
	[tilespmem:$0x1F480] =	vst v63  }
0x160: {  	_ =	swait.ge [sflag:s25], $0x3200  }
0x161: {  	[sflag:s25] =	ssyncset.done $0x0  }
0x162: {  	s14 =	rddreg [dreg:$0x10];
	[sflag:s25] =	ssyncadd.s32 $0xFFFFCE00  }
0x163: {  	[spmem:s3] =	stream.indirect.scatter.add.f32 [tilespmem:s22], [sflag:$0x6], $0x80, s14, s18, $0xb8;
	[tilespmem:$0x1F480] =	vst v63  }
0x164: {  	_ =	swait.ge [sflag:s26], $0x3200  }
0x165: {  	[sflag:s26] =	ssyncset.done $0x0  }
0x166: {  	s14 =	rddreg [dreg:$0x11];
	[sflag:s26] =	ssyncadd.s32 $0xFFFFCE00  }
0x167: {  	[tilespmem:s20], [sflag:$0x2] =	stream.indirect.gather [hbm4b:s1+s18], $0x80, s14, s18, $0xb8;
	[tilespmem:$0x1F480] =	vst v63  }
0x168: {  	_ =	swait.ge [sflag:s21], $0x3200  }
0x169: {  	[sflag:s21] =	ssyncset.done $0x0  }
0x16a: {  	s14 =	rddreg [dreg:$0x12];
	[sflag:s21] =	ssyncadd.s32 $0xFFFFCE00  }
0x16b: {  	[spmem:s3] =	stream.indirect.scatter.add.f32 [tilespmem:s19], [sflag:$0x4], $0x80, s14, s18, $0xb8;
	[tilespmem:$0x1F480] =	vst v63  }
0x16c: {  	_ =	swait.ge [sflag:s28], $0x3200  }
0x16d: {  	[sflag:s28] =	ssyncset.done $0x0  }
0x16e: {  	s14 =	rddreg [dreg:$0x13];
	[sflag:s28] =	ssyncadd.s32 $0xFFFFCE00  }
0x16f: {  	[tilespmem:s22], [sflag:$0x3] =	stream.indirect.gather [hbm4b:s1+s18], $0x80, s14, s18, $0xb8;
	[tilespmem:$0x1F480] =	vst v63  }
0x170: {  	_ =	swait.ge [sflag:s23], $0x3200  }
0x171: {  	[sflag:s23] =	ssyncset.done $0x0  }
0x172: {  	s14 =	rddreg [dreg:$0x14];
	[sflag:s23] =	ssyncadd.s32 $0xFFFFCE00  }
0x173: {  	[spmem:s3] =	stream.indirect.scatter.add.f32 [tilespmem:s20], [sflag:$0x5], $0x80, s14, s18, $0xb8;
	[tilespmem:$0x1F480] =	vst v63  }
0x174: {  	_ =	swait.ge [sflag:s24], $0x3200  }
0x175: {  	[sflag:s24] =	ssyncset.done $0x0  }
0x176: {  	s14 =	rddreg [dreg:$0x15];
	[sflag:s24] =	ssyncadd.s32 $0xFFFFCE00  }
0x177: {  	[tilespmem:s19], [sflag:$0x1] =	stream.indirect.gather [hbm4b:s1+s18], $0x80, s14, s18, $0xb8;
	[tilespmem:$0x1F480] =	vst v63  }
0x178: {  	_ =	swait.ge [sflag:s25], $0x3200  }
0x179: {  	[sflag:s25] =	ssyncset.done $0x0  }
0x17a: {  	s14 =	rddreg [dreg:$0x16];
	[sflag:s25] =	ssyncadd.s32 $0xFFFFCE00  }
0x17b: {  	[spmem:s3] =	stream.indirect.scatter.add.f32 [tilespmem:s22], [sflag:$0x6], $0x80, s14, s18, $0xb8;
	[tilespmem:$0x1F480] =	vst v63  }
0x17c: {  	_ =	swait.ge [sflag:s26], $0x3200  }
0x17d: {  	[sflag:s26] =	ssyncset.done $0x0  }
0x17e: {  	s14 =	rddreg [dreg:$0x17];
	[sflag:s26] =	ssyncadd.s32 $0xFFFFCE00  }
0x17f: {  	[tilespmem:s20], [sflag:$0x2] =	stream.indirect.gather [hbm4b:s1+s18], $0x80, s14, s18, $0xb8;
	[tilespmem:$0x1F480] =	vst v63  }
0x180: {  	_ =	swait.ge [sflag:s21], $0x3200  }
0x181: {  	[sflag:s21] =	ssyncset.done $0x0  }
0x182: {  	s14 =	rddreg [dreg:$0x18];
	[sflag:s21] =	ssyncadd.s32 $0xFFFFCE00  }
0x183: {  	[spmem:s3] =	stream.indirect.scatter.add.f32 [tilespmem:s19], [sflag:$0x4], $0x80, s14, s18, $0xb8;
	[tilespmem:$0x1F480] =	vst v63  }
0x184: {  	_ =	swait.ge [sflag:s28], $0x3200  }
0x185: {  	[sflag:s28] =	ssyncset.done $0x0  }
0x186: {  	s14 =	rddreg [dreg:$0x19];
	[sflag:s28] =	ssyncadd.s32 $0xFFFFCE00  }
0x187: {  	[tilespmem:s22], [sflag:$0x3] =	stream.indirect.gather [hbm4b:s1+s18], $0x80, s14, s18, $0xb8;
	[tilespmem:$0x1F480] =	vst v63  }
0x188: {  	_ =	swait.ge [sflag:s23], $0x3200  }
0x189: {  	[sflag:s23] =	ssyncset.done $0x0  }
0x18a: {  	s14 =	rddreg [dreg:$0x1a];
	[sflag:s23] =	ssyncadd.s32 $0xFFFFCE00  }
0x18b: {  	[spmem:s3] =	stream.indirect.scatter.add.f32 [tilespmem:s20], [sflag:$0x5], $0x80, s14, s18, $0xb8;
	[tilespmem:$0x1F480] =	vst v63  }
0x18c: {  	_ =	swait.ge [sflag:s24], $0x3200  }
0x18d: {  	[sflag:s24] =	ssyncset.done $0x0  }
0x18e: {  	s14 =	rddreg [dreg:$0x1b];
	[sflag:s24] =	ssyncadd.s32 $0xFFFFCE00  }
0x18f: {  	[tilespmem:s19], [sflag:$0x1] =	stream.indirect.gather [hbm4b:s1+s18], $0x80, s14, s18, $0xb8;
	[tilespmem:$0x1F480] =	vst v63  }
0x190: {  	_ =	swait.ge [sflag:s25], $0x3200  }
0x191: {  	[sflag:s25] =	ssyncset.done $0x0  }
0x192: {  	s14 =	rddreg [dreg:$0x1c];
	[sflag:s25] =	ssyncadd.s32 $0xFFFFCE00  }
0x193: {  	[spmem:s3] =	stream.indirect.scatter.add.f32 [tilespmem:s22], [sflag:$0x6], $0x80, s14, s18, $0xb8;
	[tilespmem:$0x1F480] =	vst v63  }
0x194: {  	_ =	swait.ge [sflag:s26], $0x3200  }
0x195: {  	[sflag:s26] =	ssyncset.done $0x0  }
0x196: {  	s14 =	rddreg [dreg:$0x1d];
	[sflag:s26] =	ssyncadd.s32 $0xFFFFCE00  }
0x197: {  	[tilespmem:s20], [sflag:$0x2] =	stream.indirect.gather [hbm4b:s1+s18], $0x80, s14, s18, $0xb8;
	[tilespmem:$0x1F480] =	vst v63  }
0x198: {  	_ =	swait.ge [sflag:s21], $0x3200  }
0x199: {  	[sflag:s21] =	ssyncset.done $0x0  }
0x19a: {  	s14 =	rddreg [dreg:$0x1e];
	[sflag:s21] =	ssyncadd.s32 $0xFFFFCE00  }
0x19b: {  	[spmem:s3] =	stream.indirect.scatter.add.f32 [tilespmem:s19], [sflag:$0x4], $0x80, s14, s18, $0xb8;
	[tilespmem:$0x1F480] =	vst v63  }
0x19c: {  	_ =	swait.ge [sflag:s28], $0x3200  }
0x19d: {  	[sflag:s28] =	ssyncset.done $0x0  }
0x19e: {  	s14 =	rddreg [dreg:$0x1f];
	[sflag:s28] =	ssyncadd.s32 $0xFFFFCE00  }
0x19f: {  	[tilespmem:s22], [sflag:$0x3] =	stream.indirect.gather [hbm4b:s1+s18], $0x80, s14, s18, $0xb8;
	[tilespmem:$0x1F480] =	vst v63  }
0x1a0: {  	_ =	swait.ge [sflag:s23], $0x3200  }
0x1a1: {  	s14 =	sld [smem:$0x7F3]  }
0x1a2: {  	[sflag:s23] =	ssyncset.done $0x0  }
0x1a3: {  	[sflag:s23] =	ssyncadd.s32 $0xFFFFCE00  }
0x1a4: {  	[spmem:s3] =	stream.indirect.scatter.add.f32 [tilespmem:s20], [sflag:$0x5], $0x80, s14, s18, $0xb8;
	[tilespmem:$0x1F480] =	vst v63  }
0x1a5: {  	_ =	swait.ge [sflag:s24], $0x3200  }
0x1a6: {  	s14 =	sld [smem:$0x7F4]  }
0x1a7: {  	[sflag:s24] =	ssyncset.done $0x0  }
0x1a8: {  	[sflag:s24] =	ssyncadd.s32 $0xFFFFCE00  }
0x1a9: {  	[tilespmem:s19], [sflag:$0x1] =	stream.indirect.gather [hbm4b:s1+s18], $0x80, s14, s18, $0xb8;
	[tilespmem:$0x1F480] =	vst v63  }
0x1aa: {  	_ =	swait.ge [sflag:s25], $0x3200  }
0x1ab: {  	s14 =	sld [smem:$0x7F5]  }
0x1ac: {  	[sflag:s25] =	ssyncset.done $0x0  }
0x1ad: {  	[sflag:s25] =	ssyncadd.s32 $0xFFFFCE00  }
0x1ae: {  	[spmem:s3] =	stream.indirect.scatter.add.f32 [tilespmem:s22], [sflag:$0x6], $0x80, s14, s18, $0xb8;
	[tilespmem:$0x1F480] =	vst v63  }
0x1af: {  	_ =	swait.ge [sflag:s26], $0x3200  }
0x1b0: {  	s14 =	sld [smem:$0x7F6]  }
0x1b1: {  	[sflag:s26] =	ssyncset.done $0x0  }
0x1b2: {  	[sflag:s26] =	ssyncadd.s32 $0xFFFFCE00  }
0x1b3: {  	[tilespmem:s20], [sflag:$0x2] =	stream.indirect.gather [hbm4b:s1+s18], $0x80, s14, s18, $0xb8;
	[tilespmem:$0x1F480] =	vst v63  }
0x1b4: {  	_ =	swait.ge [sflag:s21], $0x3200  }
0x1b5: {  	s14 =	sld [smem:$0x7F7]  }
0x1b6: {  	[sflag:s21] =	ssyncset.done $0x0  }
0x1b7: {  	[sflag:s21] =	ssyncadd.s32 $0xFFFFCE00  }
0x1b8: {  	[spmem:s3] =	stream.indirect.scatter.add.f32 [tilespmem:s19], [sflag:$0x4], $0x80, s14, s18, $0xb8;
	[tilespmem:$0x1F480] =	vst v63  }
0x1b9: {  	_ =	swait.ge [sflag:s28], $0x3200  }
0x1ba: {  	s14 =	sld [smem:$0x7F8]  }
0x1bb: {  	[sflag:s28] =	ssyncset.done $0x0  }
0x1bc: {  	[sflag:s28] =	ssyncadd.s32 $0xFFFFCE00  }
0x1bd: {  	[tilespmem:s22], [sflag:$0x3] =	stream.indirect.gather [hbm4b:s1+s18], $0x80, s14, s18, $0xb8;
	[tilespmem:$0x1F480] =	vst v63  }
0x1be: {  	_ =	swait.ge [sflag:s23], $0x3200  }
0x1bf: {  	s14 =	sld [smem:$0x7F9]  }
0x1c0: {  	[sflag:s23] =	ssyncset.done $0x0  }
0x1c1: {  	[sflag:s23] =	ssyncadd.s32 $0xFFFFCE00  }
0x1c2: {  	[spmem:s3] =	stream.indirect.scatter.add.f32 [tilespmem:s20], [sflag:$0x5], $0x80, s14, s18, $0xb8;
	[tilespmem:$0x1F480] =	vst v63  }
0x1c3: {  	_ =	swait.ge [sflag:s24], $0x3200  }
0x1c4: {  	s14 =	sld [smem:$0x7FA]  }
0x1c5: {  	[sflag:s24] =	ssyncset.done $0x0  }
0x1c6: {  	[sflag:s24] =	ssyncadd.s32 $0xFFFFCE00  }
0x1c7: {  	[tilespmem:s19], [sflag:$0x1] =	stream.indirect.gather [hbm4b:s1+s18], $0x80, s14, s18, $0xb8;
	[tilespmem:$0x1F480] =	vst v63  }
0x1c8: {  	_ =	swait.ge [sflag:s25], $0x3200  }
0x1c9: {  	s14 =	sld [smem:$0x7FB]  }
0x1ca: {  	[sflag:s25] =	ssyncset.done $0x0  }
0x1cb: {  	[sflag:s25] =	ssyncadd.s32 $0xFFFFCE00  }
0x1cc: {  	[spmem:s3] =	stream.indirect.scatter.add.f32 [tilespmem:s22], [sflag:$0x6], $0x80, s14, s18, $0xb8;
	[tilespmem:$0x1F480] =	vst v63  }
0x1cd: {  	_ =	swait.ge [sflag:s26], $0x3200  }
0x1ce: {  	s14 =	sld [smem:$0x7FC]  }
0x1cf: {  	[sflag:s26] =	ssyncset.done $0x0  }
0x1d0: {  	[sflag:s26] =	ssyncadd.s32 $0xFFFFCE00  }
0x1d1: {  	[tilespmem:s20], [sflag:$0x2] =	stream.indirect.gather [hbm4b:s1+s18], $0x80, s14, s18, $0xb8;
	[tilespmem:$0x1F480] =	vst v63  }
0x1d2: {  	_ =	swait.ge [sflag:s21], $0x3200  }
0x1d3: {  	[sflag:s21] =	ssyncset.done $0x0  }
0x1d4: {  	[sflag:s21] =	ssyncadd.s32 $0xFFFFCE00  }
0x1d5: {  	[spmem:s3] =	stream.indirect.scatter.add.f32 [tilespmem:s19], [sflag:$0x4], $0x80, s29, s18, $0xb8;
	[tilespmem:$0x1F480] =	vst v63  }
0x1d6: {  	_ =	swait.ge [sflag:s28], $0x3200  }
0x1d7: {  	[sflag:s28] =	ssyncset.done $0x0  }
0x1d8: {  	[sflag:s28] =	ssyncadd.s32 $0xFFFFCE00  }
0x1d9: {  	[tilespmem:s22], [sflag:$0x3] =	stream.indirect.gather [hbm4b:s1+s18], $0x80, s30, s18, $0xb8;
	[tilespmem:$0x1F480] =	vst v63  }
0x1da: {  	_ =	swait.ge [sflag:s23], $0x3200  }
0x1db: {  	[sflag:s23] =	ssyncset.done $0x0  }
0x1dc: {  	[sflag:s23] =	ssyncadd.s32 $0xFFFFCE00  }
0x1dd: {  	[spmem:s3] =	stream.indirect.scatter.add.f32 [tilespmem:s20], [sflag:$0x5], $0x80, s31, s18, $0xb8;
	[tilespmem:$0x1F480] =	vst v63  }
0x1de: {  	_ =	swait.ge [sflag:s24], $0x3200  }
0x1df: {  	[sflag:s24] =	ssyncset.done $0x0  }
0x1e0: {  	[sflag:s24] =	ssyncadd.s32 $0xFFFFCE00  }
0x1e1: {  	[tilespmem:s19], [sflag:$0x1] =	stream.indirect.gather [hbm4b:s1+s18], $0x80, s0, s18, $0xb8;
	[tilespmem:$0x1F480] =	vst v63  }
0x1e2: {  	_ =	swait.ge [sflag:s25], $0x3200  }
0x1e3: {  	[sflag:s25] =	ssyncset.done $0x0  }
0x1e4: {  	[sflag:s25] =	ssyncadd.s32 $0xFFFFCE00  }
0x1e5: {  	[spmem:s3] =	stream.indirect.scatter.add.f32 [tilespmem:s22], [sflag:$0x6], $0x80, s2, s18, $0xb8;
	[tilespmem:$0x1F480] =	vst v63  }
0x1e6: {  	_ =	swait.ge [sflag:s26], $0x3200  }
0x1e7: {  	[sflag:s26] =	ssyncset.done $0x0  }
0x1e8: {  	[sflag:s26] =	ssyncadd.s32 $0xFFFFCE00  }
0x1e9: {  	[tilespmem:s20], [sflag:$0x2] =	stream.indirect.gather [hbm4b:s1+s18], $0x80, s6, s18, $0xb8;
	[tilespmem:$0x1F480] =	vst v63  }
0x1ea: {  	_ =	swait.ge [sflag:s21], $0x3200  }
0x1eb: {  	[sflag:s21] =	ssyncset.done $0x0  }
0x1ec: {  	[sflag:s21] =	ssyncadd.s32 $0xFFFFCE00  }
0x1ed: {  	[spmem:s3] =	stream.indirect.scatter.add.f32 [tilespmem:s19], [sflag:$0x4], $0x80, s8, s18, $0xb8;
	[tilespmem:$0x1F480] =	vst v63  }
0x1ee: {  	_ =	swait.ge [sflag:s28], $0x3200  }
0x1ef: {  	[sflag:s28] =	ssyncset.done $0x0  }
0x1f0: {  	[sflag:s28] =	ssyncadd.s32 $0xFFFFCE00  }
0x1f1: {  	[tilespmem:s22], [sflag:$0x3] =	stream.indirect.gather [hbm4b:s1+s18], $0x80, s5, s18, $0xb8;
	[tilespmem:$0x1F480] =	vst v63  }
0x1f2: {  	_ =	swait.ge [sflag:s23], $0x3200  }
0x1f3: {  	[sflag:s23] =	ssyncset.done $0x0  }
0x1f4: {  	[sflag:s23] =	ssyncadd.s32 $0xFFFFCE00  }
0x1f5: {  	[spmem:s3] =	stream.indirect.scatter.add.f32 [tilespmem:s20], [sflag:$0x5], $0x80, s16, s18, $0xb8;
	[tilespmem:$0x1F480] =	vst v63  }
0x1f6: {  	_ =	swait.ge [sflag:s24], $0x3200  }
0x1f7: {  	[sflag:s24] =	ssyncset.done $0x0  }
0x1f8: {  	[sflag:s24] =	ssyncadd.s32 $0xFFFFCE00  }
0x1f9: {  	[tilespmem:s19], [sflag:$0x1] =	stream.indirect.gather [hbm4b:s1+s18], $0x80, s9, s18, $0xb8;
	[tilespmem:$0x1F480] =	vst v63  }
0x1fa: {  	_ =	swait.ge [sflag:s25], $0x3200  }
0x1fb: {  	[sflag:s25] =	ssyncset.done $0x0  }
0x1fc: {  	[sflag:s25] =	ssyncadd.s32 $0xFFFFCE00  }
0x1fd: {  	[spmem:s3] =	stream.indirect.scatter.add.f32 [tilespmem:s22], [sflag:$0x6], $0x80, s10, s18, $0xb8;
	[tilespmem:$0x1F480] =	vst v63  }
0x1fe: {  	_ =	swait.ge [sflag:s26], $0x3200  }
0x1ff: {  	[sflag:s26] =	ssyncset.done $0x0  }
0x200: {  	[sflag:s26] =	ssyncadd.s32 $0xFFFFCE00  }
0x201: {  	_ =	swait.ge [sflag:s21], $0x3200  }
0x202: {  	[sflag:s21] =	ssyncset.done $0x0  }
0x203: {  	p3 =	sne.s32 s12, $0x600;
	[sflag:s21] =	ssyncadd.s32 $0xFFFFCE00  }
0x204: {  	[spmem:s3] =	stream.indirect.scatter.add.f32 [tilespmem:s19], [sflag:$0x4], $0x80, s11, s18, $0xb8;
	[tilespmem:$0x1F480] =	vst v63  }
.Ltmp4:
0x205: {  	_ =	swait.ge [sflag:s28], $0x3200;
	(pc) =	sbr.rel @p3 .LBB2_6-.Ltmp4, $4  }
0x206: {  	[sflag:s28] =	ssyncset.done $0x0  }
0x207: {  	[sflag:s28] =	ssyncadd.s32 $0xFFFFCE00  }
0x208: {  	s7 =	smov.u32 s12;
	s12 =	sadd.s32 $0x200, s12;
	_ =	swait.ge [sflag:s24], $0x3200  }
0x209: {  	s13 =	smov.u32 s7;
	s14 =	rddreg [dreg:$0x5];
	[sflag:s24] =	ssyncset.done $0x0  }
0x20a: {  	[sflag:s24] =	ssyncadd.s32 $0xFFFFCE00;
	s7 =	sadd.s32 s13, s14  }
0x20b: {  	[tilespmem:s4], [sflag:$0x7] =	stream.linear.gather [hbm4b:s7+s4], $0xC80, $0x38;
	[tilespmem:$0x1F480] =	vst v63  }
0x20c: {  	_ =	swait.ge [sflag:s15], $0xC80  }
0x20d: {  	s12 =	rddreg [dreg:$0x4];
	[sflag:s15] =	ssyncset.done $0x0  }
0x20e: {  	[sflag:s15] =	ssyncadd.s32 $0xFFFFF380;
	s7 =	sadd.s32 s13, s12  }
0x20f: {  	[tilespmem:s17], [sflag:$0x7] =	stream.linear.gather [hbm4b:s7+s4], $0xC80, $0x38;
	[tilespmem:$0x1F480] =	vst v63  }
0x210: {  	_ =	swait.ge [sflag:s15], $0xC80  }
0x211: {  	[sflag:s15] =	ssyncset.done $0x0  }
0x212: {  	[sflag:s15] =	ssyncadd.s32 $0xFFFFF380  }
0x213: {  	[tilespmem:s19], [sflag:$0x1] =	stream.indirect.gather [hbm4b:s1+s18], $0x80, s4, s18, $0xb8;
	[tilespmem:$0x1F480] =	vst v63  }
0x214: {  	s14 =	rddreg [dreg:$0x6]  }
0x215: {  	[tilespmem:s20], [sflag:$0x2] =	stream.indirect.gather [hbm4b:s1+s18], $0x80, s14, s18, $0xb8;
	[tilespmem:$0x1F480] =	vst v63  }
0x216: {  	_ =	swait.ge [sflag:s21], $0x3200  }
0x217: {  	[sflag:s21] =	ssyncset.done $0x0  }
0x218: {  	[sflag:s21] =	ssyncadd.s32 $0xFFFFCE00  }
0x219: {  	[spmem:s3] =	stream.indirect.scatter.add.f32 [tilespmem:s19], [sflag:$0x4], $0x80, s17, s18, $0xb8;
	[tilespmem:$0x1F480] =	vst v63  }
0x21a: {  	s12 =	rddreg [dreg:$0x7]  }
0x21b: {  	[tilespmem:s22], [sflag:$0x3] =	stream.indirect.gather [hbm4b:s1+s18], $0x80, s12, s18, $0xb8;
	[tilespmem:$0x1F480] =	vst v63  }
0x21c: {  	_ =	swait.ge [sflag:s23], $0x3200  }
0x21d: {  	[sflag:s23] =	ssyncset.done $0x0  }
0x21e: {  	s13 =	rddreg [dreg:$0x8];
	[sflag:s23] =	ssyncadd.s32 $0xFFFFCE00  }
0x21f: {  	[spmem:s3] =	stream.indirect.scatter.add.f32 [tilespmem:s20], [sflag:$0x5], $0x80, s13, s18, $0xb8;
	[tilespmem:$0x1F480] =	vst v63  }
0x220: {  	_ =	swait.ge [sflag:s24], $0x3200  }
0x221: {  	[sflag:s24] =	ssyncset.done $0x0  }
0x222: {  	s14 =	rddreg [dreg:$0x9];
	[sflag:s24] =	ssyncadd.s32 $0xFFFFCE00  }
0x223: {  	[tilespmem:s19], [sflag:$0x1] =	stream.indirect.gather [hbm4b:s1+s18], $0x80, s14, s18, $0xb8;
	[tilespmem:$0x1F480] =	vst v63  }
0x224: {  	_ =	swait.ge [sflag:s25], $0x3200  }
0x225: {  	[sflag:s25] =	ssyncset.done $0x0  }
0x226: {  	s12 =	rddreg [dreg:$0xa];
	[sflag:s25] =	ssyncadd.s32 $0xFFFFCE00  }
0x227: {  	[spmem:s3] =	stream.indirect.scatter.add.f32 [tilespmem:s22], [sflag:$0x6], $0x80, s12, s18, $0xb8;
	[tilespmem:$0x1F480] =	vst v63  }
0x228: {  	_ =	swait.ge [sflag:s26], $0x3200  }
0x229: {  	[sflag:s26] =	ssyncset.done $0x0  }
0x22a: {  	s13 =	rddreg [dreg:$0xb];
	[sflag:s26] =	ssyncadd.s32 $0xFFFFCE00  }
0x22b: {  	[tilespmem:s20], [sflag:$0x2] =	stream.indirect.gather [hbm4b:s1+s18], $0x80, s13, s18, $0xb8;
	[tilespmem:$0x1F480] =	vst v63  }
0x22c: {  	_ =	swait.ge [sflag:s21], $0x3200  }
0x22d: {  	[sflag:s21] =	ssyncset.done $0x0  }
0x22e: {  	s14 =	rddreg [dreg:$0xc];
	[sflag:s21] =	ssyncadd.s32 $0xFFFFCE00  }
0x22f: {  	[spmem:s3] =	stream.indirect.scatter.add.f32 [tilespmem:s19], [sflag:$0x4], $0x80, s14, s18, $0xb8;
	[tilespmem:$0x1F480] =	vst v63  }
0x230: {  	_ =	swait.ge [sflag:s28], $0x3200  }
0x231: {  	[sflag:s28] =	ssyncset.done $0x0  }
0x232: {  	s12 =	rddreg [dreg:$0xd];
	[sflag:s28] =	ssyncadd.s32 $0xFFFFCE00  }
0x233: {  	[tilespmem:s22], [sflag:$0x3] =	stream.indirect.gather [hbm4b:s1+s18], $0x80, s12, s18, $0xb8;
	[tilespmem:$0x1F480] =	vst v63  }
0x234: {  	_ =	swait.ge [sflag:s23], $0x3200  }
0x235: {  	[sflag:s23] =	ssyncset.done $0x0  }
0x236: {  	s13 =	rddreg [dreg:$0xe];
	[sflag:s23] =	ssyncadd.s32 $0xFFFFCE00  }
0x237: {  	[spmem:s3] =	stream.indirect.scatter.add.f32 [tilespmem:s20], [sflag:$0x5], $0x80, s13, s18, $0xb8;
	[tilespmem:$0x1F480] =	vst v63  }
0x238: {  	_ =	swait.ge [sflag:s24], $0x3200  }
0x239: {  	[sflag:s24] =	ssyncset.done $0x0  }
0x23a: {  	s14 =	rddreg [dreg:$0xf];
	[sflag:s24] =	ssyncadd.s32 $0xFFFFCE00  }
0x23b: {  	[tilespmem:s19], [sflag:$0x1] =	stream.indirect.gather [hbm4b:s1+s18], $0x80, s14, s18, $0xb8;
	[tilespmem:$0x1F480] =	vst v63  }
0x23c: {  	_ =	swait.ge [sflag:s25], $0x3200  }
0x23d: {  	[sflag:s25] =	ssyncset.done $0x0  }
0x23e: {  	s12 =	rddreg [dreg:$0x10];
	[sflag:s25] =	ssyncadd.s32 $0xFFFFCE00  }
0x23f: {  	[spmem:s3] =	stream.indirect.scatter.add.f32 [tilespmem:s22], [sflag:$0x6], $0x80, s12, s18, $0xb8;
	[tilespmem:$0x1F480] =	vst v63  }
0x240: {  	_ =	swait.ge [sflag:s26], $0x3200  }
0x241: {  	[sflag:s26] =	ssyncset.done $0x0  }
0x242: {  	s13 =	rddreg [dreg:$0x11];
	[sflag:s26] =	ssyncadd.s32 $0xFFFFCE00  }
0x243: {  	[tilespmem:s20], [sflag:$0x2] =	stream.indirect.gather [hbm4b:s1+s18], $0x80, s13, s18, $0xb8;
	[tilespmem:$0x1F480] =	vst v63  }
0x244: {  	_ =	swait.ge [sflag:s21], $0x3200  }
0x245: {  	[sflag:s21] =	ssyncset.done $0x0  }
0x246: {  	s14 =	rddreg [dreg:$0x12];
	[sflag:s21] =	ssyncadd.s32 $0xFFFFCE00  }
0x247: {  	[spmem:s3] =	stream.indirect.scatter.add.f32 [tilespmem:s19], [sflag:$0x4], $0x80, s14, s18, $0xb8;
	[tilespmem:$0x1F480] =	vst v63  }
0x248: {  	_ =	swait.ge [sflag:s28], $0x3200  }
0x249: {  	[sflag:s28] =	ssyncset.done $0x0  }
0x24a: {  	s12 =	rddreg [dreg:$0x13];
	[sflag:s28] =	ssyncadd.s32 $0xFFFFCE00  }
0x24b: {  	[tilespmem:s22], [sflag:$0x3] =	stream.indirect.gather [hbm4b:s1+s18], $0x80, s12, s18, $0xb8;
	[tilespmem:$0x1F480] =	vst v63  }
0x24c: {  	_ =	swait.ge [sflag:s23], $0x3200  }
0x24d: {  	[sflag:s23] =	ssyncset.done $0x0  }
0x24e: {  	s13 =	rddreg [dreg:$0x14];
	[sflag:s23] =	ssyncadd.s32 $0xFFFFCE00  }
0x24f: {  	[spmem:s3] =	stream.indirect.scatter.add.f32 [tilespmem:s20], [sflag:$0x5], $0x80, s13, s18, $0xb8;
	[tilespmem:$0x1F480] =	vst v63  }
0x250: {  	_ =	swait.ge [sflag:s24], $0x3200  }
0x251: {  	[sflag:s24] =	ssyncset.done $0x0  }
0x252: {  	s14 =	rddreg [dreg:$0x15];
	[sflag:s24] =	ssyncadd.s32 $0xFFFFCE00  }
0x253: {  	[tilespmem:s19], [sflag:$0x1] =	stream.indirect.gather [hbm4b:s1+s18], $0x80, s14, s18, $0xb8;
	[tilespmem:$0x1F480] =	vst v63  }
0x254: {  	_ =	swait.ge [sflag:s25], $0x3200  }
0x255: {  	[sflag:s25] =	ssyncset.done $0x0  }
0x256: {  	s12 =	rddreg [dreg:$0x16];
	[sflag:s25] =	ssyncadd.s32 $0xFFFFCE00  }
0x257: {  	[spmem:s3] =	stream.indirect.scatter.add.f32 [tilespmem:s22], [sflag:$0x6], $0x80, s12, s18, $0xb8;
	[tilespmem:$0x1F480] =	vst v63  }
0x258: {  	_ =	swait.ge [sflag:s26], $0x3200  }
0x259: {  	[sflag:s26] =	ssyncset.done $0x0  }
0x25a: {  	s13 =	rddreg [dreg:$0x17];
	[sflag:s26] =	ssyncadd.s32 $0xFFFFCE00  }
0x25b: {  	[tilespmem:s20], [sflag:$0x2] =	stream.indirect.gather [hbm4b:s1+s18], $0x80, s13, s18, $0xb8;
	[tilespmem:$0x1F480] =	vst v63  }
0x25c: {  	_ =	swait.ge [sflag:s21], $0x3200  }
0x25d: {  	[sflag:s21] =	ssyncset.done $0x0  }
0x25e: {  	s14 =	rddreg [dreg:$0x18];
	[sflag:s21] =	ssyncadd.s32 $0xFFFFCE00  }
0x25f: {  	[spmem:s3] =	stream.indirect.scatter.add.f32 [tilespmem:s19], [sflag:$0x4], $0x80, s14, s18, $0xb8;
	[tilespmem:$0x1F480] =	vst v63  }
0x260: {  	_ =	swait.ge [sflag:s28], $0x3200  }
0x261: {  	[sflag:s28] =	ssyncset.done $0x0  }
0x262: {  	s12 =	rddreg [dreg:$0x19];
	[sflag:s28] =	ssyncadd.s32 $0xFFFFCE00  }
0x263: {  	[tilespmem:s22], [sflag:$0x3] =	stream.indirect.gather [hbm4b:s1+s18], $0x80, s12, s18, $0xb8;
	[tilespmem:$0x1F480] =	vst v63  }
0x264: {  	_ =	swait.ge [sflag:s23], $0x3200  }
0x265: {  	[sflag:s23] =	ssyncset.done $0x0  }
0x266: {  	s13 =	rddreg [dreg:$0x1a];
	[sflag:s23] =	ssyncadd.s32 $0xFFFFCE00  }
0x267: {  	[spmem:s3] =	stream.indirect.scatter.add.f32 [tilespmem:s20], [sflag:$0x5], $0x80, s13, s18, $0xb8;
	[tilespmem:$0x1F480] =	vst v63  }
0x268: {  	_ =	swait.ge [sflag:s24], $0x3200  }
0x269: {  	[sflag:s24] =	ssyncset.done $0x0  }
0x26a: {  	s14 =	rddreg [dreg:$0x1b];
	[sflag:s24] =	ssyncadd.s32 $0xFFFFCE00  }
0x26b: {  	[tilespmem:s19], [sflag:$0x1] =	stream.indirect.gather [hbm4b:s1+s18], $0x80, s14, s18, $0xb8;
	[tilespmem:$0x1F480] =	vst v63  }
0x26c: {  	_ =	swait.ge [sflag:s25], $0x3200  }
0x26d: {  	[sflag:s25] =	ssyncset.done $0x0  }
0x26e: {  	s12 =	rddreg [dreg:$0x1c];
	[sflag:s25] =	ssyncadd.s32 $0xFFFFCE00  }
0x26f: {  	[spmem:s3] =	stream.indirect.scatter.add.f32 [tilespmem:s22], [sflag:$0x6], $0x80, s12, s18, $0xb8;
	[tilespmem:$0x1F480] =	vst v63  }
0x270: {  	_ =	swait.ge [sflag:s26], $0x3200  }
0x271: {  	[sflag:s26] =	ssyncset.done $0x0  }
0x272: {  	s13 =	rddreg [dreg:$0x1d];
	[sflag:s26] =	ssyncadd.s32 $0xFFFFCE00  }
0x273: {  	[tilespmem:s20], [sflag:$0x2] =	stream.indirect.gather [hbm4b:s1+s18], $0x80, s13, s18, $0xb8;
	[tilespmem:$0x1F480] =	vst v63  }
0x274: {  	_ =	swait.ge [sflag:s21], $0x3200  }
0x275: {  	[sflag:s21] =	ssyncset.done $0x0  }
0x276: {  	s14 =	rddreg [dreg:$0x1e];
	[sflag:s21] =	ssyncadd.s32 $0xFFFFCE00  }
0x277: {  	[spmem:s3] =	stream.indirect.scatter.add.f32 [tilespmem:s19], [sflag:$0x4], $0x80, s14, s18, $0xb8;
	[tilespmem:$0x1F480] =	vst v63  }
0x278: {  	_ =	swait.ge [sflag:s28], $0x3200  }
0x279: {  	[sflag:s28] =	ssyncset.done $0x0  }
0x27a: {  	s12 =	rddreg [dreg:$0x1f];
	[sflag:s28] =	ssyncadd.s32 $0xFFFFCE00  }
0x27b: {  	[tilespmem:s22], [sflag:$0x3] =	stream.indirect.gather [hbm4b:s1+s18], $0x80, s12, s18, $0xb8;
	[tilespmem:$0x1F480] =	vst v63  }
0x27c: {  	_ =	swait.ge [sflag:s23], $0x3200  }
0x27d: {  	s13 =	sld [smem:$0x7F3]  }
0x27e: {  	[sflag:s23] =	ssyncset.done $0x0  }
0x27f: {  	[sflag:s23] =	ssyncadd.s32 $0xFFFFCE00  }
0x280: {  	[spmem:s3] =	stream.indirect.scatter.add.f32 [tilespmem:s20], [sflag:$0x5], $0x80, s13, s18, $0xb8;
	[tilespmem:$0x1F480] =	vst v63  }
0x281: {  	_ =	swait.ge [sflag:s24], $0x3200  }
0x282: {  	s14 =	sld [smem:$0x7F4]  }
0x283: {  	[sflag:s24] =	ssyncset.done $0x0  }
0x284: {  	[sflag:s24] =	ssyncadd.s32 $0xFFFFCE00  }
0x285: {  	[tilespmem:s19], [sflag:$0x1] =	stream.indirect.gather [hbm4b:s1+s18], $0x80, s14, s18, $0xb8;
	[tilespmem:$0x1F480] =	vst v63  }
0x286: {  	_ =	swait.ge [sflag:s25], $0x3200  }
0x287: {  	s12 =	sld [smem:$0x7F5]  }
0x288: {  	[sflag:s25] =	ssyncset.done $0x0  }
0x289: {  	[sflag:s25] =	ssyncadd.s32 $0xFFFFCE00  }
0x28a: {  	[spmem:s3] =	stream.indirect.scatter.add.f32 [tilespmem:s22], [sflag:$0x6], $0x80, s12, s18, $0xb8;
	[tilespmem:$0x1F480] =	vst v63  }
0x28b: {  	_ =	swait.ge [sflag:s26], $0x3200  }
0x28c: {  	s13 =	sld [smem:$0x7F6]  }
0x28d: {  	[sflag:s26] =	ssyncset.done $0x0  }
0x28e: {  	[sflag:s26] =	ssyncadd.s32 $0xFFFFCE00  }
0x28f: {  	[tilespmem:s20], [sflag:$0x2] =	stream.indirect.gather [hbm4b:s1+s18], $0x80, s13, s18, $0xb8;
	[tilespmem:$0x1F480] =	vst v63  }
0x290: {  	_ =	swait.ge [sflag:s21], $0x3200  }
0x291: {  	s14 =	sld [smem:$0x7F7]  }
0x292: {  	[sflag:s21] =	ssyncset.done $0x0  }
0x293: {  	[sflag:s21] =	ssyncadd.s32 $0xFFFFCE00  }
0x294: {  	[spmem:s3] =	stream.indirect.scatter.add.f32 [tilespmem:s19], [sflag:$0x4], $0x80, s14, s18, $0xb8;
	[tilespmem:$0x1F480] =	vst v63  }
0x295: {  	_ =	swait.ge [sflag:s28], $0x3200  }
0x296: {  	s12 =	sld [smem:$0x7F8]  }
0x297: {  	[sflag:s28] =	ssyncset.done $0x0  }
0x298: {  	[sflag:s28] =	ssyncadd.s32 $0xFFFFCE00  }
0x299: {  	[tilespmem:s22], [sflag:$0x3] =	stream.indirect.gather [hbm4b:s1+s18], $0x80, s12, s18, $0xb8;
	[tilespmem:$0x1F480] =	vst v63  }
0x29a: {  	_ =	swait.ge [sflag:s23], $0x3200  }
0x29b: {  	s13 =	sld [smem:$0x7F9]  }
0x29c: {  	[sflag:s23] =	ssyncset.done $0x0  }
0x29d: {  	[sflag:s23] =	ssyncadd.s32 $0xFFFFCE00  }
0x29e: {  	[spmem:s3] =	stream.indirect.scatter.add.f32 [tilespmem:s20], [sflag:$0x5], $0x80, s13, s18, $0xb8;
	[tilespmem:$0x1F480] =	vst v63  }
0x29f: {  	_ =	swait.ge [sflag:s24], $0x3200  }
0x2a0: {  	s14 =	sld [smem:$0x7FA]  }
0x2a1: {  	[sflag:s24] =	ssyncset.done $0x0  }
0x2a2: {  	[sflag:s24] =	ssyncadd.s32 $0xFFFFCE00  }
0x2a3: {  	[tilespmem:s19], [sflag:$0x1] =	stream.indirect.gather [hbm4b:s1+s18], $0x80, s14, s18, $0xb8;
	[tilespmem:$0x1F480] =	vst v63  }
0x2a4: {  	_ =	swait.ge [sflag:s25], $0x3200  }
0x2a5: {  	s12 =	sld [smem:$0x7FB]  }
0x2a6: {  	[sflag:s25] =	ssyncset.done $0x0  }
0x2a7: {  	[sflag:s25] =	ssyncadd.s32 $0xFFFFCE00  }
0x2a8: {  	[spmem:s3] =	stream.indirect.scatter.add.f32 [tilespmem:s22], [sflag:$0x6], $0x80, s12, s18, $0xb8;
	[tilespmem:$0x1F480] =	vst v63  }
0x2a9: {  	_ =	swait.ge [sflag:s26], $0x3200  }
0x2aa: {  	s13 =	sld [smem:$0x7FC]  }
0x2ab: {  	[sflag:s26] =	ssyncset.done $0x0  }
0x2ac: {  	[sflag:s26] =	ssyncadd.s32 $0xFFFFCE00  }
0x2ad: {  	[tilespmem:s20], [sflag:$0x2] =	stream.indirect.gather [hbm4b:s1+s18], $0x80, s13, s18, $0xb8;
	[tilespmem:$0x1F480] =	vst v63  }
0x2ae: {  	_ =	swait.ge [sflag:s21], $0x3200  }
0x2af: {  	[sflag:s21] =	ssyncset.done $0x0  }
0x2b0: {  	[sflag:s21] =	ssyncadd.s32 $0xFFFFCE00  }
0x2b1: {  	[spmem:s3] =	stream.indirect.scatter.add.f32 [tilespmem:s19], [sflag:$0x4], $0x80, s29, s18, $0xb8;
	[tilespmem:$0x1F480] =	vst v63  }
0x2b2: {  	_ =	swait.ge [sflag:s28], $0x3200  }
0x2b3: {  	[sflag:s28] =	ssyncset.done $0x0  }
0x2b4: {  	[sflag:s28] =	ssyncadd.s32 $0xFFFFCE00  }
0x2b5: {  	[tilespmem:s22], [sflag:$0x3] =	stream.indirect.gather [hbm4b:s1+s18], $0x80, s30, s18, $0xb8;
	[tilespmem:$0x1F480] =	vst v63  }
0x2b6: {  	_ =	swait.ge [sflag:s23], $0x3200  }
0x2b7: {  	[sflag:s23] =	ssyncset.done $0x0  }
0x2b8: {  	[sflag:s23] =	ssyncadd.s32 $0xFFFFCE00  }
0x2b9: {  	[spmem:s3] =	stream.indirect.scatter.add.f32 [tilespmem:s20], [sflag:$0x5], $0x80, s31, s18, $0xb8;
	[tilespmem:$0x1F480] =	vst v63  }
0x2ba: {  	_ =	swait.ge [sflag:s24], $0x3200  }
0x2bb: {  	[sflag:s24] =	ssyncset.done $0x0  }
0x2bc: {  	[sflag:s24] =	ssyncadd.s32 $0xFFFFCE00  }
0x2bd: {  	[tilespmem:s19], [sflag:$0x1] =	stream.indirect.gather [hbm4b:s1+s18], $0x80, s0, s18, $0xb8;
	[tilespmem:$0x1F480] =	vst v63  }
0x2be: {  	_ =	swait.ge [sflag:s25], $0x3200  }
0x2bf: {  	[sflag:s25] =	ssyncset.done $0x0  }
0x2c0: {  	[sflag:s25] =	ssyncadd.s32 $0xFFFFCE00  }
0x2c1: {  	[spmem:s3] =	stream.indirect.scatter.add.f32 [tilespmem:s22], [sflag:$0x6], $0x80, s2, s18, $0xb8;
	[tilespmem:$0x1F480] =	vst v63  }
0x2c2: {  	_ =	swait.ge [sflag:s26], $0x3200  }
0x2c3: {  	[sflag:s26] =	ssyncset.done $0x0  }
0x2c4: {  	[sflag:s26] =	ssyncadd.s32 $0xFFFFCE00  }
0x2c5: {  	[tilespmem:s20], [sflag:$0x2] =	stream.indirect.gather [hbm4b:s1+s18], $0x80, s6, s18, $0xb8;
	[tilespmem:$0x1F480] =	vst v63  }
0x2c6: {  	_ =	swait.ge [sflag:s21], $0x3200  }
0x2c7: {  	[sflag:s21] =	ssyncset.done $0x0  }
0x2c8: {  	[sflag:s21] =	ssyncadd.s32 $0xFFFFCE00  }
0x2c9: {  	[spmem:s3] =	stream.indirect.scatter.add.f32 [tilespmem:s19], [sflag:$0x4], $0x80, s8, s18, $0xb8;
	[tilespmem:$0x1F480] =	vst v63  }
0x2ca: {  	_ =	swait.ge [sflag:s28], $0x3200  }
0x2cb: {  	[sflag:s28] =	ssyncset.done $0x0  }
0x2cc: {  	[sflag:s28] =	ssyncadd.s32 $0xFFFFCE00  }
0x2cd: {  	[tilespmem:s22], [sflag:$0x3] =	stream.indirect.gather [hbm4b:s1+s18], $0x80, s5, s18, $0xb8;
	[tilespmem:$0x1F480] =	vst v63  }
0x2ce: {  	_ =	swait.ge [sflag:s23], $0x3200  }
0x2cf: {  	[sflag:s23] =	ssyncset.done $0x0  }
0x2d0: {  	[sflag:s23] =	ssyncadd.s32 $0xFFFFCE00  }
0x2d1: {  	[spmem:s3] =	stream.indirect.scatter.add.f32 [tilespmem:s20], [sflag:$0x5], $0x80, s16, s18, $0xb8;
	[tilespmem:$0x1F480] =	vst v63  }
0x2d2: {  	_ =	swait.ge [sflag:s24], $0x3200  }
0x2d3: {  	[sflag:s24] =	ssyncset.done $0x0  }
0x2d4: {  	[sflag:s24] =	ssyncadd.s32 $0xFFFFCE00  }
0x2d5: {  	[tilespmem:s19], [sflag:$0x1] =	stream.indirect.gather [hbm4b:s1+s18], $0x80, s9, s18, $0xb8;
	[tilespmem:$0x1F480] =	vst v63  }
0x2d6: {  	_ =	swait.ge [sflag:s25], $0x3200  }
0x2d7: {  	[sflag:s25] =	ssyncset.done $0x0  }
0x2d8: {  	[sflag:s25] =	ssyncadd.s32 $0xFFFFCE00  }
0x2d9: {  	[spmem:s3] =	stream.indirect.scatter.add.f32 [tilespmem:s22], [sflag:$0x6], $0x80, s10, s18, $0xb8;
	[tilespmem:$0x1F480] =	vst v63  }
0x2da: {  	_ =	swait.ge [sflag:s26], $0x3200  }
0x2db: {  	[sflag:s26] =	ssyncset.done $0x0  }
0x2dc: {  	[sflag:s26] =	ssyncadd.s32 $0xFFFFCE00  }
0x2dd: {  	_ =	swait.ge [sflag:s21], $0x3200  }
0x2de: {  	[sflag:s21] =	ssyncset.done $0x0  }
0x2df: {  	[sflag:s21] =	ssyncadd.s32 $0xFFFFCE00  }
0x2e0: {  	[spmem:s3] =	stream.indirect.scatter.add.f32 [tilespmem:s19], [sflag:$0x4], $0x80, s11, s18, $0xb8;
	[tilespmem:$0x1F480] =	vst v63  }
0x2e1: {  	_ =	swait.ge [sflag:s28], $0x3200  }
0x2e2: {  	[sflag:s28] =	ssyncset.done $0x0  }
0x2e3: {  	[sflag:s28] =	ssyncadd.s32 $0xFFFFCE00  }
0x2e4: {  	_ =	swait.ge [sflag:s24], $0x3200  }
0x2e5: {  	[sflag:s24] =	ssyncset.done $0x0  }
0x2e6: {  	[sflag:s24] =	ssyncadd.s32 $0xFFFFCE00  }
0x2e7: {  	[bflag:$0x0] =	sbarrier.arrive $0xFFFF  }
0x2e8: {  	s14 =	sld [smem:$0x7EF];
	_ =	sdelay $0x1  }
0x2e9: {  	s12 =	sld [smem:$0x7EC]  }
0x2ea: {  	s7 =	sor.u32 $0x1C07, s14;
	s14 =	sld [smem:$0x7FD];
	_ =	sdelay $0x2  }
0x2eb: {  	[hbm:s12], [sflag:s7] =	dma.local [spmem:s14], $0x2700  }
0x2ec: {  	_ =	swait.ge [sflag:s15], $0x2700  }
0x2ed: {  	s12 =	sld [smem:$0x7F1]  }
0x2ee: {  	s13 =	sld [smem:$0x7ED]  }
0x2ef: {  	[sflag:s15] =	ssyncset.done $0x0  }
0x2f0: {  	[sflag:s15] =	ssyncadd.s32 $0xFFFFD900;
	s12 =	sshrl.u32 @!p1 s12, $0x3  }
0x2f1: {  	[hbm:s13], [sflag:s7] =	dma.local @!p1 [spmem:s12], $0x100  }
0x2f2: {  	s7 =	simm.s32 @!p1 $0x7  }
0x2f3: {  	_ =	swait.ge @!p1 [sflag:s7], $0x100  }
0x2f4: {  	s12 =	sld [smem:$0x7E8];
	_ =	sdelay $0x2  }
0x2f5: {  	s13 =	sadd.s32 $0x1, s12;
	s12 =	sld [smem:$0x7EE];
	_ =	sdelay $0x2  }
0x2f6: {  	p3 =	sne.s32 s13, s12  }
.Ltmp5:
0x2f7: {  	_ = 	snop;
	(pc) =	sbr.rel @p3 .LBB2_1-.Ltmp5, $3  }
0x2f8: {  	_ =	sdelay $0x1  }
0x2f9: {  	[sflag:s7] =	ssyncset.done @!p1 $0x0  }
0x2fa: {  	[sflag:s7] =	ssyncadd.s32 @!p1 $0xFFFFFF00  }
0x2fb: {  	_ =	sfence.sel $0x180000  }
0x2fc: {  	[bflag:$0x0] =	sbarrier.arrive $0xFFFF  }
0x2fd: {  	_ =	strace $0x9000004D  }
0x2fe: {  	s0 =	stileid.u32;
	[bflag:$0x2] =	sbarrier.arrive $0xFFFF  }
0x2ff: {  	p0 =	sne.s32 s0, $0x0;
	s0 =	rddreg [dreg:$0x3]  }
0x300: {  	s0 =	sadd.s32 @!p0 $0x100000, s0  }
0x301: {  	[sflag:s0] =	ssyncadd.tile.s32 @!p0 $0x1;
	_ =	shalt  }
.Lfunc_end2:
_tile_overlayer_lowered:
.L_overlay_start_2:
0x302: {  	(tag) =	ssettag $0x2  }
0x303: {  	s0 =	rddreg [dreg:$0x0];
	s2 =	stileid.u32  }
0x304: {  	s1 =	rddreg [dreg:$0x1];
	p0 =	sne.s32 s2, $0x0  }
0x305: {  	s3 =	rddreg [dreg:$0x2];
	[bflag:$0x3] =	sbarrier.arrive $0xFFFF;
	s2 =	simm.s32 @!p0 $0x1C07  }
0x306: {  	[timem:s3], [sflag:s2] =	dma.local @!p0 [hbm:s0], s1  }
0x307: {  	s0 =	simm.s32 @!p0 $0x7  }
0x308: {  	_ =	swait.ge @!p0 [sflag:s0], s1  }
0x309: {  	s1 =	ssub.s32 @!p0 $0x0, s1;
	[sflag:s0] =	ssyncset.done @!p0 $0x0  }
0x30a: {  	[sflag:s0] =	ssyncadd.s32 @!p0 s1  }
0x30b: {  	[bflag:$0x3] =	sbarrier.arrive $0xFFFF  }
0x30c: {  	_ =	shalt  }

// kernel: kernel.8.cloned.1.call-start
scs
__scs_entry_jumppad:
0x0: {  	(pc) =	sbr.rel $0x88, $3  }
0x1: {  	(tag) =	ssettag $0x0;
	lr =	simm.s32 $0x1  }
0x2: {  	[smem:$0x3F9B] =	sst lr;
	_ =	strace $0xD0000000  }
0x3: {  	_ = 	snop  }
0x4: {  	_ = 	snop  }
0x5: {  	_ = 	snop  }
0x6: {  	_ = 	snop  }
0x7: {  	_ = 	snop  }
__scs_overlays_trampoline_lowered:
0x8: {  	[smem:$0x3FAA] =	sst s0  }
0x9: {  	[smem:$0x3FAB] =	sst s1  }
0xa: {  	[smem:$0x3FAC] =	sst s2  }
0xb: {  	[smem:$0x3FAD] =	sst s3  }
0xc: {  	[smem:$0x3FAE] =	sst s4  }
0xd: {  	[smem:$0x3FAF] =	sst s5  }
0xe: {  	[smem:$0x3FB0] =	sst s6  }
0xf: {  	[smem:$0x3FB1] =	sst s7  }
0x10: {  	[smem:$0x3FB2] =	sst s8  }
0x11: {  	[smem:$0x3FB3] =	sst s9;
	s0 =	simm.s32 @!p0 $0x0  }
0x12: {  	s1 =	sld [smem:$0x3F99];
	s0 =	simm.s32 @p0 $0x1  }
0x13: {  	[smem:$0x3FB4] =	sst s0;
	s0 =	simm.s32 @!p1 $0x0  }
0x14: {  	s2 =	sld [smem:$0x3F98];
	s0 =	simm.s32 @p1 $0x1  }
0x15: {  	[smem:$0x3FB5] =	sst s0;
	s0 =	simm.s32 @!p2 $0x0  }
0x16: {  	s3 =	sld [smem:$0x3FDB];
	s0 =	simm.s32 @p2 $0x1  }
0x17: {  	s4 =	simm.s32 $0x1BF5;
	[smem:$0x3FB7] =	sst s0  }
0x18: {  	s0 =	sld [smem:$0x3F9A];
	_ =	swait.ge [sflag:s4], $0x0  }
0x19: {  	s7 =	sld [smem:$0x3F9B]  }
0x1a: {  	s8 =	sadd.s32 $0xFFFFE003, lr  }
0x1b: {  	s9 =	sadd.s32 $0xFFFFFEF7, lr;
	s5 =	simm.s32 $0xFFFFFFFF;
	p2 =	slt.u32 s8, $0xFFFFF086  }
0x1c: {  	p1 =	slt.u32 s9, $0xF7A;
	s5 =	simm.s32 @!p2 $0x0  }
0x1d: {  	s5 =	simm.s32 @p1 $0x1;
	p0 =	seq.s32 s7, s2  }
0x1e: {  	s7 =	smul.u32 @!p0 $0xF7A, s2;
	p2 =	seq.s32 @!p0 s5, $0x0  }
0x1f: {  	s9 =	smul.u32 $0xF7A, s1;
	s8 =	simm.s32 @!p0 $0x1BF5;
	p2 =	por !p2, p0  }
0x20: {  	[sflag:s8] =	ssyncset.s32 @!p0 $0xFFFFF086;
	s6 =	sadd.s32 @!p0 s3, s7;
	s7 =	simm.s32 @!p0 $0x108  }
0x21: {  	s3 =	sadd.s32 s3, s9;
	s6 =	sadd.s32 @!p0 $0x88, s6;
	s7 =	simm.s32 @p2 $0x1082  }
0x22: {  	[simem:s7], [sflag:s8] =	dma.local @!p0 [hbm:s6], $0xF7A  }
0x23: {  	s9 =	sor.u32 $0xD0000000, s2;
	s6 =	simm.s32 $0x108;
	_ =	swait.ge @!p0 [sflag:s8], $0x0  }
0x24: {  	s3 =	sadd.s32 $0x88, s3;
	s6 =	simm.s32 @!p1 $0x1082;
	[sflag:s4] =	ssyncset.s32 $0xFFFFF086  }
0x25: {  	[simem:s6], [sflag:s4] =	dma.local [hbm:s3], $0xF7A  }
0x26: {  	[smem:$0x3F9B] =	sst s1;
	(tag) =	ssettag s2;
	_ =	strace s9  }
0x27: {  	s1 =	sld [smem:$0x3FAB]  }
0x28: {  	s2 =	sld [smem:$0x3FAC]  }
0x29: {  	s4 =	sld [smem:$0x3FAE]  }
0x2a: {  	p0 =	seq.s32 s5, $0x0;
	s5 =	sld [smem:$0x3FAF]  }
0x2b: {  	s6 =	sld [smem:$0x3FB0]  }
0x2c: {  	s7 =	sld [smem:$0x3FB1]  }
0x2d: {  	s3 =	simm.s32 $0x108;
	s8 =	sld [smem:$0x3FB2]  }
0x2e: {  	s3 =	simm.s32 @!p0 $0x1082;
	s9 =	sld [smem:$0x3FB3]  }
0x2f: {  	lr =	sadd.s32 s0, s3;
	s0 =	sld [smem:$0x3FAA]  }
0x30: {  	s3 =	sld [smem:$0x3FAD]  }
0x31: {  	[smem:$0x3FB6] =	sst s10  }
0x32: {  	s10 =	sld [smem:$0x3FB4];
	_ =	sdelay $0x3  }
0x33: {  	p0 =	seq.s32 s10, $0x1;
	s10 =	sld [smem:$0x3FB6];
	_ =	sdelay $0x3  }
0x34: {  	[smem:$0x3FB6] =	sst s10  }
0x35: {  	s10 =	sld [smem:$0x3FB5];
	_ =	sdelay $0x3  }
0x36: {  	p1 =	seq.s32 s10, $0x1;
	s10 =	sld [smem:$0x3FB6];
	_ =	sdelay $0x3  }
0x37: {  	[smem:$0x3FB6] =	sst s10  }
0x38: {  	s10 =	sld [smem:$0x3FB7]  }
0x39: {  	_ = 	snop;
	(pc) =	sbr.ind lr, $3  }
0x3a: {  	_ = 	snop  }
0x3b: {  	_ = 	snop  }
0x3c: {  	p2 =	seq.s32 s10, $0x1;
	s10 =	sld [smem:$0x3FB6]  }
0x3d: {  	_ =	shalt  }
0x3e: {  	_ =	shalt  }
0x3f: {  	_ =	shalt  }
0x40: {  	_ =	shalt  }
0x41: {  	_ =	shalt  }
0x42: {  	_ =	shalt  }
0x43: {  	_ =	shalt  }
0x44: {  	_ =	shalt  }
0x45: {  	_ =	shalt  }
0x46: {  	_ =	shalt  }
0x47: {  	_ =	shalt  }
0x48: {  	_ =	shalt  }
0x49: {  	_ =	shalt  }
0x4a: {  	_ =	shalt  }
0x4b: {  	_ =	shalt  }
0x4c: {  	_ =	shalt  }
0x4d: {  	_ =	shalt  }
0x4e: {  	_ =	shalt  }
0x4f: {  	_ =	shalt  }
0x50: {  	_ =	shalt  }
0x51: {  	_ =	shalt  }
0x52: {  	_ =	shalt  }
0x53: {  	_ =	shalt  }
0x54: {  	_ =	shalt  }
0x55: {  	_ =	shalt  }
0x56: {  	_ =	shalt  }
0x57: {  	_ =	shalt  }
0x58: {  	_ =	shalt  }
0x59: {  	_ =	shalt  }
0x5a: {  	_ =	shalt  }
0x5b: {  	_ =	shalt  }
0x5c: {  	_ =	shalt  }
0x5d: {  	_ =	shalt  }
0x5e: {  	_ =	shalt  }
0x5f: {  	_ =	shalt  }
0x60: {  	_ =	shalt  }
0x61: {  	_ =	shalt  }
0x62: {  	_ =	shalt  }
0x63: {  	_ =	shalt  }
0x64: {  	_ =	shalt  }
0x65: {  	_ =	shalt  }
0x66: {  	_ =	shalt  }
0x67: {  	_ =	shalt  }
0x68: {  	_ =	shalt  }
0x69: {  	_ =	shalt  }
0x6a: {  	_ =	shalt  }
0x6b: {  	_ =	shalt  }
0x6c: {  	_ =	shalt  }
0x6d: {  	_ =	shalt  }
0x6e: {  	_ =	shalt  }
0x6f: {  	_ =	shalt  }
0x70: {  	_ =	shalt  }
0x71: {  	_ =	shalt  }
0x72: {  	_ =	shalt  }
0x73: {  	_ =	shalt  }
0x74: {  	_ =	shalt  }
0x75: {  	_ =	shalt  }
0x76: {  	_ =	shalt  }
0x77: {  	_ =	shalt  }
0x78: {  	_ =	shalt  }
0x79: {  	_ =	shalt  }
0x7a: {  	_ =	shalt  }
0x7b: {  	_ =	shalt  }
0x7c: {  	_ =	shalt  }
0x7d: {  	_ =	shalt  }
0x7e: {  	_ =	shalt  }
0x7f: {  	_ =	shalt  }
0x80: {  	_ =	shalt  }
0x81: {  	_ =	shalt  }
0x82: {  	_ =	shalt  }
0x83: {  	_ =	shalt  }
0x84: {  	_ =	shalt  }
0x85: {  	_ =	shalt  }
0x86: {  	_ =	shalt  }
0x87: {  	_ =	shalt  }
.Lfunc_end0:
.L_simem_size_0:
called_computation_lowered:
.L_overlay_start_0:
0x88: {  	s2 =	sld [smem:$0x3FD9]  }
0x89: {  	s3 =	sld [smem:$0x3FFE];
	_ =	sdelay $0x1  }
0x8a: {  	s1 =	srdreg.scid  }
0x8b: {  	s0 =	sand.u32 $0x1, s1  }
0x8c: {  	s16 =	sshll.u32 s0, $0xA;
	s2 =	sadd.s32 s3, s2  }
0x8d: {  	s2 =	sadd.s32 s2, s16  }
0x8e: {  	[smem:$0x3FC2] =	sst s2  }
0x8f: {  	_ = 	snop  }
0x90: {  	(tm) =	ssettm $0x1  }
0x91: {  	s17 =	sld [smem:$0x3FFB];
	_ =	sdelay $0x3  }
0x92: {  	_ =	strace s17  }
0x93: {  	s2 =	sld [smem:$0x3FFC];
	_ =	sdelay $0x3  }
0x94: {  	_ =	strace s2  }
0x95: {  	s2 =	sld [smem:$0x3FFD];
	_ =	sdelay $0x3  }
0x96: {  	_ =	strace s2  }
0x97: {  	_ =	strace $0x8FFFFFFF  }
0x98: {  	s18 =	sld [smem:$0x3FDB];
	_ =	sdelay $0x1  }
0x99: {  	s19 =	simm.s32 $_scs_section_size  }
0x9a: {  	s4 =	simm.s32 $_size__tile_overlayer_lowered;
	s5 =	simm.s32 $_tile_overlayer_lowered  }
0x9b: {  	s22 =	simm.s32 $0x1BFF;
	s21 =	sshll.u32 s5, $0x1;
	s2 =	sadd.s32 s19, s18  }
0x9c: {  	s6 =	simm.s32 $0x0;
	s20 =	sshll.u32 s4, $0x1;
	s4 =	sadd.s32 s21, s2  }
0x9d: {  	[timem:s6], [sflag:s22] =	dma.local [hbm:s4], s20  }
0x9e: {  	_ =	swait.ge [sflag:s22], s20  }
0x9f: {  	s3 =	ssub.s32 $0x0, s20;
	[sflag:s22] =	ssyncset.done $0x0  }
0xa0: {  	[sflag:s22] =	ssyncadd.s32 s3;
	_ =	sdelay $0x1  }
0xa1: {  	s23 =	simm.s32 $0x1B8B  }
0xa2: {  	_ =	swait.ge [sflag:s23], $0x1  }
0xa3: {  	[sflag:s23] =	ssyncset.done $0x0  }
0xa4: {  	s25 =	simm.s32 $0x1B8E;
	s24 =	sld [smem:$0x3FFE];
	[sflag:s23] =	ssyncadd.s32 $0xFFFFFFFF  }
0xa5: {  	s26 =	simm.s32 $execute0_lowered;
	[smem:$0x3FD2] =	sst s25  }
0xa6: {  	s4 =	sshll.u32 s26, $0x1;
	_ =	strace $0x80000046;
	[dreg:$0x1] =	wrdreg $0xFFFFFFFF  }
0xa7: {  	s28 =	simm.s32 $_size_execute0_lowered;
	s2 =	sadd.s32 s2, s4;
	[dreg:$0x0] =	wrdreg $0x0  }
0xa8: {  	s4 =	sshll.u32 s28, $0x1;
	[dreg:$0x2] =	wrdreg s2  }
0xa9: {  	[dreg:$0x3] =	wrdreg s4  }
0xaa: {  	[dreg:$0x4] =	wrdreg $0xC0  }
0xab: {  	_ =	task [dreg:s6], $0x5FFFF  }
0xac: {  	[dreg:$0x1] =	wrdreg $0xFFFFFFFF  }
0xad: {  	[dreg:$0x0] =	wrdreg $0x60  }
0xae: {  	[dreg:$0x2] =	wrdreg s24  }
0xaf: {  	[dreg:$0x3] =	wrdreg $0x10800  }
0xb0: {  	[dreg:$0x4] =	wrdreg $0x9  }
0xb1: {  	_ =	task.clear_ibuf [dreg:s6], $0x5FFFF;
	_ =	strace $0x90000046  }
0xb2: {  	s29 =	simm.s32 $0x9;
	_ =	strace $0x80000048  }
0xb3: {  	_ =	swait.ge [sflag:s29], $0x1  }
0xb4: {  	[sflag:s29] =	ssyncadd.s32 $0xFFFFFFFF  }
0xb5: {  	_ =	strace $0x90000048  }
0xb6: {  	_ =	sfence  }
0xb7: {  	s30 =	sld [smem:$0x0];
	_ =	sdelay $0x2  }
0xb8: {  	s31 =	sshll.u32 s1, $0xD;
	s1 =	sshrl.u32 s1, $0x2  }
0xb9: {  	s3 =	sand.u32 $0x4000, s31;
	s1 =	sadd.s32 s1, s30  }
0xba: {  	s0 =	sor.u32 s3, s0;
	s1 =	sshll.u32 s1, $0x11  }
0xbb: {  	s0 =	sor.u32 s1, s0  }
0xbc: {  	s0 =	sadd.s32 $0x8F2B, s0  }
0xbd: {  	[sflag:s0] =	ssyncadd.remote.s32 $0x1  }
0xbe: {  	_ =	sfence.sel $0xFFFF  }
0xbf: {  	[dreg:$0x0] =	wrdreg $0xFFFFFFFF;
	(pc) =	sbr.abs _section_cstart, $3  }
0xc0: {  	[dreg:$0x1] =	wrdreg $0xFFFFFFFF  }
0xc1: {  	_ =	task.clear_ibuf [dreg:s6], $0x2FFFF;
	_ =	strace $0x9FFFFFFF  }
0xc2: {  	(tm) =	ssettm $0x7FFFFFFF  }
0xc3: {  	_ =	shalt  }
tec
execute0_lowered:
.L_overlay_start_1:
0x0: {  	(tag) =	ssettag $0x1  }
0x1: {  	s5 =	rddreg [dreg:$0x0]  }
0x2: {  	s2 =	rddreg [dreg:$0x1]  }
0x3: {  	s0 =	rddreg [dreg:$0x2]  }
0x4: {  	s1 =	stileid.u32;
	s4 =	srdreg.scid;
	s3 =	simm.s32 $0x0  }
0x5: {  	s14 =	simm.s32 $0x1;
	s15 =	simm.s32 $0x1000;
	s16 =	simm.s32 $0x64  }
0x6: {  	s17 =	simm.s32 $0x0;
	s6 =	smul.u32 $0x280, s1;
	s7 =	sand.u32 $0x1, s4  }
0x7: {  	[smem:$0x7FF] =	sst s3;
	s28 =	sshll.u32 s1, $0xB;
	s4 =	sadd.s32 $0x12200, s5  }
0x8: {  	s31 =	sshll.u32 s1, $0x6;
	s8 =	smul.u32 $0x2800, s7;
	_ =	strace $0x80000047  }
0x9: {  	s9 =	sadd.s32 s28, s5;
	s11 =	ssub.s32 $0x2, s7;
	s30 =	sshll.u32 s7, $0xF  }
0xa: {  	s10 =	sshrl.u32 s6, $0x3;
	s29 =	sshrl.u32 s11, $0x1;
	s13 =	sadd.s32 s6, s2  }
0xb: {  	s12 =	sadd.s32 s30, s9;
	s8 =	sadd.s32 s6, s8;
	s10 =	sadd.s32 s10, s5  }
0xc: {  	s11 =	ssub.s32 s11, s29;
	s6 =	sor.u32 $0x1C01, s31;
	s7 =	sadd.s32 $0x1C00, s12  }
0xd: {  	s13 =	sshrl.u32 s13, $0x3;
	s8 =	sshrl.u32 s8, $0x3;
	s9 =	smax.u32 s11, $0x1  }
0xe: {  	s11 =	sadd.s32 $0x2000, s12;
	s8 =	sadd.s32 s8, s5;
	s5 =	sadd.s32 $0x11C00, s10  }
0xf: {  	s10 =	sadd.s32 $0x1E00, s12;
	s12 =	sadd.s32 $0x2200, s12;
	s8 =	sadd.s32 $0x12400, s8  }
.LBB2_1:
0x10: {  	[spmem:s13], [sflag:s6] =	dma.local [hbm:s5], $0x50  }
0x11: {  	_ =	swait.ge [sflag:s14], $0x50  }
0x12: {  	[sflag:s14] =	ssyncset.done $0x0  }
0x13: {  	[sflag:s14] =	ssyncadd.s32 $0xFFFFFFB0  }
0x14: {  	[tilespmem:s15], [sflag:$0x1] =	stream.linear.gather [hbm4b:s4+s3], $0x80, $0x38;
	[tilespmem:$0x1300] =	vst v63  }
0x15: {  	_ =	swait.ge [sflag:s14], $0x80  }
0x16: {  	[sflag:s14] =	ssyncset.done $0x0  }
0x17: {  	[sflag:s14] =	ssyncadd.s32 $0xFFFFFF80  }
0x18: {  	[bflag:$0x0] =	sbarrier.arrive $0xFFFF  }
0x19: {  	[tilespmem:s3], [sflag:$0x1] =	stream.linear.gather [hbm4b:s7+s3], $0xC80, $0x38;
	[tilespmem:$0x1300] =	vst v63  }
0x1a: {  	_ =	swait.ge [sflag:s14], $0xC80  }
0x1b: {  	[sflag:s14] =	ssyncset.done $0x0  }
0x1c: {  	s18 =	simm.s32 $0x0;
	[sflag:s14] =	ssyncadd.s32 $0xFFFFF380  }
0x1d: {  	[spmem:s2] =	stream.indirect.scatter.add.f32 [tilespmem:s15], [sflag:$0x1], $0x1, s18, s16, $0xb8;
	[tilespmem:$0x1300] =	vst v63  }
0x1e: {  	_ =	swait.ge [sflag:s14], $0x64  }
0x1f: {  	s18 =	simm.s32 $0x200;
	[sflag:s14] =	ssyncset.done $0x0  }
.LBB2_2:
0x20: {  	s19 =	sshra.s32 s18, $0x2;
	[sflag:s14] =	ssyncadd.s32 $0xFFFFFF9C;
	p0 =	sne.s32 s18, $0x3000  }
0x21: {  	[spmem:s2] =	stream.indirect.scatter.add.f32 [tilespmem:s15], [sflag:$0x1], $0x1, s19, s16, $0xb8;
	[tilespmem:$0x1300] =	vst v63  }
.Ltmp0:
0x22: {  	_ = 	snop;
	(pc) =	sbr.rel @p0 .LBB2_2-.Ltmp0, $4  }
0x23: {  	_ = 	snop  }
0x24: {  	s18 =	sadd.s32 $0x200, s18  }
0x25: {  	_ =	swait.ge [sflag:s14], $0x64  }
0x26: {  	[sflag:s14] =	ssyncset.done $0x0  }
0x27: {  	[sflag:s14] =	ssyncadd.s32 $0xFFFFFF9C;
	s18 =	simm.s32 $0x0  }
0x28: {  	[tilespmem:s18], [sflag:$0x1] =	stream.linear.gather [hbm4b:s10+s18], $0xC80, $0x38;
	[tilespmem:$0x1300] =	vst v63  }
0x29: {  	_ =	swait.ge [sflag:s14], $0xC80  }
0x2a: {  	[sflag:s14] =	ssyncset.done $0x0  }
0x2b: {  	s31 =	simm.s32 $0x0;
	[sflag:s14] =	ssyncadd.s32 $0xFFFFF380  }
0x2c: {  	[spmem:s2] =	stream.indirect.scatter.add.f32 [tilespmem:s15], [sflag:$0x1], $0x1, s31, s16, $0xb8;
	[tilespmem:$0x1300] =	vst v63  }
0x2d: {  	_ =	swait.ge [sflag:s14], $0x64  }
0x2e: {  	s18 =	simm.s32 $0x200;
	[sflag:s14] =	ssyncset.done $0x0  }
.LBB2_4:
0x2f: {  	s19 =	sshra.s32 s18, $0x2;
	[sflag:s14] =	ssyncadd.s32 $0xFFFFFF9C;
	p0 =	sne.s32 s18, $0x3000  }
0x30: {  	[spmem:s2] =	stream.indirect.scatter.add.f32 [tilespmem:s15], [sflag:$0x1], $0x1, s19, s16, $0xb8;
	[tilespmem:$0x1300] =	vst v63  }
.Ltmp1:
0x31: {  	_ = 	snop;
	(pc) =	sbr.rel @p0 .LBB2_4-.Ltmp1, $4  }
0x32: {  	_ = 	snop  }
0x33: {  	s18 =	sadd.s32 $0x200, s18  }
0x34: {  	_ =	swait.ge [sflag:s14], $0x64  }
0x35: {  	[sflag:s14] =	ssyncset.done $0x0  }
0x36: {  	[sflag:s14] =	ssyncadd.s32 $0xFFFFFF9C;
	s18 =	simm.s32 $0x0  }
0x37: {  	[tilespmem:s18], [sflag:$0x1] =	stream.linear.gather [hbm4b:s11+s18], $0xC80, $0x38;
	[tilespmem:$0x1300] =	vst v63  }
0x38: {  	_ =	swait.ge [sflag:s14], $0xC80  }
0x39: {  	[sflag:s14] =	ssyncset.done $0x0  }
0x3a: {  	s31 =	simm.s32 $0x0;
	[sflag:s14] =	ssyncadd.s32 $0xFFFFF380  }
0x3b: {  	[spmem:s2] =	stream.indirect.scatter.add.f32 [tilespmem:s15], [sflag:$0x1], $0x1, s31, s16, $0xb8;
	[tilespmem:$0x1300] =	vst v63  }
0x3c: {  	_ =	swait.ge [sflag:s14], $0x64  }
0x3d: {  	s18 =	simm.s32 $0x200;
	[sflag:s14] =	ssyncset.done $0x0  }
.LBB2_6:
0x3e: {  	s19 =	sshra.s32 s18, $0x2;
	[sflag:s14] =	ssyncadd.s32 $0xFFFFFF9C;
	p0 =	sne.s32 s18, $0x3000  }
0x3f: {  	[spmem:s2] =	stream.indirect.scatter.add.f32 [tilespmem:s15], [sflag:$0x1], $0x1, s19, s16, $0xb8;
	[tilespmem:$0x1300] =	vst v63  }
.Ltmp2:
0x40: {  	_ = 	snop;
	(pc) =	sbr.rel @p0 .LBB2_6-.Ltmp2, $4  }
0x41: {  	_ = 	snop  }
0x42: {  	s18 =	sadd.s32 $0x200, s18  }
0x43: {  	_ =	swait.ge [sflag:s14], $0x64  }
0x44: {  	[sflag:s14] =	ssyncset.done $0x0  }
0x45: {  	[sflag:s14] =	ssyncadd.s32 $0xFFFFFF9C;
	s18 =	simm.s32 $0x0  }
0x46: {  	[tilespmem:s18], [sflag:$0x1] =	stream.linear.gather [hbm4b:s12+s18], $0xC80, $0x38;
	[tilespmem:$0x1300] =	vst v63  }
0x47: {  	_ =	swait.ge [sflag:s14], $0xC80  }
0x48: {  	[sflag:s14] =	ssyncset.done $0x0  }
0x49: {  	s31 =	simm.s32 $0x0;
	[sflag:s14] =	ssyncadd.s32 $0xFFFFF380  }
0x4a: {  	[spmem:s2] =	stream.indirect.scatter.add.f32 [tilespmem:s15], [sflag:$0x1], $0x1, s31, s16, $0xb8;
	[tilespmem:$0x1300] =	vst v63  }
0x4b: {  	_ =	swait.ge [sflag:s14], $0x64  }
0x4c: {  	s18 =	simm.s32 $0x200;
	[sflag:s14] =	ssyncset.done $0x0  }
.LBB2_8:
0x4d: {  	s19 =	sshra.s32 s18, $0x2;
	[sflag:s14] =	ssyncadd.s32 $0xFFFFFF9C;
	p0 =	sne.s32 s18, $0x3000  }
0x4e: {  	[spmem:s2] =	stream.indirect.scatter.add.f32 [tilespmem:s15], [sflag:$0x1], $0x1, s19, s16, $0xb8;
	[tilespmem:$0x1300] =	vst v63  }
.Ltmp3:
0x4f: {  	_ = 	snop;
	(pc) =	sbr.rel @p0 .LBB2_8-.Ltmp3, $4  }
0x50: {  	_ = 	snop  }
0x51: {  	s18 =	sadd.s32 $0x200, s18  }
0x52: {  	_ =	swait.ge [sflag:s14], $0x64  }
0x53: {  	[sflag:s14] =	ssyncset.done $0x0  }
0x54: {  	s17 =	sadd.s32 $0x1, s17  }
0x55: {  	[sflag:s14] =	ssyncadd.s32 $0xFFFFFF9C;
	p0 =	sne.s32 s17, s9  }
.Ltmp4:
0x56: {  	[bflag:$0x0] =	sbarrier.arrive $0xFFFF;
	(pc) =	sbr.rel @p0 .LBB2_1-.Ltmp4, $4  }
0x57: {  	[hbm:s8], [sflag:s6] =	dma.local [spmem:s13], $0x50  }
0x58: {  	_ =	swait.ge [sflag:s14], $0x50  }
0x59: {  	[sflag:s14] =	ssyncset.done $0x0  }
0x5a: {  	[sflag:s14] =	ssyncadd.s32 $0xFFFFFFB0  }
0x5b: {  	_ =	sfence.sel $0x180000  }
0x5c: {  	[bflag:$0x0] =	sbarrier.arrive $0xFFFF  }
0x5d: {  	p0 =	sne.s32 s1, $0x0;
	_ =	strace $0x90000047  }
0x5e: {  	s0 =	sadd.s32 @!p0 $0x100000, s0;
	[bflag:$0x2] =	sbarrier.arrive $0xFFFF  }
0x5f: {  	[sflag:s0] =	ssyncadd.tile.s32 @!p0 $0x1;
	_ =	shalt  }
.Lfunc_end2:
_tile_overlayer_lowered:
.L_overlay_start_2:
0x60: {  	(tag) =	ssettag $0x2  }
0x61: {  	s0 =	rddreg [dreg:$0x0];
	s2 =	stileid.u32  }
0x62: {  	s1 =	rddreg [dreg:$0x1];
	p0 =	sne.s32 s2, $0x0  }
0x63: {  	s3 =	rddreg [dreg:$0x2];
	[bflag:$0x3] =	sbarrier.arrive $0xFFFF;
	s2 =	simm.s32 @!p0 $0x1C01  }
0x64: {  	[timem:s3], [sflag:s2] =	dma.local @!p0 [hbm:s0], s1  }
0x65: {  	s0 =	simm.s32 @!p0 $0x1  }
0x66: {  	_ =	swait.ge @!p0 [sflag:s0], s1  }
0x67: {  	s1 =	ssub.s32 @!p0 $0x0, s1;
	[sflag:s0] =	ssyncset.done @!p0 $0x0  }
0x68: {  	[sflag:s0] =	ssyncadd.s32 @!p0 s1  }
0x69: {  	[bflag:$0x3] =	sbarrier.arrive $0xFFFF  }
0x6a: {  	_ =	shalt  }

</sc_bundles>
